<compile_context>
chip_gen: v7x
topology: tpu7x:2x2x1
jax: 0.10.2.dev20260603
libtpu: 0.0.44.dev20260713+nightly
codegen_flags: <defaults>
</compile_context>

<pallas_src>
import functools

import jax
import jax.numpy as jnp
import numpy as np
from jax import lax
from jax.experimental import pallas as pl
from jax.experimental.pallas import tpu as pltpu

_pcall = pl.pallas_call
_PHI = lax.Precision.DEFAULT

F32 = jnp.float32


def _sc_gather_impl(table, idx):
    from jax.experimental.pallas import tpu_sc as plsc

    info = plsc.get_sparse_core_info()
    nc, ns = info.num_cores, info.num_subcores
    nw = nc * ns
    b = idx.shape[0]
    d = table.shape[1]
    bpw = b // nw
    mesh = plsc.VectorSubcoreMesh(core_axis_name="c", subcore_axis_name="s")

    @functools.partial(
        pl.kernel,
        mesh=mesh,
        compiler_params=pltpu.CompilerParams(use_tc_tiling_on_sc=False),
        out_type=jax.ShapeDtypeStruct((b, d), F32),
        scratch_types=[
            pltpu.VMEM((bpw,), jnp.int32),
            pltpu.VMEM((bpw, d), F32),
            pltpu.SemaphoreType.DMA,
        ],
    )
    def gk(table_hbm, idx_hbm, out_hbm, idx_v, rows_v, sem):
        wid = lax.axis_index("s") * nc + lax.axis_index("c")
        base = wid * bpw
        pltpu.sync_copy(idx_hbm.at[pl.ds(base, bpw)], idx_v)
        pltpu.async_copy(table_hbm.at[idx_v], rows_v, sem).wait()
        pltpu.sync_copy(rows_v, out_hbm.at[pl.ds(base, bpw)])

    return gk(table, idx)


def _qsel_kernel(x_ref, k_ref, o_ref):
    x = x_ref[...]
    k = k_ref[...]
    s = [x[:, 300 * q : 300 * q + 300] for q in range(4)]
    o_ref[...] = jnp.where(
        k == 0, s[0], jnp.where(k == 1, s[1], jnp.where(k == 2, s[2], s[3]))
    )


def _qsel_call(rows4, kvec):
    n = rows4.shape[0]
    blk = 256
    return _pcall(
        _qsel_kernel,
        grid=(n // blk,),
        in_specs=[
            pl.BlockSpec((blk, 1200), lambda i: (i, 0)),
            pl.BlockSpec((blk, 1), lambda i: (i, 0)),
        ],
        out_specs=pl.BlockSpec((blk, 300), lambda i: (i, 0)),
        out_shape=jax.ShapeDtypeStruct((n, 300), F32),
    )(rows4, kvec)


def _char_kernel(ids_ref, t_ref, w_ref, b_ref, o_ref):
    n = ids_ref.shape[0]
    m = jnp.dot(t_ref[...], w_ref[...], preferred_element_type=F32, precision=_PHI)
    ids = ids_ref[...]
    iot = lax.broadcasted_iota(jnp.int32, (n, 128), 1)
    zs = []
    for c in range(14):
        oh = (ids[:, c : c + 1] == iot).astype(F32)
        zs.append(jnp.dot(oh, m, preferred_element_type=F32, precision=_PHI))
    best = None
    for pos in range(10):
        y = zs[pos][:, 0:128]
        for k in range(1, 5):
            y = y + zs[pos + k][:, 128 * k : 128 * k + 128]
        best = y if best is None else jnp.maximum(best, y)
    o_ref[...] = best[:, :77] + b_ref[...]


def _char_call(cids, ctable, w2p, cbias):
    nw = cids.shape[0]
    blk = 256
    return _pcall(
        _char_kernel,
        grid=(nw // blk,),
        in_specs=[
            pl.BlockSpec((blk, 14), lambda i: (i, 0)),
            pl.BlockSpec((128, 30), lambda i: (0, 0)),
            pl.BlockSpec((30, 640), lambda i: (0, 0)),
            pl.BlockSpec((1, 77), lambda i: (0, 0)),
        ],
        out_specs=pl.BlockSpec((blk, 77), lambda i: (i, 0)),
        out_shape=jax.ShapeDtypeStruct((nw, 77), F32),
    )(cids, ctable, w2p, cbias)


def _enc_kernel(emb_ref, ws_ref, bs_ref, wi_ref, o_ref):
    P = emb_ref[0]
    wa = wi_ref[0, 0:1, :]
    wb = wi_ref[0, 1:2, :]
    wc = wi_ref[0, 2:3, :]
    pa = jnp.sum(P * wa, axis=1, keepdims=True)
    dn = (((1,), (1,)), ((), ()))
    pbt = lax.dot_general(wb, P, dn, preferred_element_type=F32, precision=_PHI)
    cc = lax.dot_general(P * wc, P, dn, preferred_element_type=F32, precision=_PHI)
    a = pa + pbt + cc
    a = a - jnp.max(a, axis=1, keepdims=True)
    e = jnp.exp(a)
    att = e / jnp.sum(e, axis=1, keepdims=True)
    itr = jnp.dot(att, P, preferred_element_type=F32, precision=_PHI)
    cat = jnp.concatenate([P, itr], axis=1)
    ws = ws_ref[0]
    z = jnp.tanh(jnp.dot(cat, ws[0:854], preferred_element_type=F32, precision=_PHI) + bs_ref[0, 0:1, :])
    r = jax.nn.sigmoid(jnp.dot(cat, ws[854:1708], preferred_element_type=F32, precision=_PHI) + bs_ref[0, 1:2, :])
    f = jax.nn.sigmoid(jnp.dot(cat, ws[1708:2562], preferred_element_type=F32, precision=_PHI) + bs_ref[0, 2:3, :])
    o_ref[0] = r * P + f * z


def _enc_call(emb, ws, bs, wi):
    return _pcall(
        _enc_kernel,
        grid=(32,),
        in_specs=[
            pl.BlockSpec((1, 48, 427), lambda i: (i, 0, 0)),
            pl.BlockSpec((1, 2562, 427), lambda i: (i // 16, 0, 0)),
            pl.BlockSpec((1, 3, 427), lambda i: (i // 16, 0, 0)),
            pl.BlockSpec((1, 3, 427), lambda i: (i // 16, 0, 0)),
        ],
        out_specs=pl.BlockSpec((1, 48, 427), lambda i: (i, 0, 0)),
        out_shape=jax.ShapeDtypeStruct((32, 48, 427), F32),
    )(emb, ws, bs, wi)


def _inter_kernel(p_ref, h_ref, w_ref, b_ref, o_ref):
    p = p_ref[0]
    h = h_ref[0]
    p3 = jnp.broadcast_to(p[:, None, :], (48, 48, 427)).reshape(2304, 427)
    h3 = jnp.broadcast_to(h[None, :, :], (48, 48, 427)).reshape(2304, 427)
    inter = p3 * h3
    o_ref[0] = jnp.dot(inter, w_ref[...], preferred_element_type=F32, precision=_PHI) + b_ref[...]


def _inter_call(penc, henc, w, b):
    return _pcall(
        _inter_kernel,
        grid=(16,),
        in_specs=[
            pl.BlockSpec((1, 48, 427), lambda i: (i, 0, 0)),
            pl.BlockSpec((1, 48, 427), lambda i: (i, 0, 0)),
            pl.BlockSpec((427, 128), lambda i: (0, 0)),
            pl.BlockSpec((1, 128), lambda i: (0, 0)),
        ],
        out_specs=pl.BlockSpec((1, 2304, 128), lambda i: (i, 0, 0)),
        out_shape=jax.ShapeDtypeStruct((16, 2304, 128), F32),
    )(penc, henc, w, b)


def _sel_np(g):
    h = g // 2
    s = np.zeros((h * h, g * g), np.float32)
    r = np.arange(h * h)
    s[r, (2 * (r // h)) * g + 2 * (r % h)] = 1.0
    return s


_SEL = {g: _sel_np(g) for g in (48, 24, 12)}


def _block_kernel(x_ref, wc_ref, wt_ref, s_ref, o_ref, x_s, *, g, c0):
    gg = g * g
    x_s[:, :c0] = x_ref[0]
    jm = lax.broadcasted_iota(jnp.int32, (gg, 20), 0) % g
    mask_l = jm >= 1
    mask_r = jm <= g - 2
    zpad = jnp.zeros((g + 1, 180), F32)
    c = c0
    off = 0
    for _l in range(8):
        xv = x_s[:, :c].astype(jnp.bfloat16)
        z = jnp.dot(xv, wc_ref[off : off + c, :].astype(jnp.bfloat16),
                    preferred_element_type=F32)
        zp = jnp.concatenate([zpad, z, zpad], axis=0)
        acc = jnp.zeros((gg, 20), F32)
        t = 0
        for a in (0, 1, 2):
            for b in (0, 1, 2):
                sh = (a - 1) * g + (b - 1)
                sl = zp[(g + 1) + sh : (g + 1) + sh + gg, 20 * t : 20 * t + 20]
                if b == 0:
                    sl = jnp.where(mask_l, sl, 0.0)
                elif b == 2:
                    sl = jnp.where(mask_r, sl, 0.0)
                acc = acc + sl
                t += 1
        x_s[:, c : c + 20] = jnp.maximum(acc, 0.0)
        off += c
        c += 20
    tr = jnp.maximum(
        jnp.dot(x_s[...].astype(jnp.bfloat16), wt_ref[...].astype(jnp.bfloat16),
                preferred_element_type=F32), 0.0)
    co = tr.shape[1]
    sh1 = jnp.concatenate([tr[1:], jnp.zeros((1, co), F32)], axis=0)
    m1 = jnp.maximum(tr, sh1)
    shg = jnp.concatenate([m1[g:], jnp.zeros((g, co), F32)], axis=0)
    m2 = jnp.maximum(m1, shg)
    o_ref[0] = jnp.dot(s_ref[...], m2, preferred_element_type=F32, precision=_PHI)


def _block_call(x, dn, b, g, c0):
    gg = g * g
    cfin = c0 + 160
    co = cfin // 2
    wcat = jnp.concatenate(
        [
            jnp.transpose(dn["b%d_l%d" % (b, l)], (2, 0, 1, 3)).reshape(c0 + 20 * l, 180)
            for l in range(8)
        ],
        axis=0,
    )
    sumc = wcat.shape[0]
    wt = dn["t%d" % b].reshape(cfin, co)
    sel = jnp.asarray(_SEL[g])
    return _pcall(
        functools.partial(_block_kernel, g=g, c0=c0),
        grid=(16,),
        in_specs=[
            pl.BlockSpec((1, gg, c0), lambda i: (i, 0, 0)),
            pl.BlockSpec((sumc, 180), lambda i: (0, 0)),
            pl.BlockSpec((cfin, co), lambda i: (0, 0)),
            pl.BlockSpec((gg // 4, gg), lambda i: (0, 0)),
        ],
        out_specs=pl.BlockSpec((1, gg // 4, co), lambda i: (i, 0, 0)),
        out_shape=jax.ShapeDtypeStruct((16, gg // 4, co), F32),
        scratch_shapes=[pltpu.VMEM((gg, cfin), F32)],
    )(x, wcat, wt, sel)


def _final_kernel(x_ref, w_ref, b_ref, o_ref):
    logits = jnp.dot(x_ref[...], w_ref[...], preferred_element_type=F32, precision=_PHI) + b_ref[...]
    logits = logits - jnp.max(logits, axis=1, keepdims=True)
    e = jnp.exp(logits)
    o_ref[...] = e / jnp.sum(e, axis=1, keepdims=True)


def _final_call(x, w, b):
    k = x.shape[1]
    return _pcall(
        _final_kernel,
        grid=(1,),
        in_specs=[
            pl.BlockSpec((16, k), lambda i: (0, 0)),
            pl.BlockSpec((k, 3), lambda i: (0, 0)),
            pl.BlockSpec((1, 3), lambda i: (0, 0)),
        ],
        out_specs=pl.BlockSpec((16, 3), lambda i: (0, 0)),
        out_shape=jax.ShapeDtypeStruct((16, 3), F32),
    )(x, w, b)


def kernel(prem_word, prem_char, prem_syn, hyp_word, hyp_char, hyp_syn, params):
    p = params
    idx = jnp.concatenate(
        [prem_word.reshape(-1), hyp_word.reshape(-1)]
    ).astype(jnp.int32)
    table4 = p["word_table"].reshape(10000, 1200)
    rows4 = _sc_gather_impl(table4, idx // 4)
    wemb = _qsel_call(rows4, (idx % 4).reshape(-1, 1))

    cids = jnp.concatenate(
        [prem_char.reshape(-1, 14), hyp_char.reshape(-1, 14)]
    ).astype(jnp.int32)
    wtr = jnp.transpose(p["char_conv_w"], (1, 0, 2))
    w2p = jnp.pad(wtr, ((0, 0), (0, 0), (0, 51))).reshape(30, 640)
    chf = _char_call(cids, p["char_table"], w2p, p["char_conv_b"].reshape(1, 77))

    syn = jnp.concatenate(
        [prem_syn.reshape(-1, 50), hyp_syn.reshape(-1, 50)]
    ).astype(F32)
    emb = jnp.concatenate([wemb, chf, syn], axis=1).reshape(32, 48, 427)

    encs = (p["enc_p"], p["enc_h"])
    ws = jnp.stack([jnp.concatenate([e["W1"], e["W2"], e["W3"]], axis=0) for e in encs])
    bs = jnp.stack([jnp.stack([e["b1"], e["b2"], e["b3"]]) for e in encs])
    wi = jnp.stack([e["w_itr"].reshape(3, 427) for e in encs])
    enc = _enc_call(emb, ws, bs, wi)

    x = _inter_call(
        enc[:16], enc[16:], p["fsd_w"].reshape(427, 128), p["fsd_b"].reshape(1, 128)
    )

    dn = p["densenet"]
    x = _block_call(x, dn, 0, 48, 128)
    x = _block_call(x, dn, 1, 24, 144)
    x = _block_call(x, dn, 2, 12, 152)

    xf = x.reshape(16, 36 * 156)
    return _final_call(xf, p["out_w"], p["out_b"].reshape(1, 3))

# --- scband reference (transcript-rebuilt; emitter-appended) ---
"""Pipeline reference for scband-diin-71717363908907 (READ-ONLY COPY).

The authoritative reference and input builder live on the scoring server;
editing this copy changes nothing except your own understanding.
"""

import jax, jax.numpy as jnp
import numpy as np

BATCH = 16
P_LEN = 48
H_LEN = 48
VOCAB = 40000
EMB = 300
CHAR_VOCAB = 128
CHAR_EMB = 30
CHARS_PER_WORD = 14
CHAR_FILTERS = 77
CHAR_KERNEL = 5
SYN = 50
D = EMB + CHAR_FILTERS + SYN  # 427
FSD = int(D * 0.3)  # 128
TSDR = 0.5
GR = 20
N_LAYERS = 8
NB_BLOCKS = 3
NB_LABELS = 3


def _normal(key, shape, scale=0.05):
    return jax.random.normal(key, shape, dtype=jnp.float32) * scale


def _enc_params(key):
    ks = jax.random.split(key, 4)
    return {
        'w_itr': _normal(ks[0], (3 * D,)),
        'W1': _normal(ks[1], (2 * D, D)), 'b1': jnp.zeros((D,), jnp.float32),
        'W2': _normal(ks[2], (2 * D, D)), 'b2': jnp.zeros((D,), jnp.float32),
        'W3': _normal(ks[3], (2 * D, D)), 'b3': jnp.zeros((D,), jnp.float32),
    }


def _make_params(key):
    ks = jax.random.split(key, 8)
    p = {
        'word_table': _normal(ks[0], (VOCAB, EMB), 0.1),
        'char_table': _normal(ks[1], (CHAR_VOCAB, CHAR_EMB), 0.1),
        'char_conv_w': _normal(ks[2], (CHAR_KERNEL, CHAR_EMB, CHAR_FILTERS)),
        'char_conv_b': jnp.zeros((CHAR_FILTERS,), jnp.float32),
        'enc_p': _enc_params(ks[3]),
        'enc_h': _enc_params(ks[4]),
        'fsd_w': _normal(ks[5], (1, 1, D, FSD)),
        'fsd_b': jnp.zeros((FSD,), jnp.float32),
    }
    dk = ks[6]
    c = FSD
    dn = {}
    for b in range(NB_BLOCKS):
        for l in range(N_LAYERS):
            dk, k = jax.random.split(dk)
            dn['b%d_l%d' % (b, l)] = _normal(k, (3, 3, c, GR))
            c += GR
        dk, k = jax.random.split(dk)
        co = int(c * TSDR)
        dn['t%d' % b] = _normal(k, (1, 1, c, co))
        c = co
    p['densenet'] = dn
    hw = P_LEN // (2 ** NB_BLOCKS)  # 6
    p['out_w'] = _normal(ks[7], (hw * hw * c, NB_LABELS))
    p['out_b'] = jnp.zeros((NB_LABELS,), jnp.float32)
    return p


def setup_inputs(seed: int = 0):
    key = jax.random.key(seed)
    ks = jax.random.split(key, 7)
    return {
        'prem_word': jax.random.randint(ks[0], (BATCH, P_LEN), 0, VOCAB),
        'prem_char': jax.random.randint(ks[1], (BATCH, P_LEN, CHARS_PER_WORD), 0, CHAR_VOCAB),
        'prem_syn': jax.random.normal(ks[2], (BATCH, P_LEN, SYN), dtype=jnp.float32),
        'hyp_word': jax.random.randint(ks[3], (BATCH, H_LEN), 0, VOCAB),
        'hyp_char': jax.random.randint(ks[4], (BATCH, H_LEN, CHARS_PER_WORD), 0, CHAR_VOCAB),
        'hyp_syn': jax.random.normal(ks[5], (BATCH, H_LEN, SYN), dtype=jnp.float32),
        'params': _make_params(ks[6]),
    }


def _char_embed(ids, params):
    emb = jnp.take(params['char_table'], ids, axis=0)  # [B,L,14,30]
    B, L, Cw, E = emb.shape
    x = emb.reshape(B * L, Cw, E)
    y = jax.lax.conv_general_dilated(x, params['char_conv_w'], (1,), 'VALID',
                                     dimension_numbers=('NWC', 'WIO', 'NWC'))
    y = y + params['char_conv_b']
    y = jnp.max(y, axis=1)  # GlobalMaxPooling1D
    return y.reshape(B, L, CHAR_FILTERS)


def _encoding(P, ep):
    # DIIN encoding: self-attention alpha(a,b)=w^T[a;b;a*b] + fuse gate
    d = P.shape[-1]
    wa = ep['w_itr'][:d]
    wb = ep['w_itr'][d:2 * d]
    wc = ep['w_itr'][2 * d:]
    A = (P @ wa)[:, :, None] + (P @ wb)[:, None, :] + jnp.einsum('bid,bjd->bij', P * wc, P)
    att = jax.nn.softmax(A, axis=-1)
    itr = jnp.einsum('bij,bjd->bid', att, P)
    cat = jnp.concatenate([P, itr], axis=-1)
    z = jnp.tanh(cat @ ep['W1'] + ep['b1'])
    r = jax.nn.sigmoid(cat @ ep['W2'] + ep['b2'])
    f = jax.nn.sigmoid(cat @ ep['W3'] + ep['b3'])
    return r * P + f * z


def _conv2d(x, w, padding='SAME'):
    return jax.lax.conv_general_dilated(x, w, (1, 1), padding,
                                        dimension_numbers=('NHWC', 'HWIO', 'NHWC'))


def _maxpool2(x):
    return jax.lax.reduce_window(x, -jnp.inf, jax.lax.max, (1, 2, 2, 1), (1, 2, 2, 1), 'VALID')


def _forward(prem_word, prem_char, prem_syn, hyp_word, hyp_char, hyp_syn, params):
    p_emb = jnp.concatenate([jnp.take(params['word_table'], prem_word, axis=0),
                             _char_embed(prem_char, params), prem_syn], axis=-1)
    h_emb = jnp.concatenate([jnp.take(params['word_table'], hyp_word, axis=0),
                             _char_embed(hyp_char, params), hyp_syn], axis=-1)
    p_enc = _encoding(p_emb, params['enc_p'])
    h_enc = _encoding(h_emb, params['enc_h'])
    inter = p_enc[:, :, None, :] * h_enc[:, None, :, :]  # [B,p,h,d]
    x = _conv2d(inter, params['fsd_w']) + params['fsd_b']  # 1x1 FSD, no activation
    dn = params['densenet']
    for b in range(NB_BLOCKS):
        for l in range(N_LAYERS):
            y = jax.nn.relu(_conv2d(x, dn['b%d_l%d' % (b, l)]))
            x = jnp.concatenate([x, y], axis=-1)
        x = jax.nn.relu(_conv2d(x, dn['t%d' % b]))
        x = _maxpool2(x)
    flat = x.reshape(x.shape[0], -1)
    logits = flat @ params['out_w'] + params['out_b']
    return jax.nn.softmax(logits, axis=-1)


def reference(prem_word, prem_char, prem_syn, hyp_word, hyp_char, hyp_syn, params):
    return _forward(prem_word, prem_char, prem_syn, hyp_word, hyp_char, hyp_syn, params)

if __name__ == "__main__":
    import jax
    _d = setup_inputs()
    print(jax.jit(kernel)(*tuple(_d.values())))

</pallas_src>

<mosaic_0001>
#map = affine_map<(d0, d1) -> (0, 0)>
#map1 = affine_map<(d0, d1) -> (0)>
module attributes {stable_mosaic.version = 14 : i64} {
  func.func @gk(%arg0: i32, %arg1: i32, %arg2: memref<10000x1200xf32, #tpu.memory_space<hbm>>, %arg3: memref<1536xi32, #tpu.memory_space<hbm>>, %arg4: memref<1536x1200xf32, #tpu.memory_space<hbm>>, %arg5: memref<48xi32, #tpu.memory_space<vmem>>, %arg6: memref<48x1200xf32, #tpu.memory_space<vmem>>, %arg7: memref<!tpu.dma_semaphore, #tpu.memory_space<semaphore_mem>>) attributes {dimension_semantics = [#tpu.dimension_semantics<core_parallel>, #tpu.dimension_semantics<subcore_parallel>], iteration_bounds = array<i64: 2, 16>, scalar_prefetch = 0 : i64, scratch_operands = 3 : i64, tpu.core_type = #tpu.core_type<sc_vector_subcore>, window_params = [{transform_indices = #map}, {transform_indices = #map1}, {transform_indices = #map}]} {
    %mul3A = arith.constant 2 : i32
    %mul3A_0 = arith.muli %arg1, %mul3A : i32
    %add3A = arith.addi %mul3A_0, %arg0 : i32
    %mul3A_1 = arith.constant 48 : i32
    %mul3A_2 = arith.muli %add3A, %mul3A_1 : i32
    "tpu.region"() ({
      %run_scoped3A = tpu.sem_alloc : memref<!tpu.dma_semaphore, #tpu.memory_space<semaphore_mem>>
      %dma_start3A_7 = tpu.memref_slice %arg3[%mul3A_2] : memref<1536xi32, #tpu.memory_space<hbm>> -> memref<48xi32, #tpu.memory_space<hbm>>
      %dma_start3A_8 = tpu.memref_slice %arg3[%mul3A_2] : memref<1536xi32, #tpu.memory_space<hbm>> -> memref<48xi32, #tpu.memory_space<hbm>>
      tpu.enqueue_dma source(%dma_start3A_8 : memref<48xi32, #tpu.memory_space<hbm>>) target(%arg5 : memref<48xi32, #tpu.memory_space<vmem>>) target_semaphore(%run_scoped3A : memref<!tpu.dma_semaphore, #tpu.memory_space<semaphore_mem>>)
      %dma_wait3A_9 = tpu.memref_slice %arg3[%mul3A_2] : memref<1536xi32, #tpu.memory_space<hbm>> -> memref<48xi32, #tpu.memory_space<hbm>>
      %dma_wait3A_10 = tpu.memref_slice %arg3[%mul3A_2] : memref<1536xi32, #tpu.memory_space<hbm>> -> memref<48xi32, #tpu.memory_space<hbm>>
      tpu.wait_dma2 semaphore(%run_scoped3A : memref<!tpu.dma_semaphore, #tpu.memory_space<semaphore_mem>>) src(%dma_wait3A_10 : memref<48xi32, #tpu.memory_space<hbm>>) dst(%arg5 : memref<48xi32, #tpu.memory_space<vmem>>)
      tpu.yield
    }) : () -> ()
    %dma_start3A = arith.constant 0 : i32
    %dma_start3A_3 = arith.constant 0 : i32
    %dma_start3A_4 = tpu.memref_slice %arg2[%dma_start3A, %dma_start3A_3] : memref<10000x1200xf32, #tpu.memory_space<hbm>> -> memref<10000x1200xf32, #tpu.memory_space<hbm>>
    tpu.enqueue_indirect_dma source(%dma_start3A_4 : memref<10000x1200xf32, #tpu.memory_space<hbm>>) target(%arg6 : memref<48x1200xf32, #tpu.memory_space<vmem>>) offsets(%arg5 : memref<48xi32, #tpu.memory_space<vmem>>) semaphore(%arg7 : memref<!tpu.dma_semaphore, #tpu.memory_space<semaphore_mem>>)
    %dma_wait3A = arith.constant 0 : i32
    %dma_wait3A_5 = arith.constant 0 : i32
    %dma_wait3A_6 = tpu.memref_slice %arg2[%dma_wait3A, %dma_wait3A_5] : memref<10000x1200xf32, #tpu.memory_space<hbm>> -> memref<10000x1200xf32, #tpu.memory_space<hbm>>
    tpu.wait_indirect_dma semaphore(%arg7 : memref<!tpu.dma_semaphore, #tpu.memory_space<semaphore_mem>>) src(%dma_wait3A_6 : memref<10000x1200xf32, #tpu.memory_space<hbm>>) dst(%arg6 : memref<48x1200xf32, #tpu.memory_space<vmem>>)
    "tpu.region"() ({
      %run_scoped3A = tpu.sem_alloc : memref<!tpu.dma_semaphore, #tpu.memory_space<semaphore_mem>>
      %dma_start3A_7 = arith.constant 0 : i32
      %dma_start3A_8 = tpu.memref_slice %arg4[%mul3A_2, %dma_start3A_7] : memref<1536x1200xf32, #tpu.memory_space<hbm>> -> memref<48x1200xf32, #tpu.memory_space<hbm>>
      %dma_start3A_9 = arith.constant 0 : i32
      %dma_start3A_10 = tpu.memref_slice %arg4[%mul3A_2, %dma_start3A_9] : memref<1536x1200xf32, #tpu.memory_space<hbm>> -> memref<48x1200xf32, #tpu.memory_space<hbm>>
      tpu.enqueue_dma source(%arg6 : memref<48x1200xf32, #tpu.memory_space<vmem>>) target(%dma_start3A_10 : memref<48x1200xf32, #tpu.memory_space<hbm>>) target_semaphore(%run_scoped3A : memref<!tpu.dma_semaphore, #tpu.memory_space<semaphore_mem>>)
      %dma_wait3A_11 = arith.constant 0 : i32
      %dma_wait3A_12 = tpu.memref_slice %arg4[%mul3A_2, %dma_wait3A_11] : memref<1536x1200xf32, #tpu.memory_space<hbm>> -> memref<48x1200xf32, #tpu.memory_space<hbm>>
      %dma_wait3A_13 = arith.constant 0 : i32
      %dma_wait3A_14 = tpu.memref_slice %arg4[%mul3A_2, %dma_wait3A_13] : memref<1536x1200xf32, #tpu.memory_space<hbm>> -> memref<48x1200xf32, #tpu.memory_space<hbm>>
      tpu.wait_dma2 semaphore(%run_scoped3A : memref<!tpu.dma_semaphore, #tpu.memory_space<semaphore_mem>>) src(%arg6 : memref<48x1200xf32, #tpu.memory_space<vmem>>) dst(%dma_wait3A_14 : memref<48x1200xf32, #tpu.memory_space<hbm>>)
      tpu.yield
    }) : () -> ()
    return
  }
}

module attributes {stable_mosaic.version = 14 : i64} {
  func.func @_char_kernel(%arg0: i32, %arg1: memref<256x14xi32, #tpu.memory_space<vmem>>, %arg2: memref<128x30xf32, #tpu.memory_space<vmem>>, %arg3: memref<30x640xf32, #tpu.memory_space<vmem>>, %arg4: memref<1x77xf32, #tpu.memory_space<vmem>>, %arg5: memref<256x77xf32, #tpu.memory_space<vmem>>) attributes {dimension_semantics = [#tpu.dimension_semantics<arbitrary>], iteration_bounds = array<i64: 6>, scalar_prefetch = 0 : i64, scratch_operands = 0 : i64, tpu.core_type = #tpu.core_type<tc>, window_params = [{transform_indices = @transform_0, window_bounds = array<i64: 256, 14>}, {pipeline_mode = #tpu.pipeline_mode<synchronous>, transform_indices = @transform_1, window_bounds = array<i64: 128, 30>}, {pipeline_mode = #tpu.pipeline_mode<synchronous>, transform_indices = @transform_2, window_bounds = array<i64: 30, 640>}, {pipeline_mode = #tpu.pipeline_mode<synchronous>, transform_indices = @transform_3, window_bounds = array<i64: 1, 77>}, {transform_indices = @transform_4, window_bounds = array<i64: 256, 77>}]} {
    %get3A = arith.constant 0 : index
    %get3A_0 = arith.constant 0 : index
    %get3A_1 = vector.load %arg2[%get3A, %get3A_0] : memref<128x30xf32, #tpu.memory_space<vmem>>, vector<128x30xf32>
    %get3A_2 = arith.constant 0 : index
    %get3A_3 = arith.constant 0 : index
    %get3A_4 = vector.load %arg3[%get3A_2, %get3A_3] : memref<30x640xf32, #tpu.memory_space<vmem>>, vector<30x640xf32>
    %dot_general3A = arith.constant dense<0.000000e+00> : vector<128x640xf32>
    %dot_general3A_5 = tpu.matmul %get3A_1, %get3A_4, %dot_general3A {dimension_numbers = #tpu.dot_dimension_numbers<[1], [0], [0], [1], [0, 0, 1, 1], [], []>, transpose_lhs_hint = false} : vector<128x30xf32>, vector<30x640xf32>, vector<128x640xf32> -> vector<128x640xf32>
    %get3A_6 = arith.constant 0 : index
    %get3A_7 = arith.constant 0 : index
    %get3A_8 = vector.load %arg1[%get3A_6, %get3A_7] : memref<256x14xi32, #tpu.memory_space<vmem>>, vector<256x14xi32>
    %iota3A = tpu.iota {dimensions = array<i32: 1>} : vector<256x128xi32>
    %slice3A = vector.extract_strided_slice %get3A_8 {offsets = [0, 0], sizes = [256, 1], strides = [1, 1]} : vector<256x14xi32> to vector<256x1xi32>
    %eq3A = vector.broadcast %slice3A : vector<256x1xi32> to vector<256x128xi32>
    %eq3A_9 = arith.cmpi eq, %eq3A, %iota3A : vector<256x128xi32>
    %convert_element_type3A = arith.extui %eq3A_9 : vector<256x128xi1> to vector<256x128xi32>
    %convert_element_type3A_10 = arith.sitofp %convert_element_type3A : vector<256x128xi32> to vector<256x128xf32>
    %dot_general3A_11 = arith.constant dense<0.000000e+00> : vector<256x640xf32>
    %dot_general3A_12 = tpu.matmul %convert_element_type3A_10, %dot_general3A_5, %dot_general3A_11 {dimension_numbers = #tpu.dot_dimension_numbers<[1], [0], [0], [1], [0, 0, 1, 1], [], []>, transpose_lhs_hint = false} : vector<256x128xf32>, vector<128x640xf32>, vector<256x640xf32> -> vector<256x640xf32>
    %slice3A_13 = vector.extract_strided_slice %get3A_8 {offsets = [0, 1], sizes = [256, 1], strides = [1, 1]} : vector<256x14xi32> to vector<256x1xi32>
    %eq3A_14 = vector.broadcast %slice3A_13 : vector<256x1xi32> to vector<256x128xi32>
    %eq3A_15 = arith.cmpi eq, %eq3A_14, %iota3A : vector<256x128xi32>
    %convert_element_type3A_16 = arith.extui %eq3A_15 : vector<256x128xi1> to vector<256x128xi32>
    %convert_element_type3A_17 = arith.sitofp %convert_element_type3A_16 : vector<256x128xi32> to vector<256x128xf32>
    %dot_general3A_18 = arith.constant dense<0.000000e+00> : vector<256x640xf32>
    %dot_general3A_19 = tpu.matmul %convert_element_type3A_17, %dot_general3A_5, %dot_general3A_18 {dimension_numbers = #tpu.dot_dimension_numbers<[1], [0], [0], [1], [0, 0, 1, 1], [], []>, transpose_lhs_hint = false} : vector<256x128xf32>, vector<128x640xf32>, vector<256x640xf32> -> vector<256x640xf32>
    %slice3A_20 = vector.extract_strided_slice %get3A_8 {offsets = [0, 2], sizes = [256, 1], strides = [1, 1]} : vector<256x14xi32> to vector<256x1xi32>
    %eq3A_21 = vector.broadcast %slice3A_20 : vector<256x1xi32> to vector<256x128xi32>
    %eq3A_22 = arith.cmpi eq, %eq3A_21, %iota3A : vector<256x128xi32>
    %convert_element_type3A_23 = arith.extui %eq3A_22 : vector<256x128xi1> to vector<256x128xi32>
    %convert_element_type3A_24 = arith.sitofp %convert_element_type3A_23 : vector<256x128xi32> to vector<256x128xf32>
    %dot_general3A_25 = arith.constant dense<0.000000e+00> : vector<256x640xf32>
    %dot_general3A_26 = tpu.matmul %convert_element_type3A_24, %dot_general3A_5, %dot_general3A_25 {dimension_numbers = #tpu.dot_dimension_numbers<[1], [0], [0], [1], [0, 0, 1, 1], [], []>, transpose_lhs_hint = false} : vector<256x128xf32>, vector<128x640xf32>, vector<256x640xf32> -> vector<256x640xf32>
    %slice3A_27 = vector.extract_strided_slice %get3A_8 {offsets = [0, 3], sizes = [256, 1], strides = [1, 1]} : vector<256x14xi32> to vector<256x1xi32>
    %eq3A_28 = vector.broadcast %slice3A_27 : vector<256x1xi32> to vector<256x128xi32>
    %eq3A_29 = arith.cmpi eq, %eq3A_28, %iota3A : vector<256x128xi32>
    %convert_element_type3A_30 = arith.extui %eq3A_29 : vector<256x128xi1> to vector<256x128xi32>
    %convert_element_type3A_31 = arith.sitofp %convert_element_type3A_30 : vector<256x128xi32> to vector<256x128xf32>
    %dot_general3A_32 = arith.constant dense<0.000000e+00> : vector<256x640xf32>
    %dot_general3A_33 = tpu.matmul %convert_element_type3A_31, %dot_general3A_5, %dot_general3A_32 {dimension_numbers = #tpu.dot_dimension_numbers<[1], [0], [0], [1], [0, 0, 1, 1], [], []>, transpose_lhs_hint = false} : vector<256x128xf32>, vector<128x640xf32>, vector<256x640xf32> -> vector<256x640xf32>
    %slice3A_34 = vector.extract_strided_slice %get3A_8 {offsets = [0, 4], sizes = [256, 1], strides = [1, 1]} : vector<256x14xi32> to vector<256x1xi32>
    %eq3A_35 = vector.broadcast %slice3A_34 : vector<256x1xi32> to vector<256x128xi32>
    %eq3A_36 = arith.cmpi eq, %eq3A_35, %iota3A : vector<256x128xi32>
    %convert_element_type3A_37 = arith.extui %eq3A_36 : vector<256x128xi1> to vector<256x128xi32>
    %convert_element_type3A_38 = arith.sitofp %convert_element_type3A_37 : vector<256x128xi32> to vector<256x128xf32>
    %dot_general3A_39 = arith.constant dense<0.000000e+00> : vector<256x640xf32>
    %dot_general3A_40 = tpu.matmul %convert_element_type3A_38, %dot_general3A_5, %dot_general3A_39 {dimension_numbers = #tpu.dot_dimension_numbers<[1], [0], [0], [1], [0, 0, 1, 1], [], []>, transpose_lhs_hint = false} : vector<256x128xf32>, vector<128x640xf32>, vector<256x640xf32> -> vector<256x640xf32>
    %slice3A_41 = vector.extract_strided_slice %get3A_8 {offsets = [0, 5], sizes = [256, 1], strides = [1, 1]} : vector<256x14xi32> to vector<256x1xi32>
    %eq3A_42 = vector.broadcast %slice3A_41 : vector<256x1xi32> to vector<256x128xi32>
    %eq3A_43 = arith.cmpi eq, %eq3A_42, %iota3A : vector<256x128xi32>
    %convert_element_type3A_44 = arith.extui %eq3A_43 : vector<256x128xi1> to vector<256x128xi32>
    %convert_element_type3A_45 = arith.sitofp %convert_element_type3A_44 : vector<256x128xi32> to vector<256x128xf32>
    %dot_general3A_46 = arith.constant dense<0.000000e+00> : vector<256x640xf32>
    %dot_general3A_47 = tpu.matmul %convert_element_type3A_45, %dot_general3A_5, %dot_general3A_46 {dimension_numbers = #tpu.dot_dimension_numbers<[1], [0], [0], [1], [0, 0, 1, 1], [], []>, transpose_lhs_hint = false} : vector<256x128xf32>, vector<128x640xf32>, vector<256x640xf32> -> vector<256x640xf32>
    %slice3A_48 = vector.extract_strided_slice %get3A_8 {offsets = [0, 6], sizes = [256, 1], strides = [1, 1]} : vector<256x14xi32> to vector<256x1xi32>
    %eq3A_49 = vector.broadcast %slice3A_48 : vector<256x1xi32> to vector<256x128xi32>
    %eq3A_50 = arith.cmpi eq, %eq3A_49, %iota3A : vector<256x128xi32>
    %convert_element_type3A_51 = arith.extui %eq3A_50 : vector<256x128xi1> to vector<256x128xi32>
    %convert_element_type3A_52 = arith.sitofp %convert_element_type3A_51 : vector<256x128xi32> to vector<256x128xf32>
    %dot_general3A_53 = arith.constant dense<0.000000e+00> : vector<256x640xf32>
    %dot_general3A_54 = tpu.matmul %convert_element_type3A_52, %dot_general3A_5, %dot_general3A_53 {dimension_numbers = #tpu.dot_dimension_numbers<[1], [0], [0], [1], [0, 0, 1, 1], [], []>, transpose_lhs_hint = false} : vector<256x128xf32>, vector<128x640xf32>, vector<256x640xf32> -> vector<256x640xf32>
    %slice3A_55 = vector.extract_strided_slice %get3A_8 {offsets = [0, 7], sizes = [256, 1], strides = [1, 1]} : vector<256x14xi32> to vector<256x1xi32>
    %eq3A_56 = vector.broadcast %slice3A_55 : vector<256x1xi32> to vector<256x128xi32>
    %eq3A_57 = arith.cmpi eq, %eq3A_56, %iota3A : vector<256x128xi32>
    %convert_element_type3A_58 = arith.extui %eq3A_57 : vector<256x128xi1> to vector<256x128xi32>
    %convert_element_type3A_59 = arith.sitofp %convert_element_type3A_58 : vector<256x128xi32> to vector<256x128xf32>
    %dot_general3A_60 = arith.constant dense<0.000000e+00> : vector<256x640xf32>
    %dot_general3A_61 = tpu.matmul %convert_element_type3A_59, %dot_general3A_5, %dot_general3A_60 {dimension_numbers = #tpu.dot_dimension_numbers<[1], [0], [0], [1], [0, 0, 1, 1], [], []>, transpose_lhs_hint = false} : vector<256x128xf32>, vector<128x640xf32>, vector<256x640xf32> -> vector<256x640xf32>
    %slice3A_62 = vector.extract_strided_slice %get3A_8 {offsets = [0, 8], sizes = [256, 1], strides = [1, 1]} : vector<256x14xi32> to vector<256x1xi32>
    %eq3A_63 = vector.broadcast %slice3A_62 : vector<256x1xi32> to vector<256x128xi32>
    %eq3A_64 = arith.cmpi eq, %eq3A_63, %iota3A : vector<256x128xi32>
    %convert_element_type3A_65 = arith.extui %eq3A_64 : vector<256x128xi1> to vector<256x128xi32>
    %convert_element_type3A_66 = arith.sitofp %convert_element_type3A_65 : vector<256x128xi32> to vector<256x128xf32>
    %dot_general3A_67 = arith.constant dense<0.000000e+00> : vector<256x640xf32>
    %dot_general3A_68 = tpu.matmul %convert_element_type3A_66, %dot_general3A_5, %dot_general3A_67 {dimension_numbers = #tpu.dot_dimension_numbers<[1], [0], [0], [1], [0, 0, 1, 1], [], []>, transpose_lhs_hint = false} : vector<256x128xf32>, vector<128x640xf32>, vector<256x640xf32> -> vector<256x640xf32>
    %slice3A_69 = vector.extract_strided_slice %get3A_8 {offsets = [0, 9], sizes = [256, 1], strides = [1, 1]} : vector<256x14xi32> to vector<256x1xi32>
    %eq3A_70 = vector.broadcast %slice3A_69 : vector<256x1xi32> to vector<256x128xi32>
    %eq3A_71 = arith.cmpi eq, %eq3A_70, %iota3A : vector<256x128xi32>
    %convert_element_type3A_72 = arith.extui %eq3A_71 : vector<256x128xi1> to vector<256x128xi32>
    %convert_element_type3A_73 = arith.sitofp %convert_element_type3A_72 : vector<256x128xi32> to vector<256x128xf32>
    %dot_general3A_74 = arith.constant dense<0.000000e+00> : vector<256x640xf32>
    %dot_general3A_75 = tpu.matmul %convert_element_type3A_73, %dot_general3A_5, %dot_general3A_74 {dimension_numbers = #tpu.dot_dimension_numbers<[1], [0], [0], [1], [0, 0, 1, 1], [], []>, transpose_lhs_hint = false} : vector<256x128xf32>, vector<128x640xf32>, vector<256x640xf32> -> vector<256x640xf32>
    %slice3A_76 = vector.extract_strided_slice %get3A_8 {offsets = [0, 10], sizes = [256, 1], strides = [1, 1]} : vector<256x14xi32> to vector<256x1xi32>
    %eq3A_77 = vector.broadcast %slice3A_76 : vector<256x1xi32> to vector<256x128xi32>
    %eq3A_78 = arith.cmpi eq, %eq3A_77, %iota3A : vector<256x128xi32>
    %convert_element_type3A_79 = arith.extui %eq3A_78 : vector<256x128xi1> to vector<256x128xi32>
    %convert_element_type3A_80 = arith.sitofp %convert_element_type3A_79 : vector<256x128xi32> to vector<256x128xf32>
    %dot_general3A_81 = arith.constant dense<0.000000e+00> : vector<256x640xf32>
    %dot_general3A_82 = tpu.matmul %convert_element_type3A_80, %dot_general3A_5, %dot_general3A_81 {dimension_numbers = #tpu.dot_dimension_numbers<[1], [0], [0], [1], [0, 0, 1, 1], [], []>, transpose_lhs_hint = false} : vector<256x128xf32>, vector<128x640xf32>, vector<256x640xf32> -> vector<256x640xf32>
    %slice3A_83 = vector.extract_strided_slice %get3A_8 {offsets = [0, 11], sizes = [256, 1], strides = [1, 1]} : vector<256x14xi32> to vector<256x1xi32>
    %eq3A_84 = vector.broadcast %slice3A_83 : vector<256x1xi32> to vector<256x128xi32>
    %eq3A_85 = arith.cmpi eq, %eq3A_84, %iota3A : vector<256x128xi32>
    %convert_element_type3A_86 = arith.extui %eq3A_85 : vector<256x128xi1> to vector<256x128xi32>
    %convert_element_type3A_87 = arith.sitofp %convert_element_type3A_86 : vector<256x128xi32> to vector<256x128xf32>
    %dot_general3A_88 = arith.constant dense<0.000000e+00> : vector<256x640xf32>
    %dot_general3A_89 = tpu.matmul %convert_element_type3A_87, %dot_general3A_5, %dot_general3A_88 {dimension_numbers = #tpu.dot_dimension_numbers<[1], [0], [0], [1], [0, 0, 1, 1], [], []>, transpose_lhs_hint = false} : vector<256x128xf32>, vector<128x640xf32>, vector<256x640xf32> -> vector<256x640xf32>
    %slice3A_90 = vector.extract_strided_slice %get3A_8 {offsets = [0, 12], sizes = [256, 1], strides = [1, 1]} : vector<256x14xi32> to vector<256x1xi32>
    %eq3A_91 = vector.broadcast %slice3A_90 : vector<256x1xi32> to vector<256x128xi32>
    %eq3A_92 = arith.cmpi eq, %eq3A_91, %iota3A : vector<256x128xi32>
    %convert_element_type3A_93 = arith.extui %eq3A_92 : vector<256x128xi1> to vector<256x128xi32>
    %convert_element_type3A_94 = arith.sitofp %convert_element_type3A_93 : vector<256x128xi32> to vector<256x128xf32>
    %dot_general3A_95 = arith.constant dense<0.000000e+00> : vector<256x640xf32>
    %dot_general3A_96 = tpu.matmul %convert_element_type3A_94, %dot_general3A_5, %dot_general3A_95 {dimension_numbers = #tpu.dot_dimension_numbers<[1], [0], [0], [1], [0, 0, 1, 1], [], []>, transpose_lhs_hint = false} : vector<256x128xf32>, vector<128x640xf32>, vector<256x640xf32> -> vector<256x640xf32>
    %slice3A_97 = vector.extract_strided_slice %get3A_8 {offsets = [0, 13], sizes = [256, 1], strides = [1, 1]} : vector<256x14xi32> to vector<256x1xi32>
    %eq3A_98 = vector.broadcast %slice3A_97 : vector<256x1xi32> to vector<256x128xi32>
    %eq3A_99 = arith.cmpi eq, %eq3A_98, %iota3A : vector<256x128xi32>
    %convert_element_type3A_100 = arith.extui %eq3A_99 : vector<256x128xi1> to vector<256x128xi32>
    %convert_element_type3A_101 = arith.sitofp %convert_element_type3A_100 : vector<256x128xi32> to vector<256x128xf32>
    %dot_general3A_102 = arith.constant dense<0.000000e+00> : vector<256x640xf32>
    %dot_general3A_103 = tpu.matmul %convert_element_type3A_101, %dot_general3A_5, %dot_general3A_102 {dimension_numbers = #tpu.dot_dimension_numbers<[1], [0], [0], [1], [0, 0, 1, 1], [], []>, transpose_lhs_hint = false} : vector<256x128xf32>, vector<128x640xf32>, vector<256x640xf32> -> vector<256x640xf32>
    %slice3A_104 = vector.extract_strided_slice %dot_general3A_12 {offsets = [0, 0], sizes = [256, 128], strides = [1, 1]} : vector<256x640xf32> to vector<256x128xf32>
    %slice3A_105 = vector.extract_strided_slice %dot_general3A_19 {offsets = [0, 128], sizes = [256, 128], strides = [1, 1]} : vector<256x640xf32> to vector<256x128xf32>
    %add3A = arith.addf %slice3A_104, %slice3A_105 : vector<256x128xf32>
    %slice3A_106 = vector.extract_strided_slice %dot_general3A_26 {offsets = [0, 256], sizes = [256, 128], strides = [1, 1]} : vector<256x640xf32> to vector<256x128xf32>
    %add3A_107 = arith.addf %add3A, %slice3A_106 : vector<256x128xf32>
    %slice3A_108 = vector.extract_strided_slice %dot_general3A_33 {offsets = [0, 384], sizes = [256, 128], strides = [1, 1]} : vector<256x640xf32> to vector<256x128xf32>
    %add3A_109 = arith.addf %add3A_107, %slice3A_108 : vector<256x128xf32>
    %slice3A_110 = vector.extract_strided_slice %dot_general3A_40 {offsets = [0, 512], sizes = [256, 128], strides = [1, 1]} : vector<256x640xf32> to vector<256x128xf32>
    %add3A_111 = arith.addf %add3A_109, %slice3A_110 : vector<256x128xf32>
    %slice3A_112 = vector.extract_strided_slice %dot_general3A_19 {offsets = [0, 0], sizes = [256, 128], strides = [1, 1]} : vector<256x640xf32> to vector<256x128xf32>
    %slice3A_113 = vector.extract_strided_slice %dot_general3A_26 {offsets = [0, 128], sizes = [256, 128], strides = [1, 1]} : vector<256x640xf32> to vector<256x128xf32>
    %add3A_114 = arith.addf %slice3A_112, %slice3A_113 : vector<256x128xf32>
    %slice3A_115 = vector.extract_strided_slice %dot_general3A_33 {offsets = [0, 256], sizes = [256, 128], strides = [1, 1]} : vector<256x640xf32> to vector<256x128xf32>
    %add3A_116 = arith.addf %add3A_114, %slice3A_115 : vector<256x128xf32>
    %slice3A_117 = vector.extract_strided_slice %dot_general3A_40 {offsets = [0, 384], sizes = [256, 128], strides = [1, 1]} : vector<256x640xf32> to vector<256x128xf32>
    %add3A_118 = arith.addf %add3A_116, %slice3A_117 : vector<256x128xf32>
    %slice3A_119 = vector.extract_strided_slice %dot_general3A_47 {offsets = [0, 512], sizes = [256, 128], strides = [1, 1]} : vector<256x640xf32> to vector<256x128xf32>
    %add3A_120 = arith.addf %add3A_118, %slice3A_119 : vector<256x128xf32>
    %max3A = arith.maximumf %add3A_111, %add3A_120 : vector<256x128xf32>
    %slice3A_121 = vector.extract_strided_slice %dot_general3A_26 {offsets = [0, 0], sizes = [256, 128], strides = [1, 1]} : vector<256x640xf32> to vector<256x128xf32>
    %slice3A_122 = vector.extract_strided_slice %dot_general3A_33 {offsets = [0, 128], sizes = [256, 128], strides = [1, 1]} : vector<256x640xf32> to vector<256x128xf32>
    %add3A_123 = arith.addf %slice3A_121, %slice3A_122 : vector<256x128xf32>
    %slice3A_124 = vector.extract_strided_slice %dot_general3A_40 {offsets = [0, 256], sizes = [256, 128], strides = [1, 1]} : vector<256x640xf32> to vector<256x128xf32>
    %add3A_125 = arith.addf %add3A_123, %slice3A_124 : vector<256x128xf32>
    %slice3A_126 = vector.extract_strided_slice %dot_general3A_47 {offsets = [0, 384], sizes = [256, 128], strides = [1, 1]} : vector<256x640xf32> to vector<256x128xf32>
    %add3A_127 = arith.addf %add3A_125, %slice3A_126 : vector<256x128xf32>
    %slice3A_128 = vector.extract_strided_slice %dot_general3A_54 {offsets = [0, 512], sizes = [256, 128], strides = [1, 1]} : vector<256x640xf32> to vector<256x128xf32>
    %add3A_129 = arith.addf %add3A_127, %slice3A_128 : vector<256x128xf32>
    %max3A_130 = arith.maximumf %max3A, %add3A_129 : vector<256x128xf32>
    %slice3A_131 = vector.extract_strided_slice %dot_general3A_33 {offsets = [0, 0], sizes = [256, 128], strides = [1, 1]} : vector<256x640xf32> to vector<256x128xf32>
    %slice3A_132 = vector.extract_strided_slice %dot_general3A_40 {offsets = [0, 128], sizes = [256, 128], strides = [1, 1]} : vector<256x640xf32> to vector<256x128xf32>
    %add3A_133 = arith.addf %slice3A_131, %slice3A_132 : vector<256x128xf32>
    %slice3A_134 = vector.extract_strided_slice %dot_general3A_47 {offsets = [0, 256], sizes = [256, 128], strides = [1, 1]} : vector<256x640xf32> to vector<256x128xf32>
    %add3A_135 = arith.addf %add3A_133, %slice3A_134 : vector<256x128xf32>
    %slice3A_136 = vector.extract_strided_slice %dot_general3A_54 {offsets = [0, 384], sizes = [256, 128], strides = [1, 1]} : vector<256x640xf32> to vector<256x128xf32>
    %add3A_137 = arith.addf %add3A_135, %slice3A_136 : vector<256x128xf32>
    %slice3A_138 = vector.extract_strided_slice %dot_general3A_61 {offsets = [0, 512], sizes = [256, 128], strides = [1, 1]} : vector<256x640xf32> to vector<256x128xf32>
    %add3A_139 = arith.addf %add3A_137, %slice3A_138 : vector<256x128xf32>
    %max3A_140 = arith.maximumf %max3A_130, %add3A_139 : vector<256x128xf32>
    %slice3A_141 = vector.extract_strided_slice %dot_general3A_40 {offsets = [0, 0], sizes = [256, 128], strides = [1, 1]} : vector<256x640xf32> to vector<256x128xf32>
    %slice3A_142 = vector.extract_strided_slice %dot_general3A_47 {offsets = [0, 128], sizes = [256, 128], strides = [1, 1]} : vector<256x640xf32> to vector<256x128xf32>
    %add3A_143 = arith.addf %slice3A_141, %slice3A_142 : vector<256x128xf32>
    %slice3A_144 = vector.extract_strided_slice %dot_general3A_54 {offsets = [0, 256], sizes = [256, 128], strides = [1, 1]} : vector<256x640xf32> to vector<256x128xf32>
    %add3A_145 = arith.addf %add3A_143, %slice3A_144 : vector<256x128xf32>
    %slice3A_146 = vector.extract_strided_slice %dot_general3A_61 {offsets = [0, 384], sizes = [256, 128], strides = [1, 1]} : vector<256x640xf32> to vector<256x128xf32>
    %add3A_147 = arith.addf %add3A_145, %slice3A_146 : vector<256x128xf32>
    %slice3A_148 = vector.extract_strided_slice %dot_general3A_68 {offsets = [0, 512], sizes = [256, 128], strides = [1, 1]} : vector<256x640xf32> to vector<256x128xf32>
    %add3A_149 = arith.addf %add3A_147, %slice3A_148 : vector<256x128xf32>
    %max3A_150 = arith.maximumf %max3A_140, %add3A_149 : vector<256x128xf32>
    %slice3A_151 = vector.extract_strided_slice %dot_general3A_47 {offsets = [0, 0], sizes = [256, 128], strides = [1, 1]} : vector<256x640xf32> to vector<256x128xf32>
    %slice3A_152 = vector.extract_strided_slice %dot_general3A_54 {offsets = [0, 128], sizes = [256, 128], strides = [1, 1]} : vector<256x640xf32> to vector<256x128xf32>
    %add3A_153 = arith.addf %slice3A_151, %slice3A_152 : vector<256x128xf32>
    %slice3A_154 = vector.extract_strided_slice %dot_general3A_61 {offsets = [0, 256], sizes = [256, 128], strides = [1, 1]} : vector<256x640xf32> to vector<256x128xf32>
    %add3A_155 = arith.addf %add3A_153, %slice3A_154 : vector<256x128xf32>
    %slice3A_156 = vector.extract_strided_slice %dot_general3A_68 {offsets = [0, 384], sizes = [256, 128], strides = [1, 1]} : vector<256x640xf32> to vector<256x128xf32>
    %add3A_157 = arith.addf %add3A_155, %slice3A_156 : vector<256x128xf32>
    %slice3A_158 = vector.extract_strided_slice %dot_general3A_75 {offsets = [0, 512], sizes = [256, 128], strides = [1, 1]} : vector<256x640xf32> to vector<256x128xf32>
    %add3A_159 = arith.addf %add3A_157, %slice3A_158 : vector<256x128xf32>
    %max3A_160 = arith.maximumf %max3A_150, %add3A_159 : vector<256x128xf32>
    %slice3A_161 = vector.extract_strided_slice %dot_general3A_54 {offsets = [0, 0], sizes = [256, 128], strides = [1, 1]} : vector<256x640xf32> to vector<256x128xf32>
    %slice3A_162 = vector.extract_strided_slice %dot_general3A_61 {offsets = [0, 128], sizes = [256, 128], strides = [1, 1]} : vector<256x640xf32> to vector<256x128xf32>
    %add3A_163 = arith.addf %slice3A_161, %slice3A_162 : vector<256x128xf32>
    %slice3A_164 = vector.extract_strided_slice %dot_general3A_68 {offsets = [0, 256], sizes = [256, 128], strides = [1, 1]} : vector<256x640xf32> to vector<256x128xf32>
    %add3A_165 = arith.addf %add3A_163, %slice3A_164 : vector<256x128xf32>
    %slice3A_166 = vector.extract_strided_slice %dot_general3A_75 {offsets = [0, 384], sizes = [256, 128], strides = [1, 1]} : vector<256x640xf32> to vector<256x128xf32>
    %add3A_167 = arith.addf %add3A_165, %slice3A_166 : vector<256x128xf32>
    %slice3A_168 = vector.extract_strided_slice %dot_general3A_82 {offsets = [0, 512], sizes = [256, 128], strides = [1, 1]} : vector<256x640xf32> to vector<256x128xf32>
    %add3A_169 = arith.addf %add3A_167, %slice3A_168 : vector<256x128xf32>
    %max3A_170 = arith.maximumf %max3A_160, %add3A_169 : vector<256x128xf32>
    %slice3A_171 = vector.extract_strided_slice %dot_general3A_61 {offsets = [0, 0], sizes = [256, 128], strides = [1, 1]} : vector<256x640xf32> to vector<256x128xf32>
    %slice3A_172 = vector.extract_strided_slice %dot_general3A_68 {offsets = [0, 128], sizes = [256, 128], strides = [1, 1]} : vector<256x640xf32> to vector<256x128xf32>
    %add3A_173 = arith.addf %slice3A_171, %slice3A_172 : vector<256x128xf32>
    %slice3A_174 = vector.extract_strided_slice %dot_general3A_75 {offsets = [0, 256], sizes = [256, 128], strides = [1, 1]} : vector<256x640xf32> to vector<256x128xf32>
    %add3A_175 = arith.addf %add3A_173, %slice3A_174 : vector<256x128xf32>
    %slice3A_176 = vector.extract_strided_slice %dot_general3A_82 {offsets = [0, 384], sizes = [256, 128], strides = [1, 1]} : vector<256x640xf32> to vector<256x128xf32>
    %add3A_177 = arith.addf %add3A_175, %slice3A_176 : vector<256x128xf32>
    %slice3A_178 = vector.extract_strided_slice %dot_general3A_89 {offsets = [0, 512], sizes = [256, 128], strides = [1, 1]} : vector<256x640xf32> to vector<256x128xf32>
    %add3A_179 = arith.addf %add3A_177, %slice3A_178 : vector<256x128xf32>
    %max3A_180 = arith.maximumf %max3A_170, %add3A_179 : vector<256x128xf32>
    %slice3A_181 = vector.extract_strided_slice %dot_general3A_68 {offsets = [0, 0], sizes = [256, 128], strides = [1, 1]} : vector<256x640xf32> to vector<256x128xf32>
    %slice3A_182 = vector.extract_strided_slice %dot_general3A_75 {offsets = [0, 128], sizes = [256, 128], strides = [1, 1]} : vector<256x640xf32> to vector<256x128xf32>
    %add3A_183 = arith.addf %slice3A_181, %slice3A_182 : vector<256x128xf32>
    %slice3A_184 = vector.extract_strided_slice %dot_general3A_82 {offsets = [0, 256], sizes = [256, 128], strides = [1, 1]} : vector<256x640xf32> to vector<256x128xf32>
    %add3A_185 = arith.addf %add3A_183, %slice3A_184 : vector<256x128xf32>
    %slice3A_186 = vector.extract_strided_slice %dot_general3A_89 {offsets = [0, 384], sizes = [256, 128], strides = [1, 1]} : vector<256x640xf32> to vector<256x128xf32>
    %add3A_187 = arith.addf %add3A_185, %slice3A_186 : vector<256x128xf32>
    %slice3A_188 = vector.extract_strided_slice %dot_general3A_96 {offsets = [0, 512], sizes = [256, 128], strides = [1, 1]} : vector<256x640xf32> to vector<256x128xf32>
    %add3A_189 = arith.addf %add3A_187, %slice3A_188 : vector<256x128xf32>
    %max3A_190 = arith.maximumf %max3A_180, %add3A_189 : vector<256x128xf32>
    %slice3A_191 = vector.extract_strided_slice %dot_general3A_75 {offsets = [0, 0], sizes = [256, 128], strides = [1, 1]} : vector<256x640xf32> to vector<256x128xf32>
    %slice3A_192 = vector.extract_strided_slice %dot_general3A_82 {offsets = [0, 128], sizes = [256, 128], strides = [1, 1]} : vector<256x640xf32> to vector<256x128xf32>
    %add3A_193 = arith.addf %slice3A_191, %slice3A_192 : vector<256x128xf32>
    %slice3A_194 = vector.extract_strided_slice %dot_general3A_89 {offsets = [0, 256], sizes = [256, 128], strides = [1, 1]} : vector<256x640xf32> to vector<256x128xf32>
    %add3A_195 = arith.addf %add3A_193, %slice3A_194 : vector<256x128xf32>
    %slice3A_196 = vector.extract_strided_slice %dot_general3A_96 {offsets = [0, 384], sizes = [256, 128], strides = [1, 1]} : vector<256x640xf32> to vector<256x128xf32>
    %add3A_197 = arith.addf %add3A_195, %slice3A_196 : vector<256x128xf32>
    %slice3A_198 = vector.extract_strided_slice %dot_general3A_103 {offsets = [0, 512], sizes = [256, 128], strides = [1, 1]} : vector<256x640xf32> to vector<256x128xf32>
    %add3A_199 = arith.addf %add3A_197, %slice3A_198 : vector<256x128xf32>
    %max3A_200 = arith.maximumf %max3A_190, %add3A_199 : vector<256x128xf32>
    %slice3A_201 = vector.extract_strided_slice %max3A_200 {offsets = [0, 0], sizes = [256, 77], strides = [1, 1]} : vector<256x128xf32> to vector<256x77xf32>
    %get3A_202 = arith.constant 0 : index
    %get3A_203 = arith.constant 0 : index
    %get3A_204 = vector.load %arg4[%get3A_202, %get3A_203] : memref<1x77xf32, #tpu.memory_space<vmem>>, vector<1x77xf32>
    %add3A_205 = vector.broadcast %get3A_204 : vector<1x77xf32> to vector<256x77xf32>
    %add3A_206 = arith.addf %slice3A_201, %add3A_205 : vector<256x77xf32>
    %swap3A = arith.constant 0 : index
    %swap3A_207 = arith.constant 0 : index
    %swap3A_208 = vector.load %arg5[%swap3A, %swap3A_207] : memref<256x77xf32, #tpu.memory_space<vmem>>, vector<256x77xf32>
    tpu.vector_store %arg5[%swap3A, %swap3A_207], %add3A_206 {strides = array<i32>} : memref<256x77xf32, #tpu.memory_space<vmem>>, vector<256x77xf32>,
    return
  }
  func.func @transform_0(%arg0: i32) -> (i32, i32) {
    %c0_i32 = arith.constant 0 : i32
    %c0_i32_0 = arith.constant 0 : i32
    return %arg0, %c0_i32 : i32, i32
  }
  func.func @transform_1(%arg0: i32) -> (i32, i32) {
    %c0_i32 = arith.constant 0 : i32
    %c0_i32_0 = arith.constant 0 : i32
    %c0_i32_1 = arith.constant 0 : i32
    return %c0_i32, %c0_i32_0 : i32, i32
  }
  func.func @transform_2(%arg0: i32) -> (i32, i32) {
    %c0_i32 = arith.constant 0 : i32
    %c0_i32_0 = arith.constant 0 : i32
    %c0_i32_1 = arith.constant 0 : i32
    return %c0_i32, %c0_i32_0 : i32, i32
  }
  func.func @transform_3(%arg0: i32) -> (i32, i32) {
    %c0_i32 = arith.constant 0 : i32
    %c0_i32_0 = arith.constant 0 : i32
    %c0_i32_1 = arith.constant 0 : i32
    return %c0_i32, %c0_i32_0 : i32, i32
  }
  func.func @transform_4(%arg0: i32) -> (i32, i32) {
    %c0_i32 = arith.constant 0 : i32
    %c0_i32_0 = arith.constant 0 : i32
    return %arg0, %c0_i32 : i32, i32
  }
}

module attributes {stable_mosaic.version = 14 : i64} {
  func.func @_qsel_kernel(%arg0: i32, %arg1: memref<256x1200xf32, #tpu.memory_space<vmem>>, %arg2: memref<256x1xi32, #tpu.memory_space<vmem>>, %arg3: memref<256x300xf32, #tpu.memory_space<vmem>>) attributes {dimension_semantics = [#tpu.dimension_semantics<arbitrary>], iteration_bounds = array<i64: 6>, scalar_prefetch = 0 : i64, scratch_operands = 0 : i64, tpu.core_type = #tpu.core_type<tc>, window_params = [{transform_indices = @transform_0, window_bounds = array<i64: 256, 1200>}, {transform_indices = @transform_1, window_bounds = array<i64: 256, 1>}, {transform_indices = @transform_2, window_bounds = array<i64: 256, 300>}]} {
    %get3A = arith.constant 0 : index
    %get3A_0 = arith.constant 0 : index
    %get3A_1 = vector.load %arg1[%get3A, %get3A_0] : memref<256x1200xf32, #tpu.memory_space<vmem>>, vector<256x1200xf32>
    %get3A_2 = arith.constant 0 : index
    %get3A_3 = arith.constant 0 : index
    %get3A_4 = vector.load %arg2[%get3A_2, %get3A_3] : memref<256x1xi32, #tpu.memory_space<vmem>>, vector<256x1xi32>
    %slice3A = vector.extract_strided_slice %get3A_1 {offsets = [0, 0], sizes = [256, 300], strides = [1, 1]} : vector<256x1200xf32> to vector<256x300xf32>
    %slice3A_5 = vector.extract_strided_slice %get3A_1 {offsets = [0, 300], sizes = [256, 300], strides = [1, 1]} : vector<256x1200xf32> to vector<256x300xf32>
    %slice3A_6 = vector.extract_strided_slice %get3A_1 {offsets = [0, 600], sizes = [256, 300], strides = [1, 1]} : vector<256x1200xf32> to vector<256x300xf32>
    %slice3A_7 = vector.extract_strided_slice %get3A_1 {offsets = [0, 900], sizes = [256, 300], strides = [1, 1]} : vector<256x1200xf32> to vector<256x300xf32>
    %eq3A = arith.constant 0 : i32
    %eq3A_8 = vector.broadcast %eq3A : i32 to vector<256x1xi32>
    %eq3A_9 = arith.cmpi eq, %get3A_4, %eq3A_8 : vector<256x1xi32>
    %eq3A_10 = arith.constant 1 : i32
    %eq3A_11 = vector.broadcast %eq3A_10 : i32 to vector<256x1xi32>
    %eq3A_12 = arith.cmpi eq, %get3A_4, %eq3A_11 : vector<256x1xi32>
    %eq3A_13 = arith.constant 2 : i32
    %eq3A_14 = vector.broadcast %eq3A_13 : i32 to vector<256x1xi32>
    %eq3A_15 = arith.cmpi eq, %get3A_4, %eq3A_14 : vector<256x1xi32>
    %broadcast_in_dim3A = vector.shape_cast %eq3A_15 : vector<256x1xi1> to vector<256x1xi1>
    %broadcast_in_dim3A_16 = vector.broadcast %broadcast_in_dim3A : vector<256x1xi1> to vector<256x300xi1>
    %select_n3A = arith.select %broadcast_in_dim3A_16, %slice3A_6, %slice3A_7 : vector<256x300xi1>, vector<256x300xf32>
    %broadcast_in_dim3A_17 = vector.shape_cast %eq3A_12 : vector<256x1xi1> to vector<256x1xi1>
    %broadcast_in_dim3A_18 = vector.broadcast %broadcast_in_dim3A_17 : vector<256x1xi1> to vector<256x300xi1>
    %select_n3A_19 = arith.select %broadcast_in_dim3A_18, %slice3A_5, %select_n3A : vector<256x300xi1>, vector<256x300xf32>
    %broadcast_in_dim3A_20 = vector.shape_cast %eq3A_9 : vector<256x1xi1> to vector<256x1xi1>
    %broadcast_in_dim3A_21 = vector.broadcast %broadcast_in_dim3A_20 : vector<256x1xi1> to vector<256x300xi1>
    %select_n3A_22 = arith.select %broadcast_in_dim3A_21, %slice3A, %select_n3A_19 : vector<256x300xi1>, vector<256x300xf32>
    %swap3A = arith.constant 0 : index
    %swap3A_23 = arith.constant 0 : index
    %swap3A_24 = vector.load %arg3[%swap3A, %swap3A_23] : memref<256x300xf32, #tpu.memory_space<vmem>>, vector<256x300xf32>
    tpu.vector_store %arg3[%swap3A, %swap3A_23], %select_n3A_22 {strides = array<i32>} : memref<256x300xf32, #tpu.memory_space<vmem>>, vector<256x300xf32>,
    return
  }
  func.func @transform_0(%arg0: i32) -> (i32, i32) {
    %c0_i32 = arith.constant 0 : i32
    %c0_i32_0 = arith.constant 0 : i32
    return %arg0, %c0_i32 : i32, i32
  }
  func.func @transform_1(%arg0: i32) -> (i32, i32) {
    %c0_i32 = arith.constant 0 : i32
    %c0_i32_0 = arith.constant 0 : i32
    return %arg0, %c0_i32 : i32, i32
  }
  func.func @transform_2(%arg0: i32) -> (i32, i32) {
    %c0_i32 = arith.constant 0 : i32
    %c0_i32_0 = arith.constant 0 : i32
    return %arg0, %c0_i32 : i32, i32
  }
}

module attributes {stable_mosaic.version = 14 : i64} {
  func.func @_enc_kernel(%arg0: i32, %arg1: memref<1x48x427xf32, #tpu.memory_space<vmem>>, %arg2: memref<1x2562x427xf32, #tpu.memory_space<vmem>>, %arg3: memref<1x3x427xf32, #tpu.memory_space<vmem>>, %arg4: memref<1x3x427xf32, #tpu.memory_space<vmem>>, %arg5: memref<1x48x427xf32, #tpu.memory_space<vmem>>) attributes {dimension_semantics = [#tpu.dimension_semantics<arbitrary>], iteration_bounds = array<i64: 32>, scalar_prefetch = 0 : i64, scratch_operands = 0 : i64, tpu.core_type = #tpu.core_type<tc>, window_params = [{transform_indices = @transform_0, window_bounds = array<i64: 1, 48, 427>}, {transform_indices = @transform_1, window_bounds = array<i64: 1, 2562, 427>}, {transform_indices = @transform_2, window_bounds = array<i64: 1, 3, 427>}, {transform_indices = @transform_3, window_bounds = array<i64: 1, 3, 427>}, {transform_indices = @transform_4, window_bounds = array<i64: 1, 48, 427>}]} {
    %get3A = arith.constant 0 : index
    %get3A_0 = arith.constant 0 : index
    %get3A_1 = arith.constant 0 : index
    %get3A_2 = vector.load %arg1[%get3A, %get3A_0, %get3A_1] : memref<1x48x427xf32, #tpu.memory_space<vmem>>, vector<1x48x427xf32>
    %get3A_3 = vector.shape_cast %get3A_2 : vector<1x48x427xf32> to vector<48x427xf32>
    %get3A_4 = arith.constant 0 : index
    %get3A_5 = arith.constant 0 : index
    %get3A_6 = arith.constant 0 : index
    %get3A_7 = vector.load %arg4[%get3A_4, %get3A_5, %get3A_6] : memref<1x3x427xf32, #tpu.memory_space<vmem>>, vector<1x1x427xf32>
    %get3A_8 = vector.shape_cast %get3A_7 : vector<1x1x427xf32> to vector<1x427xf32>
    %get3A_9 = arith.constant 0 : index
    %get3A_10 = arith.constant 1 : index
    %get3A_11 = arith.constant 0 : index
    %get3A_12 = vector.load %arg4[%get3A_9, %get3A_10, %get3A_11] : memref<1x3x427xf32, #tpu.memory_space<vmem>>, vector<1x1x427xf32>
    %get3A_13 = vector.shape_cast %get3A_12 : vector<1x1x427xf32> to vector<1x427xf32>
    %get3A_14 = arith.constant 0 : index
    %get3A_15 = arith.constant 2 : index
    %get3A_16 = arith.constant 0 : index
    %get3A_17 = vector.load %arg4[%get3A_14, %get3A_15, %get3A_16] : memref<1x3x427xf32, #tpu.memory_space<vmem>>, vector<1x1x427xf32>
    %get3A_18 = vector.shape_cast %get3A_17 : vector<1x1x427xf32> to vector<1x427xf32>
    %mul3A = vector.broadcast %get3A_8 : vector<1x427xf32> to vector<48x427xf32>
    %mul3A_19 = arith.mulf %get3A_3, %mul3A : vector<48x427xf32>
    %reduce_sum3A = arith.constant dense<0.000000e+00> : vector<48xf32>
    %reduce_sum3A_20 = vector.multi_reduction <add>, %mul3A_19, %reduce_sum3A [1] : vector<48x427xf32> to vector<48xf32>
    %broadcast_in_dim3A = vector.shape_cast %reduce_sum3A_20 : vector<48xf32> to vector<48x1xf32>
    %dot_general3A = arith.constant dense<0.000000e+00> : vector<1x48xf32>
    %dot_general3A_21 = tpu.matmul %get3A_13, %get3A_3, %dot_general3A {dimension_numbers = #tpu.dot_dimension_numbers<[1], [1], [0], [0], [0, 0, 1, 0], [], []>, transpose_lhs_hint = false} : vector<1x427xf32>, vector<48x427xf32>, vector<1x48xf32> -> vector<1x48xf32>
    %mul3A_22 = vector.broadcast %get3A_18 : vector<1x427xf32> to vector<48x427xf32>
    %mul3A_23 = arith.mulf %get3A_3, %mul3A_22 : vector<48x427xf32>
    %dot_general3A_24 = arith.constant dense<0.000000e+00> : vector<48x48xf32>
    %dot_general3A_25 = tpu.matmul %mul3A_23, %get3A_3, %dot_general3A_24 {dimension_numbers = #tpu.dot_dimension_numbers<[1], [1], [0], [0], [0, 0, 1, 0], [], []>, transpose_lhs_hint = false} : vector<48x427xf32>, vector<48x427xf32>, vector<48x48xf32> -> vector<48x48xf32>
    %add3A = vector.broadcast %broadcast_in_dim3A : vector<48x1xf32> to vector<48x48xf32>
    %add3A_26 = vector.broadcast %dot_general3A_21 : vector<1x48xf32> to vector<48x48xf32>
    %add3A_27 = arith.addf %add3A, %add3A_26 : vector<48x48xf32>
    %add3A_28 = arith.addf %add3A_27, %dot_general3A_25 : vector<48x48xf32>
    %reduce_max3A = arith.constant dense<0xFF800000> : vector<48xf32>
    %reduce_max3A_29 = vector.multi_reduction <maximumf>, %add3A_28, %reduce_max3A [1] : vector<48x48xf32> to vector<48xf32>
    %broadcast_in_dim3A_30 = vector.shape_cast %reduce_max3A_29 : vector<48xf32> to vector<48x1xf32>
    %sub3A = vector.broadcast %broadcast_in_dim3A_30 : vector<48x1xf32> to vector<48x48xf32>
    %sub3A_31 = arith.subf %add3A_28, %sub3A : vector<48x48xf32>
    %exp3A = math.exp %sub3A_31 : vector<48x48xf32>
    %reduce_sum3A_32 = arith.constant dense<0.000000e+00> : vector<48xf32>
    %reduce_sum3A_33 = vector.multi_reduction <add>, %exp3A, %reduce_sum3A_32 [1] : vector<48x48xf32> to vector<48xf32>
    %broadcast_in_dim3A_34 = vector.shape_cast %reduce_sum3A_33 : vector<48xf32> to vector<48x1xf32>
    %div3A = vector.broadcast %broadcast_in_dim3A_34 : vector<48x1xf32> to vector<48x48xf32>
    %div3A_35 = arith.divf %exp3A, %div3A : vector<48x48xf32>
    %dot_general3A_36 = arith.constant dense<0.000000e+00> : vector<48x427xf32>
    %dot_general3A_37 = tpu.matmul %div3A_35, %get3A_3, %dot_general3A_36 {dimension_numbers = #tpu.dot_dimension_numbers<[1], [0], [0], [1], [0, 0, 1, 1], [], []>, transpose_lhs_hint = false} : vector<48x48xf32>, vector<48x427xf32>, vector<48x427xf32> -> vector<48x427xf32>
    %concatenate3A = tpu.concatenate %get3A_3, %dot_general3A_37 in 1 : vector<48x427xf32>, vector<48x427xf32> -> vector<48x854xf32>
    %get3A_38 = arith.constant 0 : index
    %get3A_39 = arith.constant 0 : index
    %get3A_40 = arith.constant 0 : index
    %get3A_41 = vector.load %arg2[%get3A_38, %get3A_39, %get3A_40] : memref<1x2562x427xf32, #tpu.memory_space<vmem>>, vector<1x2562x427xf32>
    %get3A_42 = vector.shape_cast %get3A_41 : vector<1x2562x427xf32> to vector<2562x427xf32>
    %slice3A = vector.extract_strided_slice %get3A_42 {offsets = [0, 0], sizes = [854, 427], strides = [1, 1]} : vector<2562x427xf32> to vector<854x427xf32>
    %dot_general3A_43 = arith.constant dense<0.000000e+00> : vector<48x427xf32>
    %dot_general3A_44 = tpu.matmul %concatenate3A, %slice3A, %dot_general3A_43 {dimension_numbers = #tpu.dot_dimension_numbers<[1], [0], [0], [1], [0, 0, 1, 1], [], []>, transpose_lhs_hint = false} : vector<48x854xf32>, vector<854x427xf32>, vector<48x427xf32> -> vector<48x427xf32>
    %get3A_45 = arith.constant 0 : index
    %get3A_46 = arith.constant 0 : index
    %get3A_47 = arith.constant 0 : index
    %get3A_48 = vector.load %arg3[%get3A_45, %get3A_46, %get3A_47] : memref<1x3x427xf32, #tpu.memory_space<vmem>>, vector<1x1x427xf32>
    %get3A_49 = vector.shape_cast %get3A_48 : vector<1x1x427xf32> to vector<1x427xf32>
    %add3A_50 = vector.broadcast %get3A_49 : vector<1x427xf32> to vector<48x427xf32>
    %add3A_51 = arith.addf %dot_general3A_44, %add3A_50 : vector<48x427xf32>
    %tanh3A = math.tanh %add3A_51 : vector<48x427xf32>
    %slice3A_52 = vector.extract_strided_slice %get3A_42 {offsets = [854, 0], sizes = [854, 427], strides = [1, 1]} : vector<2562x427xf32> to vector<854x427xf32>
    %dot_general3A_53 = arith.constant dense<0.000000e+00> : vector<48x427xf32>
    %dot_general3A_54 = tpu.matmul %concatenate3A, %slice3A_52, %dot_general3A_53 {dimension_numbers = #tpu.dot_dimension_numbers<[1], [0], [0], [1], [0, 0, 1, 1], [], []>, transpose_lhs_hint = false} : vector<48x854xf32>, vector<854x427xf32>, vector<48x427xf32> -> vector<48x427xf32>
    %get3A_55 = arith.constant 0 : index
    %get3A_56 = arith.constant 1 : index
    %get3A_57 = arith.constant 0 : index
    %get3A_58 = vector.load %arg3[%get3A_55, %get3A_56, %get3A_57] : memref<1x3x427xf32, #tpu.memory_space<vmem>>, vector<1x1x427xf32>
    %get3A_59 = vector.shape_cast %get3A_58 : vector<1x1x427xf32> to vector<1x427xf32>
    %add3A_60 = vector.broadcast %get3A_59 : vector<1x427xf32> to vector<48x427xf32>
    %add3A_61 = arith.addf %dot_general3A_54, %add3A_60 : vector<48x427xf32>
    %logistic3A = arith.negf %add3A_61 : vector<48x427xf32>
    %logistic3A_62 = math.exp %logistic3A : vector<48x427xf32>
    %logistic3A_63 = arith.constant 1.000000e+00 : f32
    %logistic3A_64 = vector.broadcast %logistic3A_63 : f32 to vector<48x427xf32>
    %logistic3A_65 = arith.addf %logistic3A_64, %logistic3A_62 : vector<48x427xf32>
    %logistic3A_66 = arith.divf %logistic3A_64, %logistic3A_65 : vector<48x427xf32>
    %slice3A_67 = vector.extract_strided_slice %get3A_42 {offsets = [1708, 0], sizes = [854, 427], strides = [1, 1]} : vector<2562x427xf32> to vector<854x427xf32>
    %dot_general3A_68 = arith.constant dense<0.000000e+00> : vector<48x427xf32>
    %dot_general3A_69 = tpu.matmul %concatenate3A, %slice3A_67, %dot_general3A_68 {dimension_numbers = #tpu.dot_dimension_numbers<[1], [0], [0], [1], [0, 0, 1, 1], [], []>, transpose_lhs_hint = false} : vector<48x854xf32>, vector<854x427xf32>, vector<48x427xf32> -> vector<48x427xf32>
    %get3A_70 = arith.constant 0 : index
    %get3A_71 = arith.constant 2 : index
    %get3A_72 = arith.constant 0 : index
    %get3A_73 = vector.load %arg3[%get3A_70, %get3A_71, %get3A_72] : memref<1x3x427xf32, #tpu.memory_space<vmem>>, vector<1x1x427xf32>
    %get3A_74 = vector.shape_cast %get3A_73 : vector<1x1x427xf32> to vector<1x427xf32>
    %add3A_75 = vector.broadcast %get3A_74 : vector<1x427xf32> to vector<48x427xf32>
    %add3A_76 = arith.addf %dot_general3A_69, %add3A_75 : vector<48x427xf32>
    %logistic3A_77 = arith.negf %add3A_76 : vector<48x427xf32>
    %logistic3A_78 = math.exp %logistic3A_77 : vector<48x427xf32>
    %logistic3A_79 = arith.constant 1.000000e+00 : f32
    %logistic3A_80 = vector.broadcast %logistic3A_79 : f32 to vector<48x427xf32>
    %logistic3A_81 = arith.addf %logistic3A_80, %logistic3A_78 : vector<48x427xf32>
    %logistic3A_82 = arith.divf %logistic3A_80, %logistic3A_81 : vector<48x427xf32>
    %mul3A_83 = arith.mulf %logistic3A_66, %get3A_3 : vector<48x427xf32>
    %mul3A_84 = arith.mulf %logistic3A_82, %tanh3A : vector<48x427xf32>
    %add3A_85 = arith.addf %mul3A_83, %mul3A_84 : vector<48x427xf32>
    %swap3A = arith.constant 0 : index
    %swap3A_86 = arith.constant 0 : index
    %swap3A_87 = arith.constant 0 : index
    %swap3A_88 = vector.load %arg5[%swap3A, %swap3A_86, %swap3A_87] : memref<1x48x427xf32, #tpu.memory_space<vmem>>, vector<1x48x427xf32>
    %swap3A_89 = vector.shape_cast %swap3A_88 : vector<1x48x427xf32> to vector<48x427xf32>
    %swap3A_90 = vector.shape_cast %add3A_85 : vector<48x427xf32> to vector<1x48x427xf32>
    tpu.vector_store %arg5[%swap3A, %swap3A_86, %swap3A_87], %swap3A_90 {strides = array<i32>} : memref<1x48x427xf32, #tpu.memory_space<vmem>>, vector<1x48x427xf32>,
    return
  }
  func.func @transform_0(%arg0: i32) -> (i32, i32, i32) {
    %c0_i32 = arith.constant 0 : i32
    %c0_i32_0 = arith.constant 0 : i32
    %c0_i32_1 = arith.constant 0 : i32
    return %arg0, %c0_i32, %c0_i32_0 : i32, i32, i32
  }
  func.func @transform_1(%arg0: i32) -> (i32, i32, i32) {
    %jit3A = arith.constant 16 : i32
    %div3A = arith.divsi %arg0, %jit3A : i32
    %sign3A = arith.constant 0 : i32
    %sign3A_0 = arith.cmpi sgt, %arg0, %sign3A : i32
    %sign3A_1 = arith.extui %sign3A_0 : i1 to i32
    %sign3A_2 = arith.constant 0 : i32
    %sign3A_3 = arith.cmpi slt, %arg0, %sign3A_2 : i32
    %sign3A_4 = arith.extui %sign3A_3 : i1 to i32
    %sign3A_5 = arith.subi %sign3A_1, %sign3A_4 : i32
    %sign3A_6 = arith.constant 0 : i32
    %sign3A_7 = arith.cmpi sgt, %jit3A, %sign3A_6 : i32
    %sign3A_8 = arith.extui %sign3A_7 : i1 to i32
    %sign3A_9 = arith.constant 0 : i32
    %sign3A_10 = arith.cmpi slt, %jit3A, %sign3A_9 : i32
    %sign3A_11 = arith.extui %sign3A_10 : i1 to i32
    %sign3A_12 = arith.subi %sign3A_8, %sign3A_11 : i32
    %ne3A = arith.cmpi ne, %sign3A_5, %sign3A_12 : i32
    %rem3A = arith.remsi %arg0, %jit3A : i32
    %ne3A_13 = arith.constant 0 : i32
    %ne3A_14 = arith.cmpi ne, %rem3A, %ne3A_13 : i32
    %and3A = arith.andi %ne3A, %ne3A_14 : i1
    %sub3A = arith.constant 1 : i32
    %sub3A_15 = arith.subi %div3A, %sub3A : i32
    %select_n3A = arith.select %and3A, %sub3A_15, %div3A : i32
    %c0_i32 = arith.constant 0 : i32
    %c0_i32_16 = arith.constant 0 : i32
    %c0_i32_17 = arith.constant 0 : i32
    return %select_n3A, %c0_i32, %c0_i32_16 : i32, i32, i32
  }
  func.func @transform_2(%arg0: i32) -> (i32, i32, i32) {
    %jit3A = arith.constant 16 : i32
    %div3A = arith.divsi %arg0, %jit3A : i32
    %sign3A = arith.constant 0 : i32
    %sign3A_0 = arith.cmpi sgt, %arg0, %sign3A : i32
    %sign3A_1 = arith.extui %sign3A_0 : i1 to i32
    %sign3A_2 = arith.constant 0 : i32
    %sign3A_3 = arith.cmpi slt, %arg0, %sign3A_2 : i32
    %sign3A_4 = arith.extui %sign3A_3 : i1 to i32
    %sign3A_5 = arith.subi %sign3A_1, %sign3A_4 : i32
    %sign3A_6 = arith.constant 0 : i32
    %sign3A_7 = arith.cmpi sgt, %jit3A, %sign3A_6 : i32
    %sign3A_8 = arith.extui %sign3A_7 : i1 to i32
    %sign3A_9 = arith.constant 0 : i32
    %sign3A_10 = arith.cmpi slt, %jit3A, %sign3A_9 : i32
    %sign3A_11 = arith.extui %sign3A_10 : i1 to i32
    %sign3A_12 = arith.subi %sign3A_8, %sign3A_11 : i32
    %ne3A = arith.cmpi ne, %sign3A_5, %sign3A_12 : i32
    %rem3A = arith.remsi %arg0, %jit3A : i32
    %ne3A_13 = arith.constant 0 : i32
    %ne3A_14 = arith.cmpi ne, %rem3A, %ne3A_13 : i32
    %and3A = arith.andi %ne3A, %ne3A_14 : i1
    %sub3A = arith.constant 1 : i32
    %sub3A_15 = arith.subi %div3A, %sub3A : i32
    %select_n3A = arith.select %and3A, %sub3A_15, %div3A : i32
    %c0_i32 = arith.constant 0 : i32
    %c0_i32_16 = arith.constant 0 : i32
    %c0_i32_17 = arith.constant 0 : i32
    return %select_n3A, %c0_i32, %c0_i32_16 : i32, i32, i32
  }
  func.func @transform_3(%arg0: i32) -> (i32, i32, i32) {
    %jit3A = arith.constant 16 : i32
    %div3A = arith.divsi %arg0, %jit3A : i32
    %sign3A = arith.constant 0 : i32
    %sign3A_0 = arith.cmpi sgt, %arg0, %sign3A : i32
    %sign3A_1 = arith.extui %sign3A_0 : i1 to i32
    %sign3A_2 = arith.constant 0 : i32
    %sign3A_3 = arith.cmpi slt, %arg0, %sign3A_2 : i32
    %sign3A_4 = arith.extui %sign3A_3 : i1 to i32
    %sign3A_5 = arith.subi %sign3A_1, %sign3A_4 : i32
    %sign3A_6 = arith.constant 0 : i32
    %sign3A_7 = arith.cmpi sgt, %jit3A, %sign3A_6 : i32
    %sign3A_8 = arith.extui %sign3A_7 : i1 to i32
    %sign3A_9 = arith.constant 0 : i32
    %sign3A_10 = arith.cmpi slt, %jit3A, %sign3A_9 : i32
    %sign3A_11 = arith.extui %sign3A_10 : i1 to i32
    %sign3A_12 = arith.subi %sign3A_8, %sign3A_11 : i32
    %ne3A = arith.cmpi ne, %sign3A_5, %sign3A_12 : i32
    %rem3A = arith.remsi %arg0, %jit3A : i32
    %ne3A_13 = arith.constant 0 : i32
    %ne3A_14 = arith.cmpi ne, %rem3A, %ne3A_13 : i32
    %and3A = arith.andi %ne3A, %ne3A_14 : i1
    %sub3A = arith.constant 1 : i32
    %sub3A_15 = arith.subi %div3A, %sub3A : i32
    %select_n3A = arith.select %and3A, %sub3A_15, %div3A : i32
    %c0_i32 = arith.constant 0 : i32
    %c0_i32_16 = arith.constant 0 : i32
    %c0_i32_17 = arith.constant 0 : i32
    return %select_n3A, %c0_i32, %c0_i32_16 : i32, i32, i32
  }
  func.func @transform_4(%arg0: i32) -> (i32, i32, i32) {
    %c0_i32 = arith.constant 0 : i32
    %c0_i32_0 = arith.constant 0 : i32
    %c0_i32_1 = arith.constant 0 : i32
    return %arg0, %c0_i32, %c0_i32_0 : i32, i32, i32
  }
}

module attributes {stable_mosaic.version = 14 : i64} {
  func.func @_inter_kernel(%arg0: i32, %arg1: memref<1x48x427xf32, #tpu.memory_space<vmem>>, %arg2: memref<1x48x427xf32, #tpu.memory_space<vmem>>, %arg3: memref<427x128xf32, #tpu.memory_space<vmem>>, %arg4: memref<1x128xf32, #tpu.memory_space<vmem>>, %arg5: memref<1x2304x128xf32, #tpu.memory_space<vmem>>) attributes {dimension_semantics = [#tpu.dimension_semantics<arbitrary>], iteration_bounds = array<i64: 16>, scalar_prefetch = 0 : i64, scratch_operands = 0 : i64, tpu.core_type = #tpu.core_type<tc>, window_params = [{transform_indices = @transform_0, window_bounds = array<i64: 1, 48, 427>}, {transform_indices = @transform_1, window_bounds = array<i64: 1, 48, 427>}, {pipeline_mode = #tpu.pipeline_mode<synchronous>, transform_indices = @transform_2, window_bounds = array<i64: 427, 128>}, {pipeline_mode = #tpu.pipeline_mode<synchronous>, transform_indices = @transform_3, window_bounds = array<i64: 1, 128>}, {transform_indices = @transform_4, window_bounds = array<i64: 1, 2304, 128>}]} {
    %get3A = arith.constant 0 : index
    %get3A_0 = arith.constant 0 : index
    %get3A_1 = arith.constant 0 : index
    %get3A_2 = vector.load %arg1[%get3A, %get3A_0, %get3A_1] : memref<1x48x427xf32, #tpu.memory_space<vmem>>, vector<1x48x427xf32>
    %get3A_3 = vector.shape_cast %get3A_2 : vector<1x48x427xf32> to vector<48x427xf32>
    %get3A_4 = arith.constant 0 : index
    %get3A_5 = arith.constant 0 : index
    %get3A_6 = arith.constant 0 : index
    %get3A_7 = vector.load %arg2[%get3A_4, %get3A_5, %get3A_6] : memref<1x48x427xf32, #tpu.memory_space<vmem>>, vector<1x48x427xf32>
    %get3A_8 = vector.shape_cast %get3A_7 : vector<1x48x427xf32> to vector<48x427xf32>
    %broadcast_in_dim3A = vector.shape_cast %get3A_3 : vector<48x427xf32> to vector<48x1x427xf32>
    %broadcast_in_dim3A_9 = vector.shape_cast %broadcast_in_dim3A : vector<48x1x427xf32> to vector<48x1x427xf32>
    %broadcast_in_dim3A_10 = vector.broadcast %broadcast_in_dim3A_9 : vector<48x1x427xf32> to vector<48x48x427xf32>
    %reshape3A = vector.shape_cast %broadcast_in_dim3A_10 : vector<48x48x427xf32> to vector<2304x427xf32>
    %broadcast_in_dim3A_11 = vector.shape_cast %get3A_8 : vector<48x427xf32> to vector<1x48x427xf32>
    %broadcast_in_dim3A_12 = vector.shape_cast %broadcast_in_dim3A_11 : vector<1x48x427xf32> to vector<1x48x427xf32>
    %broadcast_in_dim3A_13 = vector.broadcast %broadcast_in_dim3A_12 : vector<1x48x427xf32> to vector<48x48x427xf32>
    %reshape3A_14 = vector.shape_cast %broadcast_in_dim3A_13 : vector<48x48x427xf32> to vector<2304x427xf32>
    %mul3A = arith.mulf %reshape3A, %reshape3A_14 : vector<2304x427xf32>
    %get3A_15 = arith.constant 0 : index
    %get3A_16 = arith.constant 0 : index
    %get3A_17 = vector.load %arg3[%get3A_15, %get3A_16] : memref<427x128xf32, #tpu.memory_space<vmem>>, vector<427x128xf32>
    %dot_general3A = arith.constant dense<0.000000e+00> : vector<2304x128xf32>
    %dot_general3A_18 = tpu.matmul %mul3A, %get3A_17, %dot_general3A {dimension_numbers = #tpu.dot_dimension_numbers<[1], [0], [0], [1], [0, 0, 1, 1], [], []>, transpose_lhs_hint = false} : vector<2304x427xf32>, vector<427x128xf32>, vector<2304x128xf32> -> vector<2304x128xf32>
    %get3A_19 = arith.constant 0 : index
    %get3A_20 = arith.constant 0 : index
    %get3A_21 = vector.load %arg4[%get3A_19, %get3A_20] : memref<1x128xf32, #tpu.memory_space<vmem>>, vector<1x128xf32>
    %add3A = vector.broadcast %get3A_21 : vector<1x128xf32> to vector<2304x128xf32>
    %add3A_22 = arith.addf %dot_general3A_18, %add3A : vector<2304x128xf32>
    %swap3A = arith.constant 0 : index
    %swap3A_23 = arith.constant 0 : index
    %swap3A_24 = arith.constant 0 : index
    %swap3A_25 = vector.load %arg5[%swap3A, %swap3A_23, %swap3A_24] : memref<1x2304x128xf32, #tpu.memory_space<vmem>>, vector<1x2304x128xf32>
    %swap3A_26 = vector.shape_cast %swap3A_25 : vector<1x2304x128xf32> to vector<2304x128xf32>
    %swap3A_27 = vector.shape_cast %add3A_22 : vector<2304x128xf32> to vector<1x2304x128xf32>
    tpu.vector_store %arg5[%swap3A, %swap3A_23, %swap3A_24], %swap3A_27 {strides = array<i32>} : memref<1x2304x128xf32, #tpu.memory_space<vmem>>, vector<1x2304x128xf32>,
    return
  }
  func.func @transform_0(%arg0: i32) -> (i32, i32, i32) {
    %c0_i32 = arith.constant 0 : i32
    %c0_i32_0 = arith.constant 0 : i32
    %c0_i32_1 = arith.constant 0 : i32
    return %arg0, %c0_i32, %c0_i32_0 : i32, i32, i32
  }
  func.func @transform_1(%arg0: i32) -> (i32, i32, i32) {
    %c0_i32 = arith.constant 0 : i32
    %c0_i32_0 = arith.constant 0 : i32
    %c0_i32_1 = arith.constant 0 : i32
    return %arg0, %c0_i32, %c0_i32_0 : i32, i32, i32
  }
  func.func @transform_2(%arg0: i32) -> (i32, i32) {
    %c0_i32 = arith.constant 0 : i32
    %c0_i32_0 = arith.constant 0 : i32
    %c0_i32_1 = arith.constant 0 : i32
    return %c0_i32, %c0_i32_0 : i32, i32
  }
  func.func @transform_3(%arg0: i32) -> (i32, i32) {
    %c0_i32 = arith.constant 0 : i32
    %c0_i32_0 = arith.constant 0 : i32
    %c0_i32_1 = arith.constant 0 : i32
    return %c0_i32, %c0_i32_0 : i32, i32
  }
  func.func @transform_4(%arg0: i32) -> (i32, i32, i32) {
    %c0_i32 = arith.constant 0 : i32
    %c0_i32_0 = arith.constant 0 : i32
    %c0_i32_1 = arith.constant 0 : i32
    return %arg0, %c0_i32, %c0_i32_0 : i32, i32, i32
  }
}

module attributes {stable_mosaic.version = 14 : i64} {
  func.func @_block_kernel(%arg0: i32, %arg1: memref<1x2304x128xf32, #tpu.memory_space<vmem>>, %arg2: memref<1584x180xf32, #tpu.memory_space<vmem>>, %arg3: memref<288x144xf32, #tpu.memory_space<vmem>>, %arg4: memref<576x2304xf32, #tpu.memory_space<vmem>>, %arg5: memref<1x576x144xf32, #tpu.memory_space<vmem>>, %arg6: memref<2304x288xf32, #tpu.memory_space<vmem>>) attributes {dimension_semantics = [#tpu.dimension_semantics<arbitrary>], iteration_bounds = array<i64: 16>, scalar_prefetch = 0 : i64, scratch_operands = 1 : i64, tpu.core_type = #tpu.core_type<tc>, window_params = [{transform_indices = @transform_0, window_bounds = array<i64: 1, 2304, 128>}, {pipeline_mode = #tpu.pipeline_mode<synchronous>, transform_indices = @transform_1, window_bounds = array<i64: 1584, 180>}, {pipeline_mode = #tpu.pipeline_mode<synchronous>, transform_indices = @transform_2, window_bounds = array<i64: 288, 144>}, {pipeline_mode = #tpu.pipeline_mode<synchronous>, transform_indices = @transform_3, window_bounds = array<i64: 576, 2304>}, {transform_indices = @transform_4, window_bounds = array<i64: 1, 576, 144>}]} {
    %get3A = arith.constant 0 : index
    %get3A_0 = arith.constant 0 : index
    %get3A_1 = arith.constant 0 : index
    %get3A_2 = vector.load %arg1[%get3A, %get3A_0, %get3A_1] : memref<1x2304x128xf32, #tpu.memory_space<vmem>>, vector<1x2304x128xf32>
    %get3A_3 = vector.shape_cast %get3A_2 : vector<1x2304x128xf32> to vector<2304x128xf32>
    %swap3A = arith.constant 0 : index
    %swap3A_4 = arith.constant 0 : index
    %swap3A_5 = vector.load %arg6[%swap3A, %swap3A_4] : memref<2304x288xf32, #tpu.memory_space<vmem>>, vector<2304x128xf32>
    tpu.vector_store %arg6[%swap3A, %swap3A_4], %get3A_3 {strides = array<i32>} : memref<2304x288xf32, #tpu.memory_space<vmem>>, vector<2304x128xf32>,
    %iota3A = tpu.iota {dimensions = array<i32: 0>} : vector<2304x20xi32>
    %jit3A = arith.constant 48 : i32
    %eq3A = arith.constant 0 : i32
    %eq3A_6 = arith.cmpi eq, %jit3A, %eq3A : i32
    %jit3A_7 = arith.constant 1 : i32
    %select_n3A = arith.select %eq3A_6, %jit3A_7, %jit3A : i32
    %rem3A = vector.broadcast %select_n3A : i32 to vector<2304x20xi32>
    %rem3A_8 = arith.remsi %iota3A, %rem3A : vector<2304x20xi32>
    %ne3A = arith.constant 0 : i32
    %ne3A_9 = vector.broadcast %ne3A : i32 to vector<2304x20xi32>
    %ne3A_10 = arith.cmpi ne, %rem3A_8, %ne3A_9 : vector<2304x20xi32>
    %lt3A = arith.constant 0 : i32
    %lt3A_11 = vector.broadcast %lt3A : i32 to vector<2304x20xi32>
    %lt3A_12 = arith.cmpi slt, %rem3A_8, %lt3A_11 : vector<2304x20xi32>
    %lt3A_13 = arith.constant 0 : i32
    %lt3A_14 = arith.cmpi slt, %select_n3A, %lt3A_13 : i32
    %ne3A_15 = vector.broadcast %lt3A_14 : i1 to vector<2304x20xi1>
    %ne3A_16 = vector.broadcast %ne3A_15 : vector<2304x20xi1> to vector<2304x20xi1>
    %ne3A_17 = arith.xori %lt3A_12, %ne3A_16 : vector<2304x20xi1>
    %and3A = arith.andi %ne3A_17, %ne3A_10 : vector<2304x20xi1>
    %add3A = vector.broadcast %select_n3A : i32 to vector<2304x20xi32>
    %add3A_18 = arith.addi %rem3A_8, %add3A : vector<2304x20xi32>
    %select_n3A_19 = arith.select %and3A, %add3A_18, %rem3A_8 : vector<2304x20xi1>, vector<2304x20xi32>
    %ge3A = arith.constant 1 : i32
    %ge3A_20 = vector.broadcast %ge3A : i32 to vector<2304x20xi32>
    %ge3A_21 = arith.cmpi sge, %select_n3A_19, %ge3A_20 : vector<2304x20xi32>
    %le3A = arith.constant 46 : i32
    %le3A_22 = vector.broadcast %le3A : i32 to vector<2304x20xi32>
    %le3A_23 = arith.cmpi sle, %select_n3A_19, %le3A_22 : vector<2304x20xi32>
    %broadcast_in_dim3A = arith.constant 0.000000e+00 : f32
    %broadcast_in_dim3A_24 = vector.broadcast %broadcast_in_dim3A : f32 to vector<49x180xf32>
    %get3A_25 = arith.constant 0 : index
    %get3A_26 = arith.constant 0 : index
    %get3A_27 = vector.load %arg6[%get3A_25, %get3A_26] : memref<2304x288xf32, #tpu.memory_space<vmem>>, vector<2304x128xf32>
    %convert_element_type3A = arith.truncf %get3A_27 : vector<2304x128xf32> to vector<2304x128xbf16>
    %get3A_28 = arith.constant 0 : index
    %get3A_29 = arith.constant 0 : index
    %get3A_30 = vector.load %arg2[%get3A_28, %get3A_29] : memref<1584x180xf32, #tpu.memory_space<vmem>>, vector<128x180xf32>
    %convert_element_type3A_31 = arith.truncf %get3A_30 : vector<128x180xf32> to vector<128x180xbf16>
    %dot_general3A = arith.constant dense<0.000000e+00> : vector<2304x180xf32>
    %dot_general3A_32 = tpu.matmul %convert_element_type3A, %convert_element_type3A_31, %dot_general3A {dimension_numbers = #tpu.dot_dimension_numbers<[1], [0], [0], [1], [0, 0, 1, 1], [], []>, transpose_lhs_hint = false} : vector<2304x128xbf16>, vector<128x180xbf16>, vector<2304x180xf32> -> vector<2304x180xf32>
    %concatenate3A = tpu.concatenate %broadcast_in_dim3A_24, %dot_general3A_32, %broadcast_in_dim3A_24 in 0 : vector<49x180xf32>, vector<2304x180xf32>, vector<49x180xf32> -> vector<2402x180xf32>
    %broadcast_in_dim3A_33 = arith.constant 0.000000e+00 : f32
    %broadcast_in_dim3A_34 = vector.broadcast %broadcast_in_dim3A_33 : f32 to vector<2304x20xf32>
    %slice3A = vector.extract_strided_slice %concatenate3A {offsets = [0, 0], sizes = [2304, 20], strides = [1, 1]} : vector<2402x180xf32> to vector<2304x20xf32>
    %jit3A_35 = arith.constant 0.000000e+00 : f32
    %broadcast_in_dim3A_36 = vector.broadcast %jit3A_35 : f32 to vector<2304x20xf32>
    %select_n3A_37 = arith.select %ge3A_21, %slice3A, %broadcast_in_dim3A_36 : vector<2304x20xi1>, vector<2304x20xf32>
    %add3A_38 = arith.addf %broadcast_in_dim3A_34, %select_n3A_37 : vector<2304x20xf32>
    %slice3A_39 = vector.extract_strided_slice %concatenate3A {offsets = [1, 20], sizes = [2304, 20], strides = [1, 1]} : vector<2402x180xf32> to vector<2304x20xf32>
    %add3A_40 = arith.addf %add3A_38, %slice3A_39 : vector<2304x20xf32>
    %slice3A_41 = vector.extract_strided_slice %concatenate3A {offsets = [2, 40], sizes = [2304, 20], strides = [1, 1]} : vector<2402x180xf32> to vector<2304x20xf32>
    %jit3A_42 = arith.constant 0.000000e+00 : f32
    %broadcast_in_dim3A_43 = vector.broadcast %jit3A_42 : f32 to vector<2304x20xf32>
    %select_n3A_44 = arith.select %le3A_23, %slice3A_41, %broadcast_in_dim3A_43 : vector<2304x20xi1>, vector<2304x20xf32>
    %add3A_45 = arith.addf %add3A_40, %select_n3A_44 : vector<2304x20xf32>
    %slice3A_46 = vector.extract_strided_slice %concatenate3A {offsets = [48, 60], sizes = [2304, 20], strides = [1, 1]} : vector<2402x180xf32> to vector<2304x20xf32>
    %jit3A_47 = arith.constant 0.000000e+00 : f32
    %broadcast_in_dim3A_48 = vector.broadcast %jit3A_47 : f32 to vector<2304x20xf32>
    %select_n3A_49 = arith.select %ge3A_21, %slice3A_46, %broadcast_in_dim3A_48 : vector<2304x20xi1>, vector<2304x20xf32>
    %add3A_50 = arith.addf %add3A_45, %select_n3A_49 : vector<2304x20xf32>
    %slice3A_51 = vector.extract_strided_slice %concatenate3A {offsets = [49, 80], sizes = [2304, 20], strides = [1, 1]} : vector<2402x180xf32> to vector<2304x20xf32>
    %add3A_52 = arith.addf %add3A_50, %slice3A_51 : vector<2304x20xf32>
    %slice3A_53 = vector.extract_strided_slice %concatenate3A {offsets = [50, 100], sizes = [2304, 20], strides = [1, 1]} : vector<2402x180xf32> to vector<2304x20xf32>
    %jit3A_54 = arith.constant 0.000000e+00 : f32
    %broadcast_in_dim3A_55 = vector.broadcast %jit3A_54 : f32 to vector<2304x20xf32>
    %select_n3A_56 = arith.select %le3A_23, %slice3A_53, %broadcast_in_dim3A_55 : vector<2304x20xi1>, vector<2304x20xf32>
    %add3A_57 = arith.addf %add3A_52, %select_n3A_56 : vector<2304x20xf32>
    %slice3A_58 = vector.extract_strided_slice %concatenate3A {offsets = [96, 120], sizes = [2304, 20], strides = [1, 1]} : vector<2402x180xf32> to vector<2304x20xf32>
    %jit3A_59 = arith.constant 0.000000e+00 : f32
    %broadcast_in_dim3A_60 = vector.broadcast %jit3A_59 : f32 to vector<2304x20xf32>
    %select_n3A_61 = arith.select %ge3A_21, %slice3A_58, %broadcast_in_dim3A_60 : vector<2304x20xi1>, vector<2304x20xf32>
    %add3A_62 = arith.addf %add3A_57, %select_n3A_61 : vector<2304x20xf32>
    %slice3A_63 = vector.extract_strided_slice %concatenate3A {offsets = [97, 140], sizes = [2304, 20], strides = [1, 1]} : vector<2402x180xf32> to vector<2304x20xf32>
    %add3A_64 = arith.addf %add3A_62, %slice3A_63 : vector<2304x20xf32>
    %slice3A_65 = vector.extract_strided_slice %concatenate3A {offsets = [98, 160], sizes = [2304, 20], strides = [1, 1]} : vector<2402x180xf32> to vector<2304x20xf32>
    %jit3A_66 = arith.constant 0.000000e+00 : f32
    %broadcast_in_dim3A_67 = vector.broadcast %jit3A_66 : f32 to vector<2304x20xf32>
    %select_n3A_68 = arith.select %le3A_23, %slice3A_65, %broadcast_in_dim3A_67 : vector<2304x20xi1>, vector<2304x20xf32>
    %add3A_69 = arith.addf %add3A_64, %select_n3A_68 : vector<2304x20xf32>
    %max3A = arith.constant 0.000000e+00 : f32
    %max3A_70 = vector.broadcast %max3A : f32 to vector<2304x20xf32>
    %max3A_71 = arith.maximumf %add3A_69, %max3A_70 : vector<2304x20xf32>
    %swap3A_72 = arith.constant 0 : index
    %swap3A_73 = arith.constant 128 : index
    %swap3A_74 = vector.load %arg6[%swap3A_72, %swap3A_73] : memref<2304x288xf32, #tpu.memory_space<vmem>>, vector<2304x20xf32>
    tpu.vector_store %arg6[%swap3A_72, %swap3A_73], %max3A_71 {strides = array<i32>} : memref<2304x288xf32, #tpu.memory_space<vmem>>, vector<2304x20xf32>,
    %get3A_75 = arith.constant 0 : index
    %get3A_76 = arith.constant 0 : index
    %get3A_77 = vector.load %arg6[%get3A_75, %get3A_76] : memref<2304x288xf32, #tpu.memory_space<vmem>>, vector<2304x148xf32>
    %convert_element_type3A_78 = arith.truncf %get3A_77 : vector<2304x148xf32> to vector<2304x148xbf16>
    %get3A_79 = arith.constant 128 : index
    %get3A_80 = arith.constant 0 : index
    %get3A_81 = vector.load %arg2[%get3A_79, %get3A_80] : memref<1584x180xf32, #tpu.memory_space<vmem>>, vector<148x180xf32>
    %convert_element_type3A_82 = arith.truncf %get3A_81 : vector<148x180xf32> to vector<148x180xbf16>
    %dot_general3A_83 = arith.constant dense<0.000000e+00> : vector<2304x180xf32>
    %dot_general3A_84 = tpu.matmul %convert_element_type3A_78, %convert_element_type3A_82, %dot_general3A_83 {dimension_numbers = #tpu.dot_dimension_numbers<[1], [0], [0], [1], [0, 0, 1, 1], [], []>, transpose_lhs_hint = false} : vector<2304x148xbf16>, vector<148x180xbf16>, vector<2304x180xf32> -> vector<2304x180xf32>
    %concatenate3A_85 = tpu.concatenate %broadcast_in_dim3A_24, %dot_general3A_84, %broadcast_in_dim3A_24 in 0 : vector<49x180xf32>, vector<2304x180xf32>, vector<49x180xf32> -> vector<2402x180xf32>
    %broadcast_in_dim3A_86 = arith.constant 0.000000e+00 : f32
    %broadcast_in_dim3A_87 = vector.broadcast %broadcast_in_dim3A_86 : f32 to vector<2304x20xf32>
    %slice3A_88 = vector.extract_strided_slice %concatenate3A_85 {offsets = [0, 0], sizes = [2304, 20], strides = [1, 1]} : vector<2402x180xf32> to vector<2304x20xf32>
    %jit3A_89 = arith.constant 0.000000e+00 : f32
    %broadcast_in_dim3A_90 = vector.broadcast %jit3A_89 : f32 to vector<2304x20xf32>
    %select_n3A_91 = arith.select %ge3A_21, %slice3A_88, %broadcast_in_dim3A_90 : vector<2304x20xi1>, vector<2304x20xf32>
    %add3A_92 = arith.addf %broadcast_in_dim3A_87, %select_n3A_91 : vector<2304x20xf32>
    %slice3A_93 = vector.extract_strided_slice %concatenate3A_85 {offsets = [1, 20], sizes = [2304, 20], strides = [1, 1]} : vector<2402x180xf32> to vector<2304x20xf32>
    %add3A_94 = arith.addf %add3A_92, %slice3A_93 : vector<2304x20xf32>
    %slice3A_95 = vector.extract_strided_slice %concatenate3A_85 {offsets = [2, 40], sizes = [2304, 20], strides = [1, 1]} : vector<2402x180xf32> to vector<2304x20xf32>
    %jit3A_96 = arith.constant 0.000000e+00 : f32
    %broadcast_in_dim3A_97 = vector.broadcast %jit3A_96 : f32 to vector<2304x20xf32>
    %select_n3A_98 = arith.select %le3A_23, %slice3A_95, %broadcast_in_dim3A_97 : vector<2304x20xi1>, vector<2304x20xf32>
    %add3A_99 = arith.addf %add3A_94, %select_n3A_98 : vector<2304x20xf32>
    %slice3A_100 = vector.extract_strided_slice %concatenate3A_85 {offsets = [48, 60], sizes = [2304, 20], strides = [1, 1]} : vector<2402x180xf32> to vector<2304x20xf32>
    %jit3A_101 = arith.constant 0.000000e+00 : f32
    %broadcast_in_dim3A_102 = vector.broadcast %jit3A_101 : f32 to vector<2304x20xf32>
    %select_n3A_103 = arith.select %ge3A_21, %slice3A_100, %broadcast_in_dim3A_102 : vector<2304x20xi1>, vector<2304x20xf32>
    %add3A_104 = arith.addf %add3A_99, %select_n3A_103 : vector<2304x20xf32>
    %slice3A_105 = vector.extract_strided_slice %concatenate3A_85 {offsets = [49, 80], sizes = [2304, 20], strides = [1, 1]} : vector<2402x180xf32> to vector<2304x20xf32>
    %add3A_106 = arith.addf %add3A_104, %slice3A_105 : vector<2304x20xf32>
    %slice3A_107 = vector.extract_strided_slice %concatenate3A_85 {offsets = [50, 100], sizes = [2304, 20], strides = [1, 1]} : vector<2402x180xf32> to vector<2304x20xf32>
    %jit3A_108 = arith.constant 0.000000e+00 : f32
    %broadcast_in_dim3A_109 = vector.broadcast %jit3A_108 : f32 to vector<2304x20xf32>
    %select_n3A_110 = arith.select %le3A_23, %slice3A_107, %broadcast_in_dim3A_109 : vector<2304x20xi1>, vector<2304x20xf32>
    %add3A_111 = arith.addf %add3A_106, %select_n3A_110 : vector<2304x20xf32>
    %slice3A_112 = vector.extract_strided_slice %concatenate3A_85 {offsets = [96, 120], sizes = [2304, 20], strides = [1, 1]} : vector<2402x180xf32> to vector<2304x20xf32>
    %jit3A_113 = arith.constant 0.000000e+00 : f32
    %broadcast_in_dim3A_114 = vector.broadcast %jit3A_113 : f32 to vector<2304x20xf32>
    %select_n3A_115 = arith.select %ge3A_21, %slice3A_112, %broadcast_in_dim3A_114 : vector<2304x20xi1>, vector<2304x20xf32>
    %add3A_116 = arith.addf %add3A_111, %select_n3A_115 : vector<2304x20xf32>
    %slice3A_117 = vector.extract_strided_slice %concatenate3A_85 {offsets = [97, 140], sizes = [2304, 20], strides = [1, 1]} : vector<2402x180xf32> to vector<2304x20xf32>
    %add3A_118 = arith.addf %add3A_116, %slice3A_117 : vector<2304x20xf32>
    %slice3A_119 = vector.extract_strided_slice %concatenate3A_85 {offsets = [98, 160], sizes = [2304, 20], strides = [1, 1]} : vector<2402x180xf32> to vector<2304x20xf32>
    %jit3A_120 = arith.constant 0.000000e+00 : f32
    %broadcast_in_dim3A_121 = vector.broadcast %jit3A_120 : f32 to vector<2304x20xf32>
    %select_n3A_122 = arith.select %le3A_23, %slice3A_119, %broadcast_in_dim3A_121 : vector<2304x20xi1>, vector<2304x20xf32>
    %add3A_123 = arith.addf %add3A_118, %select_n3A_122 : vector<2304x20xf32>
    %max3A_124 = arith.constant 0.000000e+00 : f32
    %max3A_125 = vector.broadcast %max3A_124 : f32 to vector<2304x20xf32>
    %max3A_126 = arith.maximumf %add3A_123, %max3A_125 : vector<2304x20xf32>
    %swap3A_127 = arith.constant 0 : index
    %swap3A_128 = arith.constant 148 : index
    %swap3A_129 = vector.load %arg6[%swap3A_127, %swap3A_128] : memref<2304x288xf32, #tpu.memory_space<vmem>>, vector<2304x20xf32>
    tpu.vector_store %arg6[%swap3A_127, %swap3A_128], %max3A_126 {strides = array<i32>} : memref<2304x288xf32, #tpu.memory_space<vmem>>, vector<2304x20xf32>,
    %get3A_130 = arith.constant 0 : index
    %get3A_131 = arith.constant 0 : index
    %get3A_132 = vector.load %arg6[%get3A_130, %get3A_131] : memref<2304x288xf32, #tpu.memory_space<vmem>>, vector<2304x168xf32>
    %convert_element_type3A_133 = arith.truncf %get3A_132 : vector<2304x168xf32> to vector<2304x168xbf16>
    %get3A_134 = arith.constant 276 : index
    %get3A_135 = arith.constant 0 : index
    %get3A_136 = vector.load %arg2[%get3A_134, %get3A_135] : memref<1584x180xf32, #tpu.memory_space<vmem>>, vector<168x180xf32>
    %convert_element_type3A_137 = arith.truncf %get3A_136 : vector<168x180xf32> to vector<168x180xbf16>
    %dot_general3A_138 = arith.constant dense<0.000000e+00> : vector<2304x180xf32>
    %dot_general3A_139 = tpu.matmul %convert_element_type3A_133, %convert_element_type3A_137, %dot_general3A_138 {dimension_numbers = #tpu.dot_dimension_numbers<[1], [0], [0], [1], [0, 0, 1, 1], [], []>, transpose_lhs_hint = false} : vector<2304x168xbf16>, vector<168x180xbf16>, vector<2304x180xf32> -> vector<2304x180xf32>
    %concatenate3A_140 = tpu.concatenate %broadcast_in_dim3A_24, %dot_general3A_139, %broadcast_in_dim3A_24 in 0 : vector<49x180xf32>, vector<2304x180xf32>, vector<49x180xf32> -> vector<2402x180xf32>
    %broadcast_in_dim3A_141 = arith.constant 0.000000e+00 : f32
    %broadcast_in_dim3A_142 = vector.broadcast %broadcast_in_dim3A_141 : f32 to vector<2304x20xf32>
    %slice3A_143 = vector.extract_strided_slice %concatenate3A_140 {offsets = [0, 0], sizes = [2304, 20], strides = [1, 1]} : vector<2402x180xf32> to vector<2304x20xf32>
    %jit3A_144 = arith.constant 0.000000e+00 : f32
    %broadcast_in_dim3A_145 = vector.broadcast %jit3A_144 : f32 to vector<2304x20xf32>
    %select_n3A_146 = arith.select %ge3A_21, %slice3A_143, %broadcast_in_dim3A_145 : vector<2304x20xi1>, vector<2304x20xf32>
    %add3A_147 = arith.addf %broadcast_in_dim3A_142, %select_n3A_146 : vector<2304x20xf32>
    %slice3A_148 = vector.extract_strided_slice %concatenate3A_140 {offsets = [1, 20], sizes = [2304, 20], strides = [1, 1]} : vector<2402x180xf32> to vector<2304x20xf32>
    %add3A_149 = arith.addf %add3A_147, %slice3A_148 : vector<2304x20xf32>
    %slice3A_150 = vector.extract_strided_slice %concatenate3A_140 {offsets = [2, 40], sizes = [2304, 20], strides = [1, 1]} : vector<2402x180xf32> to vector<2304x20xf32>
    %jit3A_151 = arith.constant 0.000000e+00 : f32
    %broadcast_in_dim3A_152 = vector.broadcast %jit3A_151 : f32 to vector<2304x20xf32>
    %select_n3A_153 = arith.select %le3A_23, %slice3A_150, %broadcast_in_dim3A_152 : vector<2304x20xi1>, vector<2304x20xf32>
    %add3A_154 = arith.addf %add3A_149, %select_n3A_153 : vector<2304x20xf32>
    %slice3A_155 = vector.extract_strided_slice %concatenate3A_140 {offsets = [48, 60], sizes = [2304, 20], strides = [1, 1]} : vector<2402x180xf32> to vector<2304x20xf32>
    %jit3A_156 = arith.constant 0.000000e+00 : f32
    %broadcast_in_dim3A_157 = vector.broadcast %jit3A_156 : f32 to vector<2304x20xf32>
    %select_n3A_158 = arith.select %ge3A_21, %slice3A_155, %broadcast_in_dim3A_157 : vector<2304x20xi1>, vector<2304x20xf32>
    %add3A_159 = arith.addf %add3A_154, %select_n3A_158 : vector<2304x20xf32>
    %slice3A_160 = vector.extract_strided_slice %concatenate3A_140 {offsets = [49, 80], sizes = [2304, 20], strides = [1, 1]} : vector<2402x180xf32> to vector<2304x20xf32>
    %add3A_161 = arith.addf %add3A_159, %slice3A_160 : vector<2304x20xf32>
    %slice3A_162 = vector.extract_strided_slice %concatenate3A_140 {offsets = [50, 100], sizes = [2304, 20], strides = [1, 1]} : vector<2402x180xf32> to vector<2304x20xf32>
    %jit3A_163 = arith.constant 0.000000e+00 : f32
    %broadcast_in_dim3A_164 = vector.broadcast %jit3A_163 : f32 to vector<2304x20xf32>
    %select_n3A_165 = arith.select %le3A_23, %slice3A_162, %broadcast_in_dim3A_164 : vector<2304x20xi1>, vector<2304x20xf32>
    %add3A_166 = arith.addf %add3A_161, %select_n3A_165 : vector<2304x20xf32>
    %slice3A_167 = vector.extract_strided_slice %concatenate3A_140 {offsets = [96, 120], sizes = [2304, 20], strides = [1, 1]} : vector<2402x180xf32> to vector<2304x20xf32>
    %jit3A_168 = arith.constant 0.000000e+00 : f32
    %broadcast_in_dim3A_169 = vector.broadcast %jit3A_168 : f32 to vector<2304x20xf32>
    %select_n3A_170 = arith.select %ge3A_21, %slice3A_167, %broadcast_in_dim3A_169 : vector<2304x20xi1>, vector<2304x20xf32>
    %add3A_171 = arith.addf %add3A_166, %select_n3A_170 : vector<2304x20xf32>
    %slice3A_172 = vector.extract_strided_slice %concatenate3A_140 {offsets = [97, 140], sizes = [2304, 20], strides = [1, 1]} : vector<2402x180xf32> to vector<2304x20xf32>
    %add3A_173 = arith.addf %add3A_171, %slice3A_172 : vector<2304x20xf32>
    %slice3A_174 = vector.extract_strided_slice %concatenate3A_140 {offsets = [98, 160], sizes = [2304, 20], strides = [1, 1]} : vector<2402x180xf32> to vector<2304x20xf32>
    %jit3A_175 = arith.constant 0.000000e+00 : f32
    %broadcast_in_dim3A_176 = vector.broadcast %jit3A_175 : f32 to vector<2304x20xf32>
    %select_n3A_177 = arith.select %le3A_23, %slice3A_174, %broadcast_in_dim3A_176 : vector<2304x20xi1>, vector<2304x20xf32>
    %add3A_178 = arith.addf %add3A_173, %select_n3A_177 : vector<2304x20xf32>
    %max3A_179 = arith.constant 0.000000e+00 : f32
    %max3A_180 = vector.broadcast %max3A_179 : f32 to vector<2304x20xf32>
    %max3A_181 = arith.maximumf %add3A_178, %max3A_180 : vector<2304x20xf32>
    %swap3A_182 = arith.constant 0 : index
    %swap3A_183 = arith.constant 168 : index
    %swap3A_184 = vector.load %arg6[%swap3A_182, %swap3A_183] : memref<2304x288xf32, #tpu.memory_space<vmem>>, vector<2304x20xf32>
    tpu.vector_store %arg6[%swap3A_182, %swap3A_183], %max3A_181 {strides = array<i32>} : memref<2304x288xf32, #tpu.memory_space<vmem>>, vector<2304x20xf32>,
    %get3A_185 = arith.constant 0 : index
    %get3A_186 = arith.constant 0 : index
    %get3A_187 = vector.load %arg6[%get3A_185, %get3A_186] : memref<2304x288xf32, #tpu.memory_space<vmem>>, vector<2304x188xf32>
    %convert_element_type3A_188 = arith.truncf %get3A_187 : vector<2304x188xf32> to vector<2304x188xbf16>
    %get3A_189 = arith.constant 444 : index
    %get3A_190 = arith.constant 0 : index
    %get3A_191 = vector.load %arg2[%get3A_189, %get3A_190] : memref<1584x180xf32, #tpu.memory_space<vmem>>, vector<188x180xf32>
    %convert_element_type3A_192 = arith.truncf %get3A_191 : vector<188x180xf32> to vector<188x180xbf16>
    %dot_general3A_193 = arith.constant dense<0.000000e+00> : vector<2304x180xf32>
    %dot_general3A_194 = tpu.matmul %convert_element_type3A_188, %convert_element_type3A_192, %dot_general3A_193 {dimension_numbers = #tpu.dot_dimension_numbers<[1], [0], [0], [1], [0, 0, 1, 1], [], []>, transpose_lhs_hint = false} : vector<2304x188xbf16>, vector<188x180xbf16>, vector<2304x180xf32> -> vector<2304x180xf32>
    %concatenate3A_195 = tpu.concatenate %broadcast_in_dim3A_24, %dot_general3A_194, %broadcast_in_dim3A_24 in 0 : vector<49x180xf32>, vector<2304x180xf32>, vector<49x180xf32> -> vector<2402x180xf32>
    %broadcast_in_dim3A_196 = arith.constant 0.000000e+00 : f32
    %broadcast_in_dim3A_197 = vector.broadcast %broadcast_in_dim3A_196 : f32 to vector<2304x20xf32>
    %slice3A_198 = vector.extract_strided_slice %concatenate3A_195 {offsets = [0, 0], sizes = [2304, 20], strides = [1, 1]} : vector<2402x180xf32> to vector<2304x20xf32>
    %jit3A_199 = arith.constant 0.000000e+00 : f32
    %broadcast_in_dim3A_200 = vector.broadcast %jit3A_199 : f32 to vector<2304x20xf32>
    %select_n3A_201 = arith.select %ge3A_21, %slice3A_198, %broadcast_in_dim3A_200 : vector<2304x20xi1>, vector<2304x20xf32>
    %add3A_202 = arith.addf %broadcast_in_dim3A_197, %select_n3A_201 : vector<2304x20xf32>
    %slice3A_203 = vector.extract_strided_slice %concatenate3A_195 {offsets = [1, 20], sizes = [2304, 20], strides = [1, 1]} : vector<2402x180xf32> to vector<2304x20xf32>
    %add3A_204 = arith.addf %add3A_202, %slice3A_203 : vector<2304x20xf32>
    %slice3A_205 = vector.extract_strided_slice %concatenate3A_195 {offsets = [2, 40], sizes = [2304, 20], strides = [1, 1]} : vector<2402x180xf32> to vector<2304x20xf32>
    %jit3A_206 = arith.constant 0.000000e+00 : f32
    %broadcast_in_dim3A_207 = vector.broadcast %jit3A_206 : f32 to vector<2304x20xf32>
    %select_n3A_208 = arith.select %le3A_23, %slice3A_205, %broadcast_in_dim3A_207 : vector<2304x20xi1>, vector<2304x20xf32>
    %add3A_209 = arith.addf %add3A_204, %select_n3A_208 : vector<2304x20xf32>
    %slice3A_210 = vector.extract_strided_slice %concatenate3A_195 {offsets = [48, 60], sizes = [2304, 20], strides = [1, 1]} : vector<2402x180xf32> to vector<2304x20xf32>
    %jit3A_211 = arith.constant 0.000000e+00 : f32
    %broadcast_in_dim3A_212 = vector.broadcast %jit3A_211 : f32 to vector<2304x20xf32>
    %select_n3A_213 = arith.select %ge3A_21, %slice3A_210, %broadcast_in_dim3A_212 : vector<2304x20xi1>, vector<2304x20xf32>
    %add3A_214 = arith.addf %add3A_209, %select_n3A_213 : vector<2304x20xf32>
    %slice3A_215 = vector.extract_strided_slice %concatenate3A_195 {offsets = [49, 80], sizes = [2304, 20], strides = [1, 1]} : vector<2402x180xf32> to vector<2304x20xf32>
    %add3A_216 = arith.addf %add3A_214, %slice3A_215 : vector<2304x20xf32>
    %slice3A_217 = vector.extract_strided_slice %concatenate3A_195 {offsets = [50, 100], sizes = [2304, 20], strides = [1, 1]} : vector<2402x180xf32> to vector<2304x20xf32>
    %jit3A_218 = arith.constant 0.000000e+00 : f32
    %broadcast_in_dim3A_219 = vector.broadcast %jit3A_218 : f32 to vector<2304x20xf32>
    %select_n3A_220 = arith.select %le3A_23, %slice3A_217, %broadcast_in_dim3A_219 : vector<2304x20xi1>, vector<2304x20xf32>
    %add3A_221 = arith.addf %add3A_216, %select_n3A_220 : vector<2304x20xf32>
    %slice3A_222 = vector.extract_strided_slice %concatenate3A_195 {offsets = [96, 120], sizes = [2304, 20], strides = [1, 1]} : vector<2402x180xf32> to vector<2304x20xf32>
    %jit3A_223 = arith.constant 0.000000e+00 : f32
    %broadcast_in_dim3A_224 = vector.broadcast %jit3A_223 : f32 to vector<2304x20xf32>
    %select_n3A_225 = arith.select %ge3A_21, %slice3A_222, %broadcast_in_dim3A_224 : vector<2304x20xi1>, vector<2304x20xf32>
    %add3A_226 = arith.addf %add3A_221, %select_n3A_225 : vector<2304x20xf32>
    %slice3A_227 = vector.extract_strided_slice %concatenate3A_195 {offsets = [97, 140], sizes = [2304, 20], strides = [1, 1]} : vector<2402x180xf32> to vector<2304x20xf32>
    %add3A_228 = arith.addf %add3A_226, %slice3A_227 : vector<2304x20xf32>
    %slice3A_229 = vector.extract_strided_slice %concatenate3A_195 {offsets = [98, 160], sizes = [2304, 20], strides = [1, 1]} : vector<2402x180xf32> to vector<2304x20xf32>
    %jit3A_230 = arith.constant 0.000000e+00 : f32
    %broadcast_in_dim3A_231 = vector.broadcast %jit3A_230 : f32 to vector<2304x20xf32>
    %select_n3A_232 = arith.select %le3A_23, %slice3A_229, %broadcast_in_dim3A_231 : vector<2304x20xi1>, vector<2304x20xf32>
    %add3A_233 = arith.addf %add3A_228, %select_n3A_232 : vector<2304x20xf32>
    %max3A_234 = arith.constant 0.000000e+00 : f32
    %max3A_235 = vector.broadcast %max3A_234 : f32 to vector<2304x20xf32>
    %max3A_236 = arith.maximumf %add3A_233, %max3A_235 : vector<2304x20xf32>
    %swap3A_237 = arith.constant 0 : index
    %swap3A_238 = arith.constant 188 : index
    %swap3A_239 = vector.load %arg6[%swap3A_237, %swap3A_238] : memref<2304x288xf32, #tpu.memory_space<vmem>>, vector<2304x20xf32>
    tpu.vector_store %arg6[%swap3A_237, %swap3A_238], %max3A_236 {strides = array<i32>} : memref<2304x288xf32, #tpu.memory_space<vmem>>, vector<2304x20xf32>,
    %get3A_240 = arith.constant 0 : index
    %get3A_241 = arith.constant 0 : index
    %get3A_242 = vector.load %arg6[%get3A_240, %get3A_241] : memref<2304x288xf32, #tpu.memory_space<vmem>>, vector<2304x208xf32>
    %convert_element_type3A_243 = arith.truncf %get3A_242 : vector<2304x208xf32> to vector<2304x208xbf16>
    %get3A_244 = arith.constant 632 : index
    %get3A_245 = arith.constant 0 : index
    %get3A_246 = vector.load %arg2[%get3A_244, %get3A_245] : memref<1584x180xf32, #tpu.memory_space<vmem>>, vector<208x180xf32>
    %convert_element_type3A_247 = arith.truncf %get3A_246 : vector<208x180xf32> to vector<208x180xbf16>
    %dot_general3A_248 = arith.constant dense<0.000000e+00> : vector<2304x180xf32>
    %dot_general3A_249 = tpu.matmul %convert_element_type3A_243, %convert_element_type3A_247, %dot_general3A_248 {dimension_numbers = #tpu.dot_dimension_numbers<[1], [0], [0], [1], [0, 0, 1, 1], [], []>, transpose_lhs_hint = false} : vector<2304x208xbf16>, vector<208x180xbf16>, vector<2304x180xf32> -> vector<2304x180xf32>
    %concatenate3A_250 = tpu.concatenate %broadcast_in_dim3A_24, %dot_general3A_249, %broadcast_in_dim3A_24 in 0 : vector<49x180xf32>, vector<2304x180xf32>, vector<49x180xf32> -> vector<2402x180xf32>
    %broadcast_in_dim3A_251 = arith.constant 0.000000e+00 : f32
    %broadcast_in_dim3A_252 = vector.broadcast %broadcast_in_dim3A_251 : f32 to vector<2304x20xf32>
    %slice3A_253 = vector.extract_strided_slice %concatenate3A_250 {offsets = [0, 0], sizes = [2304, 20], strides = [1, 1]} : vector<2402x180xf32> to vector<2304x20xf32>
    %jit3A_254 = arith.constant 0.000000e+00 : f32
    %broadcast_in_dim3A_255 = vector.broadcast %jit3A_254 : f32 to vector<2304x20xf32>
    %select_n3A_256 = arith.select %ge3A_21, %slice3A_253, %broadcast_in_dim3A_255 : vector<2304x20xi1>, vector<2304x20xf32>
    %add3A_257 = arith.addf %broadcast_in_dim3A_252, %select_n3A_256 : vector<2304x20xf32>
    %slice3A_258 = vector.extract_strided_slice %concatenate3A_250 {offsets = [1, 20], sizes = [2304, 20], strides = [1, 1]} : vector<2402x180xf32> to vector<2304x20xf32>
    %add3A_259 = arith.addf %add3A_257, %slice3A_258 : vector<2304x20xf32>
    %slice3A_260 = vector.extract_strided_slice %concatenate3A_250 {offsets = [2, 40], sizes = [2304, 20], strides = [1, 1]} : vector<2402x180xf32> to vector<2304x20xf32>
    %jit3A_261 = arith.constant 0.000000e+00 : f32
    %broadcast_in_dim3A_262 = vector.broadcast %jit3A_261 : f32 to vector<2304x20xf32>
    %select_n3A_263 = arith.select %le3A_23, %slice3A_260, %broadcast_in_dim3A_262 : vector<2304x20xi1>, vector<2304x20xf32>
    %add3A_264 = arith.addf %add3A_259, %select_n3A_263 : vector<2304x20xf32>
    %slice3A_265 = vector.extract_strided_slice %concatenate3A_250 {offsets = [48, 60], sizes = [2304, 20], strides = [1, 1]} : vector<2402x180xf32> to vector<2304x20xf32>
    %jit3A_266 = arith.constant 0.000000e+00 : f32
    %broadcast_in_dim3A_267 = vector.broadcast %jit3A_266 : f32 to vector<2304x20xf32>
    %select_n3A_268 = arith.select %ge3A_21, %slice3A_265, %broadcast_in_dim3A_267 : vector<2304x20xi1>, vector<2304x20xf32>
    %add3A_269 = arith.addf %add3A_264, %select_n3A_268 : vector<2304x20xf32>
    %slice3A_270 = vector.extract_strided_slice %concatenate3A_250 {offsets = [49, 80], sizes = [2304, 20], strides = [1, 1]} : vector<2402x180xf32> to vector<2304x20xf32>
    %add3A_271 = arith.addf %add3A_269, %slice3A_270 : vector<2304x20xf32>
    %slice3A_272 = vector.extract_strided_slice %concatenate3A_250 {offsets = [50, 100], sizes = [2304, 20], strides = [1, 1]} : vector<2402x180xf32> to vector<2304x20xf32>
    %jit3A_273 = arith.constant 0.000000e+00 : f32
    %broadcast_in_dim3A_274 = vector.broadcast %jit3A_273 : f32 to vector<2304x20xf32>
    %select_n3A_275 = arith.select %le3A_23, %slice3A_272, %broadcast_in_dim3A_274 : vector<2304x20xi1>, vector<2304x20xf32>
    %add3A_276 = arith.addf %add3A_271, %select_n3A_275 : vector<2304x20xf32>
    %slice3A_277 = vector.extract_strided_slice %concatenate3A_250 {offsets = [96, 120], sizes = [2304, 20], strides = [1, 1]} : vector<2402x180xf32> to vector<2304x20xf32>
    %jit3A_278 = arith.constant 0.000000e+00 : f32
    %broadcast_in_dim3A_279 = vector.broadcast %jit3A_278 : f32 to vector<2304x20xf32>
    %select_n3A_280 = arith.select %ge3A_21, %slice3A_277, %broadcast_in_dim3A_279 : vector<2304x20xi1>, vector<2304x20xf32>
    %add3A_281 = arith.addf %add3A_276, %select_n3A_280 : vector<2304x20xf32>
    %slice3A_282 = vector.extract_strided_slice %concatenate3A_250 {offsets = [97, 140], sizes = [2304, 20], strides = [1, 1]} : vector<2402x180xf32> to vector<2304x20xf32>
    %add3A_283 = arith.addf %add3A_281, %slice3A_282 : vector<2304x20xf32>
    %slice3A_284 = vector.extract_strided_slice %concatenate3A_250 {offsets = [98, 160], sizes = [2304, 20], strides = [1, 1]} : vector<2402x180xf32> to vector<2304x20xf32>
    %jit3A_285 = arith.constant 0.000000e+00 : f32
    %broadcast_in_dim3A_286 = vector.broadcast %jit3A_285 : f32 to vector<2304x20xf32>
    %select_n3A_287 = arith.select %le3A_23, %slice3A_284, %broadcast_in_dim3A_286 : vector<2304x20xi1>, vector<2304x20xf32>
    %add3A_288 = arith.addf %add3A_283, %select_n3A_287 : vector<2304x20xf32>
    %max3A_289 = arith.constant 0.000000e+00 : f32
    %max3A_290 = vector.broadcast %max3A_289 : f32 to vector<2304x20xf32>
    %max3A_291 = arith.maximumf %add3A_288, %max3A_290 : vector<2304x20xf32>
    %swap3A_292 = arith.constant 0 : index
    %swap3A_293 = arith.constant 208 : index
    %swap3A_294 = vector.load %arg6[%swap3A_292, %swap3A_293] : memref<2304x288xf32, #tpu.memory_space<vmem>>, vector<2304x20xf32>
    tpu.vector_store %arg6[%swap3A_292, %swap3A_293], %max3A_291 {strides = array<i32>} : memref<2304x288xf32, #tpu.memory_space<vmem>>, vector<2304x20xf32>,
    %get3A_295 = arith.constant 0 : index
    %get3A_296 = arith.constant 0 : index
    %get3A_297 = vector.load %arg6[%get3A_295, %get3A_296] : memref<2304x288xf32, #tpu.memory_space<vmem>>, vector<2304x228xf32>
    %convert_element_type3A_298 = arith.truncf %get3A_297 : vector<2304x228xf32> to vector<2304x228xbf16>
    %get3A_299 = arith.constant 840 : index
    %get3A_300 = arith.constant 0 : index
    %get3A_301 = vector.load %arg2[%get3A_299, %get3A_300] : memref<1584x180xf32, #tpu.memory_space<vmem>>, vector<228x180xf32>
    %convert_element_type3A_302 = arith.truncf %get3A_301 : vector<228x180xf32> to vector<228x180xbf16>
    %dot_general3A_303 = arith.constant dense<0.000000e+00> : vector<2304x180xf32>
    %dot_general3A_304 = tpu.matmul %convert_element_type3A_298, %convert_element_type3A_302, %dot_general3A_303 {dimension_numbers = #tpu.dot_dimension_numbers<[1], [0], [0], [1], [0, 0, 1, 1], [], []>, transpose_lhs_hint = false} : vector<2304x228xbf16>, vector<228x180xbf16>, vector<2304x180xf32> -> vector<2304x180xf32>
    %concatenate3A_305 = tpu.concatenate %broadcast_in_dim3A_24, %dot_general3A_304, %broadcast_in_dim3A_24 in 0 : vector<49x180xf32>, vector<2304x180xf32>, vector<49x180xf32> -> vector<2402x180xf32>
    %broadcast_in_dim3A_306 = arith.constant 0.000000e+00 : f32
    %broadcast_in_dim3A_307 = vector.broadcast %broadcast_in_dim3A_306 : f32 to vector<2304x20xf32>
    %slice3A_308 = vector.extract_strided_slice %concatenate3A_305 {offsets = [0, 0], sizes = [2304, 20], strides = [1, 1]} : vector<2402x180xf32> to vector<2304x20xf32>
    %jit3A_309 = arith.constant 0.000000e+00 : f32
    %broadcast_in_dim3A_310 = vector.broadcast %jit3A_309 : f32 to vector<2304x20xf32>
    %select_n3A_311 = arith.select %ge3A_21, %slice3A_308, %broadcast_in_dim3A_310 : vector<2304x20xi1>, vector<2304x20xf32>
    %add3A_312 = arith.addf %broadcast_in_dim3A_307, %select_n3A_311 : vector<2304x20xf32>
    %slice3A_313 = vector.extract_strided_slice %concatenate3A_305 {offsets = [1, 20], sizes = [2304, 20], strides = [1, 1]} : vector<2402x180xf32> to vector<2304x20xf32>
    %add3A_314 = arith.addf %add3A_312, %slice3A_313 : vector<2304x20xf32>
    %slice3A_315 = vector.extract_strided_slice %concatenate3A_305 {offsets = [2, 40], sizes = [2304, 20], strides = [1, 1]} : vector<2402x180xf32> to vector<2304x20xf32>
    %jit3A_316 = arith.constant 0.000000e+00 : f32
    %broadcast_in_dim3A_317 = vector.broadcast %jit3A_316 : f32 to vector<2304x20xf32>
    %select_n3A_318 = arith.select %le3A_23, %slice3A_315, %broadcast_in_dim3A_317 : vector<2304x20xi1>, vector<2304x20xf32>
    %add3A_319 = arith.addf %add3A_314, %select_n3A_318 : vector<2304x20xf32>
    %slice3A_320 = vector.extract_strided_slice %concatenate3A_305 {offsets = [48, 60], sizes = [2304, 20], strides = [1, 1]} : vector<2402x180xf32> to vector<2304x20xf32>
    %jit3A_321 = arith.constant 0.000000e+00 : f32
    %broadcast_in_dim3A_322 = vector.broadcast %jit3A_321 : f32 to vector<2304x20xf32>
    %select_n3A_323 = arith.select %ge3A_21, %slice3A_320, %broadcast_in_dim3A_322 : vector<2304x20xi1>, vector<2304x20xf32>
    %add3A_324 = arith.addf %add3A_319, %select_n3A_323 : vector<2304x20xf32>
    %slice3A_325 = vector.extract_strided_slice %concatenate3A_305 {offsets = [49, 80], sizes = [2304, 20], strides = [1, 1]} : vector<2402x180xf32> to vector<2304x20xf32>
    %add3A_326 = arith.addf %add3A_324, %slice3A_325 : vector<2304x20xf32>
    %slice3A_327 = vector.extract_strided_slice %concatenate3A_305 {offsets = [50, 100], sizes = [2304, 20], strides = [1, 1]} : vector<2402x180xf32> to vector<2304x20xf32>
    %jit3A_328 = arith.constant 0.000000e+00 : f32
    %broadcast_in_dim3A_329 = vector.broadcast %jit3A_328 : f32 to vector<2304x20xf32>
    %select_n3A_330 = arith.select %le3A_23, %slice3A_327, %broadcast_in_dim3A_329 : vector<2304x20xi1>, vector<2304x20xf32>
    %add3A_331 = arith.addf %add3A_326, %select_n3A_330 : vector<2304x20xf32>
    %slice3A_332 = vector.extract_strided_slice %concatenate3A_305 {offsets = [96, 120], sizes = [2304, 20], strides = [1, 1]} : vector<2402x180xf32> to vector<2304x20xf32>
    %jit3A_333 = arith.constant 0.000000e+00 : f32
    %broadcast_in_dim3A_334 = vector.broadcast %jit3A_333 : f32 to vector<2304x20xf32>
    %select_n3A_335 = arith.select %ge3A_21, %slice3A_332, %broadcast_in_dim3A_334 : vector<2304x20xi1>, vector<2304x20xf32>
    %add3A_336 = arith.addf %add3A_331, %select_n3A_335 : vector<2304x20xf32>
    %slice3A_337 = vector.extract_strided_slice %concatenate3A_305 {offsets = [97, 140], sizes = [2304, 20], strides = [1, 1]} : vector<2402x180xf32> to vector<2304x20xf32>
    %add3A_338 = arith.addf %add3A_336, %slice3A_337 : vector<2304x20xf32>
    %slice3A_339 = vector.extract_strided_slice %concatenate3A_305 {offsets = [98, 160], sizes = [2304, 20], strides = [1, 1]} : vector<2402x180xf32> to vector<2304x20xf32>
    %jit3A_340 = arith.constant 0.000000e+00 : f32
    %broadcast_in_dim3A_341 = vector.broadcast %jit3A_340 : f32 to vector<2304x20xf32>
    %select_n3A_342 = arith.select %le3A_23, %slice3A_339, %broadcast_in_dim3A_341 : vector<2304x20xi1>, vector<2304x20xf32>
    %add3A_343 = arith.addf %add3A_338, %select_n3A_342 : vector<2304x20xf32>
    %max3A_344 = arith.constant 0.000000e+00 : f32
    %max3A_345 = vector.broadcast %max3A_344 : f32 to vector<2304x20xf32>
    %max3A_346 = arith.maximumf %add3A_343, %max3A_345 : vector<2304x20xf32>
    %swap3A_347 = arith.constant 0 : index
    %swap3A_348 = arith.constant 228 : index
    %swap3A_349 = vector.load %arg6[%swap3A_347, %swap3A_348] : memref<2304x288xf32, #tpu.memory_space<vmem>>, vector<2304x20xf32>
    tpu.vector_store %arg6[%swap3A_347, %swap3A_348], %max3A_346 {strides = array<i32>} : memref<2304x288xf32, #tpu.memory_space<vmem>>, vector<2304x20xf32>,
    %get3A_350 = arith.constant 0 : index
    %get3A_351 = arith.constant 0 : index
    %get3A_352 = vector.load %arg6[%get3A_350, %get3A_351] : memref<2304x288xf32, #tpu.memory_space<vmem>>, vector<2304x248xf32>
    %convert_element_type3A_353 = arith.truncf %get3A_352 : vector<2304x248xf32> to vector<2304x248xbf16>
    %get3A_354 = arith.constant 1068 : index
    %get3A_355 = arith.constant 0 : index
    %get3A_356 = vector.load %arg2[%get3A_354, %get3A_355] : memref<1584x180xf32, #tpu.memory_space<vmem>>, vector<248x180xf32>
    %convert_element_type3A_357 = arith.truncf %get3A_356 : vector<248x180xf32> to vector<248x180xbf16>
    %dot_general3A_358 = arith.constant dense<0.000000e+00> : vector<2304x180xf32>
    %dot_general3A_359 = tpu.matmul %convert_element_type3A_353, %convert_element_type3A_357, %dot_general3A_358 {dimension_numbers = #tpu.dot_dimension_numbers<[1], [0], [0], [1], [0, 0, 1, 1], [], []>, transpose_lhs_hint = false} : vector<2304x248xbf16>, vector<248x180xbf16>, vector<2304x180xf32> -> vector<2304x180xf32>
    %concatenate3A_360 = tpu.concatenate %broadcast_in_dim3A_24, %dot_general3A_359, %broadcast_in_dim3A_24 in 0 : vector<49x180xf32>, vector<2304x180xf32>, vector<49x180xf32> -> vector<2402x180xf32>
    %broadcast_in_dim3A_361 = arith.constant 0.000000e+00 : f32
    %broadcast_in_dim3A_362 = vector.broadcast %broadcast_in_dim3A_361 : f32 to vector<2304x20xf32>
    %slice3A_363 = vector.extract_strided_slice %concatenate3A_360 {offsets = [0, 0], sizes = [2304, 20], strides = [1, 1]} : vector<2402x180xf32> to vector<2304x20xf32>
    %jit3A_364 = arith.constant 0.000000e+00 : f32
    %broadcast_in_dim3A_365 = vector.broadcast %jit3A_364 : f32 to vector<2304x20xf32>
    %select_n3A_366 = arith.select %ge3A_21, %slice3A_363, %broadcast_in_dim3A_365 : vector<2304x20xi1>, vector<2304x20xf32>
    %add3A_367 = arith.addf %broadcast_in_dim3A_362, %select_n3A_366 : vector<2304x20xf32>
    %slice3A_368 = vector.extract_strided_slice %concatenate3A_360 {offsets = [1, 20], sizes = [2304, 20], strides = [1, 1]} : vector<2402x180xf32> to vector<2304x20xf32>
    %add3A_369 = arith.addf %add3A_367, %slice3A_368 : vector<2304x20xf32>
    %slice3A_370 = vector.extract_strided_slice %concatenate3A_360 {offsets = [2, 40], sizes = [2304, 20], strides = [1, 1]} : vector<2402x180xf32> to vector<2304x20xf32>
    %jit3A_371 = arith.constant 0.000000e+00 : f32
    %broadcast_in_dim3A_372 = vector.broadcast %jit3A_371 : f32 to vector<2304x20xf32>
    %select_n3A_373 = arith.select %le3A_23, %slice3A_370, %broadcast_in_dim3A_372 : vector<2304x20xi1>, vector<2304x20xf32>
    %add3A_374 = arith.addf %add3A_369, %select_n3A_373 : vector<2304x20xf32>
    %slice3A_375 = vector.extract_strided_slice %concatenate3A_360 {offsets = [48, 60], sizes = [2304, 20], strides = [1, 1]} : vector<2402x180xf32> to vector<2304x20xf32>
    %jit3A_376 = arith.constant 0.000000e+00 : f32
    %broadcast_in_dim3A_377 = vector.broadcast %jit3A_376 : f32 to vector<2304x20xf32>
    %select_n3A_378 = arith.select %ge3A_21, %slice3A_375, %broadcast_in_dim3A_377 : vector<2304x20xi1>, vector<2304x20xf32>
    %add3A_379 = arith.addf %add3A_374, %select_n3A_378 : vector<2304x20xf32>
    %slice3A_380 = vector.extract_strided_slice %concatenate3A_360 {offsets = [49, 80], sizes = [2304, 20], strides = [1, 1]} : vector<2402x180xf32> to vector<2304x20xf32>
    %add3A_381 = arith.addf %add3A_379, %slice3A_380 : vector<2304x20xf32>
    %slice3A_382 = vector.extract_strided_slice %concatenate3A_360 {offsets = [50, 100], sizes = [2304, 20], strides = [1, 1]} : vector<2402x180xf32> to vector<2304x20xf32>
    %jit3A_383 = arith.constant 0.000000e+00 : f32
    %broadcast_in_dim3A_384 = vector.broadcast %jit3A_383 : f32 to vector<2304x20xf32>
    %select_n3A_385 = arith.select %le3A_23, %slice3A_382, %broadcast_in_dim3A_384 : vector<2304x20xi1>, vector<2304x20xf32>
    %add3A_386 = arith.addf %add3A_381, %select_n3A_385 : vector<2304x20xf32>
    %slice3A_387 = vector.extract_strided_slice %concatenate3A_360 {offsets = [96, 120], sizes = [2304, 20], strides = [1, 1]} : vector<2402x180xf32> to vector<2304x20xf32>
    %jit3A_388 = arith.constant 0.000000e+00 : f32
    %broadcast_in_dim3A_389 = vector.broadcast %jit3A_388 : f32 to vector<2304x20xf32>
    %select_n3A_390 = arith.select %ge3A_21, %slice3A_387, %broadcast_in_dim3A_389 : vector<2304x20xi1>, vector<2304x20xf32>
    %add3A_391 = arith.addf %add3A_386, %select_n3A_390 : vector<2304x20xf32>
    %slice3A_392 = vector.extract_strided_slice %concatenate3A_360 {offsets = [97, 140], sizes = [2304, 20], strides = [1, 1]} : vector<2402x180xf32> to vector<2304x20xf32>
    %add3A_393 = arith.addf %add3A_391, %slice3A_392 : vector<2304x20xf32>
    %slice3A_394 = vector.extract_strided_slice %concatenate3A_360 {offsets = [98, 160], sizes = [2304, 20], strides = [1, 1]} : vector<2402x180xf32> to vector<2304x20xf32>
    %jit3A_395 = arith.constant 0.000000e+00 : f32
    %broadcast_in_dim3A_396 = vector.broadcast %jit3A_395 : f32 to vector<2304x20xf32>
    %select_n3A_397 = arith.select %le3A_23, %slice3A_394, %broadcast_in_dim3A_396 : vector<2304x20xi1>, vector<2304x20xf32>
    %add3A_398 = arith.addf %add3A_393, %select_n3A_397 : vector<2304x20xf32>
    %max3A_399 = arith.constant 0.000000e+00 : f32
    %max3A_400 = vector.broadcast %max3A_399 : f32 to vector<2304x20xf32>
    %max3A_401 = arith.maximumf %add3A_398, %max3A_400 : vector<2304x20xf32>
    %swap3A_402 = arith.constant 0 : index
    %swap3A_403 = arith.constant 248 : index
    %swap3A_404 = vector.load %arg6[%swap3A_402, %swap3A_403] : memref<2304x288xf32, #tpu.memory_space<vmem>>, vector<2304x20xf32>
    tpu.vector_store %arg6[%swap3A_402, %swap3A_403], %max3A_401 {strides = array<i32>} : memref<2304x288xf32, #tpu.memory_space<vmem>>, vector<2304x20xf32>,
    %get3A_405 = arith.constant 0 : index
    %get3A_406 = arith.constant 0 : index
    %get3A_407 = vector.load %arg6[%get3A_405, %get3A_406] : memref<2304x288xf32, #tpu.memory_space<vmem>>, vector<2304x268xf32>
    %convert_element_type3A_408 = arith.truncf %get3A_407 : vector<2304x268xf32> to vector<2304x268xbf16>
    %get3A_409 = arith.constant 1316 : index
    %get3A_410 = arith.constant 0 : index
    %get3A_411 = vector.load %arg2[%get3A_409, %get3A_410] : memref<1584x180xf32, #tpu.memory_space<vmem>>, vector<268x180xf32>
    %convert_element_type3A_412 = arith.truncf %get3A_411 : vector<268x180xf32> to vector<268x180xbf16>
    %dot_general3A_413 = arith.constant dense<0.000000e+00> : vector<2304x180xf32>
    %dot_general3A_414 = tpu.matmul %convert_element_type3A_408, %convert_element_type3A_412, %dot_general3A_413 {dimension_numbers = #tpu.dot_dimension_numbers<[1], [0], [0], [1], [0, 0, 1, 1], [], []>, transpose_lhs_hint = false} : vector<2304x268xbf16>, vector<268x180xbf16>, vector<2304x180xf32> -> vector<2304x180xf32>
    %concatenate3A_415 = tpu.concatenate %broadcast_in_dim3A_24, %dot_general3A_414, %broadcast_in_dim3A_24 in 0 : vector<49x180xf32>, vector<2304x180xf32>, vector<49x180xf32> -> vector<2402x180xf32>
    %broadcast_in_dim3A_416 = arith.constant 0.000000e+00 : f32
    %broadcast_in_dim3A_417 = vector.broadcast %broadcast_in_dim3A_416 : f32 to vector<2304x20xf32>
    %slice3A_418 = vector.extract_strided_slice %concatenate3A_415 {offsets = [0, 0], sizes = [2304, 20], strides = [1, 1]} : vector<2402x180xf32> to vector<2304x20xf32>
    %jit3A_419 = arith.constant 0.000000e+00 : f32
    %broadcast_in_dim3A_420 = vector.broadcast %jit3A_419 : f32 to vector<2304x20xf32>
    %select_n3A_421 = arith.select %ge3A_21, %slice3A_418, %broadcast_in_dim3A_420 : vector<2304x20xi1>, vector<2304x20xf32>
    %add3A_422 = arith.addf %broadcast_in_dim3A_417, %select_n3A_421 : vector<2304x20xf32>
    %slice3A_423 = vector.extract_strided_slice %concatenate3A_415 {offsets = [1, 20], sizes = [2304, 20], strides = [1, 1]} : vector<2402x180xf32> to vector<2304x20xf32>
    %add3A_424 = arith.addf %add3A_422, %slice3A_423 : vector<2304x20xf32>
    %slice3A_425 = vector.extract_strided_slice %concatenate3A_415 {offsets = [2, 40], sizes = [2304, 20], strides = [1, 1]} : vector<2402x180xf32> to vector<2304x20xf32>
    %jit3A_426 = arith.constant 0.000000e+00 : f32
    %broadcast_in_dim3A_427 = vector.broadcast %jit3A_426 : f32 to vector<2304x20xf32>
    %select_n3A_428 = arith.select %le3A_23, %slice3A_425, %broadcast_in_dim3A_427 : vector<2304x20xi1>, vector<2304x20xf32>
    %add3A_429 = arith.addf %add3A_424, %select_n3A_428 : vector<2304x20xf32>
    %slice3A_430 = vector.extract_strided_slice %concatenate3A_415 {offsets = [48, 60], sizes = [2304, 20], strides = [1, 1]} : vector<2402x180xf32> to vector<2304x20xf32>
    %jit3A_431 = arith.constant 0.000000e+00 : f32
    %broadcast_in_dim3A_432 = vector.broadcast %jit3A_431 : f32 to vector<2304x20xf32>
    %select_n3A_433 = arith.select %ge3A_21, %slice3A_430, %broadcast_in_dim3A_432 : vector<2304x20xi1>, vector<2304x20xf32>
    %add3A_434 = arith.addf %add3A_429, %select_n3A_433 : vector<2304x20xf32>
    %slice3A_435 = vector.extract_strided_slice %concatenate3A_415 {offsets = [49, 80], sizes = [2304, 20], strides = [1, 1]} : vector<2402x180xf32> to vector<2304x20xf32>
    %add3A_436 = arith.addf %add3A_434, %slice3A_435 : vector<2304x20xf32>
    %slice3A_437 = vector.extract_strided_slice %concatenate3A_415 {offsets = [50, 100], sizes = [2304, 20], strides = [1, 1]} : vector<2402x180xf32> to vector<2304x20xf32>
    %jit3A_438 = arith.constant 0.000000e+00 : f32
    %broadcast_in_dim3A_439 = vector.broadcast %jit3A_438 : f32 to vector<2304x20xf32>
    %select_n3A_440 = arith.select %le3A_23, %slice3A_437, %broadcast_in_dim3A_439 : vector<2304x20xi1>, vector<2304x20xf32>
    %add3A_441 = arith.addf %add3A_436, %select_n3A_440 : vector<2304x20xf32>
    %slice3A_442 = vector.extract_strided_slice %concatenate3A_415 {offsets = [96, 120], sizes = [2304, 20], strides = [1, 1]} : vector<2402x180xf32> to vector<2304x20xf32>
    %jit3A_443 = arith.constant 0.000000e+00 : f32
    %broadcast_in_dim3A_444 = vector.broadcast %jit3A_443 : f32 to vector<2304x20xf32>
    %select_n3A_445 = arith.select %ge3A_21, %slice3A_442, %broadcast_in_dim3A_444 : vector<2304x20xi1>, vector<2304x20xf32>
    %add3A_446 = arith.addf %add3A_441, %select_n3A_445 : vector<2304x20xf32>
    %slice3A_447 = vector.extract_strided_slice %concatenate3A_415 {offsets = [97, 140], sizes = [2304, 20], strides = [1, 1]} : vector<2402x180xf32> to vector<2304x20xf32>
    %add3A_448 = arith.addf %add3A_446, %slice3A_447 : vector<2304x20xf32>
    %slice3A_449 = vector.extract_strided_slice %concatenate3A_415 {offsets = [98, 160], sizes = [2304, 20], strides = [1, 1]} : vector<2402x180xf32> to vector<2304x20xf32>
    %jit3A_450 = arith.constant 0.000000e+00 : f32
    %broadcast_in_dim3A_451 = vector.broadcast %jit3A_450 : f32 to vector<2304x20xf32>
    %select_n3A_452 = arith.select %le3A_23, %slice3A_449, %broadcast_in_dim3A_451 : vector<2304x20xi1>, vector<2304x20xf32>
    %add3A_453 = arith.addf %add3A_448, %select_n3A_452 : vector<2304x20xf32>
    %max3A_454 = arith.constant 0.000000e+00 : f32
    %max3A_455 = vector.broadcast %max3A_454 : f32 to vector<2304x20xf32>
    %max3A_456 = arith.maximumf %add3A_453, %max3A_455 : vector<2304x20xf32>
    %swap3A_457 = arith.constant 0 : index
    %swap3A_458 = arith.constant 268 : index
    %swap3A_459 = vector.load %arg6[%swap3A_457, %swap3A_458] : memref<2304x288xf32, #tpu.memory_space<vmem>>, vector<2304x20xf32>
    tpu.vector_store %arg6[%swap3A_457, %swap3A_458], %max3A_456 {strides = array<i32>} : memref<2304x288xf32, #tpu.memory_space<vmem>>, vector<2304x20xf32>,
    %get3A_460 = arith.constant 0 : index
    %get3A_461 = arith.constant 0 : index
    %get3A_462 = vector.load %arg6[%get3A_460, %get3A_461] : memref<2304x288xf32, #tpu.memory_space<vmem>>, vector<2304x288xf32>
    %convert_element_type3A_463 = arith.truncf %get3A_462 : vector<2304x288xf32> to vector<2304x288xbf16>
    %get3A_464 = arith.constant 0 : index
    %get3A_465 = arith.constant 0 : index
    %get3A_466 = vector.load %arg3[%get3A_464, %get3A_465] : memref<288x144xf32, #tpu.memory_space<vmem>>, vector<288x144xf32>
    %convert_element_type3A_467 = arith.truncf %get3A_466 : vector<288x144xf32> to vector<288x144xbf16>
    %dot_general3A_468 = arith.constant dense<0.000000e+00> : vector<2304x144xf32>
    %dot_general3A_469 = tpu.matmul %convert_element_type3A_463, %convert_element_type3A_467, %dot_general3A_468 {dimension_numbers = #tpu.dot_dimension_numbers<[1], [0], [0], [1], [0, 0, 1, 1], [], []>, transpose_lhs_hint = false} : vector<2304x288xbf16>, vector<288x144xbf16>, vector<2304x144xf32> -> vector<2304x144xf32>
    %max3A_470 = arith.constant 0.000000e+00 : f32
    %max3A_471 = vector.broadcast %max3A_470 : f32 to vector<2304x144xf32>
    %max3A_472 = arith.maximumf %dot_general3A_469, %max3A_471 : vector<2304x144xf32>
    %slice3A_473 = vector.extract_strided_slice %max3A_472 {offsets = [1, 0], sizes = [2303, 144], strides = [1, 1]} : vector<2304x144xf32> to vector<2303x144xf32>
    %broadcast_in_dim3A_474 = arith.constant 0.000000e+00 : f32
    %broadcast_in_dim3A_475 = vector.broadcast %broadcast_in_dim3A_474 : f32 to vector<1x144xf32>
    %concatenate3A_476 = tpu.concatenate %slice3A_473, %broadcast_in_dim3A_475 in 0 : vector<2303x144xf32>, vector<1x144xf32> -> vector<2304x144xf32>
    %max3A_477 = arith.maximumf %max3A_472, %concatenate3A_476 : vector<2304x144xf32>
    %slice3A_478 = vector.extract_strided_slice %max3A_477 {offsets = [48, 0], sizes = [2256, 144], strides = [1, 1]} : vector<2304x144xf32> to vector<2256x144xf32>
    %broadcast_in_dim3A_479 = arith.constant 0.000000e+00 : f32
    %broadcast_in_dim3A_480 = vector.broadcast %broadcast_in_dim3A_479 : f32 to vector<48x144xf32>
    %concatenate3A_481 = tpu.concatenate %slice3A_478, %broadcast_in_dim3A_480 in 0 : vector<2256x144xf32>, vector<48x144xf32> -> vector<2304x144xf32>
    %max3A_482 = arith.maximumf %max3A_477, %concatenate3A_481 : vector<2304x144xf32>
    %get3A_483 = arith.constant 0 : index
    %get3A_484 = arith.constant 0 : index
    %get3A_485 = vector.load %arg4[%get3A_483, %get3A_484] : memref<576x2304xf32, #tpu.memory_space<vmem>>, vector<576x2304xf32>
    %dot_general3A_486 = arith.constant dense<0.000000e+00> : vector<576x144xf32>
    %dot_general3A_487 = tpu.matmul %get3A_485, %max3A_482, %dot_general3A_486 {dimension_numbers = #tpu.dot_dimension_numbers<[1], [0], [0], [1], [0, 0, 1, 1], [], []>, transpose_lhs_hint = false} : vector<576x2304xf32>, vector<2304x144xf32>, vector<576x144xf32> -> vector<576x144xf32>
    %swap3A_488 = arith.constant 0 : index
    %swap3A_489 = arith.constant 0 : index
    %swap3A_490 = arith.constant 0 : index
    %swap3A_491 = vector.load %arg5[%swap3A_488, %swap3A_489, %swap3A_490] : memref<1x576x144xf32, #tpu.memory_space<vmem>>, vector<1x576x144xf32>
    %swap3A_492 = vector.shape_cast %swap3A_491 : vector<1x576x144xf32> to vector<576x144xf32>
    %swap3A_493 = vector.shape_cast %dot_general3A_487 : vector<576x144xf32> to vector<1x576x144xf32>
    tpu.vector_store %arg5[%swap3A_488, %swap3A_489, %swap3A_490], %swap3A_493 {strides = array<i32>} : memref<1x576x144xf32, #tpu.memory_space<vmem>>, vector<1x576x144xf32>,
    return
  }
  func.func @transform_0(%arg0: i32) -> (i32, i32, i32) {
    %c0_i32 = arith.constant 0 : i32
    %c0_i32_0 = arith.constant 0 : i32
    %c0_i32_1 = arith.constant 0 : i32
    return %arg0, %c0_i32, %c0_i32_0 : i32, i32, i32
  }
  func.func @transform_1(%arg0: i32) -> (i32, i32) {
    %c0_i32 = arith.constant 0 : i32
    %c0_i32_0 = arith.constant 0 : i32
    %c0_i32_1 = arith.constant 0 : i32
    return %c0_i32, %c0_i32_0 : i32, i32
  }
  func.func @transform_2(%arg0: i32) -> (i32, i32) {
    %c0_i32 = arith.constant 0 : i32
    %c0_i32_0 = arith.constant 0 : i32
    %c0_i32_1 = arith.constant 0 : i32
    return %c0_i32, %c0_i32_0 : i32, i32
  }
  func.func @transform_3(%arg0: i32) -> (i32, i32) {
    %c0_i32 = arith.constant 0 : i32
    %c0_i32_0 = arith.constant 0 : i32
    %c0_i32_1 = arith.constant 0 : i32
    return %c0_i32, %c0_i32_0 : i32, i32
  }
  func.func @transform_4(%arg0: i32) -> (i32, i32, i32) {
    %c0_i32 = arith.constant 0 : i32
    %c0_i32_0 = arith.constant 0 : i32
    %c0_i32_1 = arith.constant 0 : i32
    return %arg0, %c0_i32, %c0_i32_0 : i32, i32, i32
  }
}

module attributes {stable_mosaic.version = 14 : i64} {
  func.func @_block_kernel(%arg0: i32, %arg1: memref<1x576x144xf32, #tpu.memory_space<vmem>>, %arg2: memref<1712x180xf32, #tpu.memory_space<vmem>>, %arg3: memref<304x152xf32, #tpu.memory_space<vmem>>, %arg4: memref<144x576xf32, #tpu.memory_space<vmem>>, %arg5: memref<1x144x152xf32, #tpu.memory_space<vmem>>, %arg6: memref<576x304xf32, #tpu.memory_space<vmem>>) attributes {dimension_semantics = [#tpu.dimension_semantics<arbitrary>], iteration_bounds = array<i64: 16>, scalar_prefetch = 0 : i64, scratch_operands = 1 : i64, tpu.core_type = #tpu.core_type<tc>, window_params = [{transform_indices = @transform_0, window_bounds = array<i64: 1, 576, 144>}, {pipeline_mode = #tpu.pipeline_mode<synchronous>, transform_indices = @transform_1, window_bounds = array<i64: 1712, 180>}, {pipeline_mode = #tpu.pipeline_mode<synchronous>, transform_indices = @transform_2, window_bounds = array<i64: 304, 152>}, {pipeline_mode = #tpu.pipeline_mode<synchronous>, transform_indices = @transform_3, window_bounds = array<i64: 144, 576>}, {transform_indices = @transform_4, window_bounds = array<i64: 1, 144, 152>}]} {
    %get3A = arith.constant 0 : index
    %get3A_0 = arith.constant 0 : index
    %get3A_1 = arith.constant 0 : index
    %get3A_2 = vector.load %arg1[%get3A, %get3A_0, %get3A_1] : memref<1x576x144xf32, #tpu.memory_space<vmem>>, vector<1x576x144xf32>
    %get3A_3 = vector.shape_cast %get3A_2 : vector<1x576x144xf32> to vector<576x144xf32>
    %swap3A = arith.constant 0 : index
    %swap3A_4 = arith.constant 0 : index
    %swap3A_5 = vector.load %arg6[%swap3A, %swap3A_4] : memref<576x304xf32, #tpu.memory_space<vmem>>, vector<576x144xf32>
    tpu.vector_store %arg6[%swap3A, %swap3A_4], %get3A_3 {strides = array<i32>} : memref<576x304xf32, #tpu.memory_space<vmem>>, vector<576x144xf32>,
    %iota3A = tpu.iota {dimensions = array<i32: 0>} : vector<576x20xi32>
    %jit3A = arith.constant 24 : i32
    %eq3A = arith.constant 0 : i32
    %eq3A_6 = arith.cmpi eq, %jit3A, %eq3A : i32
    %jit3A_7 = arith.constant 1 : i32
    %select_n3A = arith.select %eq3A_6, %jit3A_7, %jit3A : i32
    %rem3A = vector.broadcast %select_n3A : i32 to vector<576x20xi32>
    %rem3A_8 = arith.remsi %iota3A, %rem3A : vector<576x20xi32>
    %ne3A = arith.constant 0 : i32
    %ne3A_9 = vector.broadcast %ne3A : i32 to vector<576x20xi32>
    %ne3A_10 = arith.cmpi ne, %rem3A_8, %ne3A_9 : vector<576x20xi32>
    %lt3A = arith.constant 0 : i32
    %lt3A_11 = vector.broadcast %lt3A : i32 to vector<576x20xi32>
    %lt3A_12 = arith.cmpi slt, %rem3A_8, %lt3A_11 : vector<576x20xi32>
    %lt3A_13 = arith.constant 0 : i32
    %lt3A_14 = arith.cmpi slt, %select_n3A, %lt3A_13 : i32
    %ne3A_15 = vector.broadcast %lt3A_14 : i1 to vector<576x20xi1>
    %ne3A_16 = vector.broadcast %ne3A_15 : vector<576x20xi1> to vector<576x20xi1>
    %ne3A_17 = arith.xori %lt3A_12, %ne3A_16 : vector<576x20xi1>
    %and3A = arith.andi %ne3A_17, %ne3A_10 : vector<576x20xi1>
    %add3A = vector.broadcast %select_n3A : i32 to vector<576x20xi32>
    %add3A_18 = arith.addi %rem3A_8, %add3A : vector<576x20xi32>
    %select_n3A_19 = arith.select %and3A, %add3A_18, %rem3A_8 : vector<576x20xi1>, vector<576x20xi32>
    %ge3A = arith.constant 1 : i32
    %ge3A_20 = vector.broadcast %ge3A : i32 to vector<576x20xi32>
    %ge3A_21 = arith.cmpi sge, %select_n3A_19, %ge3A_20 : vector<576x20xi32>
    %le3A = arith.constant 22 : i32
    %le3A_22 = vector.broadcast %le3A : i32 to vector<576x20xi32>
    %le3A_23 = arith.cmpi sle, %select_n3A_19, %le3A_22 : vector<576x20xi32>
    %broadcast_in_dim3A = arith.constant 0.000000e+00 : f32
    %broadcast_in_dim3A_24 = vector.broadcast %broadcast_in_dim3A : f32 to vector<25x180xf32>
    %get3A_25 = arith.constant 0 : index
    %get3A_26 = arith.constant 0 : index
    %get3A_27 = vector.load %arg6[%get3A_25, %get3A_26] : memref<576x304xf32, #tpu.memory_space<vmem>>, vector<576x144xf32>
    %convert_element_type3A = arith.truncf %get3A_27 : vector<576x144xf32> to vector<576x144xbf16>
    %get3A_28 = arith.constant 0 : index
    %get3A_29 = arith.constant 0 : index
    %get3A_30 = vector.load %arg2[%get3A_28, %get3A_29] : memref<1712x180xf32, #tpu.memory_space<vmem>>, vector<144x180xf32>
    %convert_element_type3A_31 = arith.truncf %get3A_30 : vector<144x180xf32> to vector<144x180xbf16>
    %dot_general3A = arith.constant dense<0.000000e+00> : vector<576x180xf32>
    %dot_general3A_32 = tpu.matmul %convert_element_type3A, %convert_element_type3A_31, %dot_general3A {dimension_numbers = #tpu.dot_dimension_numbers<[1], [0], [0], [1], [0, 0, 1, 1], [], []>, transpose_lhs_hint = false} : vector<576x144xbf16>, vector<144x180xbf16>, vector<576x180xf32> -> vector<576x180xf32>
    %concatenate3A = tpu.concatenate %broadcast_in_dim3A_24, %dot_general3A_32, %broadcast_in_dim3A_24 in 0 : vector<25x180xf32>, vector<576x180xf32>, vector<25x180xf32> -> vector<626x180xf32>
    %broadcast_in_dim3A_33 = arith.constant 0.000000e+00 : f32
    %broadcast_in_dim3A_34 = vector.broadcast %broadcast_in_dim3A_33 : f32 to vector<576x20xf32>
    %slice3A = vector.extract_strided_slice %concatenate3A {offsets = [0, 0], sizes = [576, 20], strides = [1, 1]} : vector<626x180xf32> to vector<576x20xf32>
    %jit3A_35 = arith.constant 0.000000e+00 : f32
    %broadcast_in_dim3A_36 = vector.broadcast %jit3A_35 : f32 to vector<576x20xf32>
    %select_n3A_37 = arith.select %ge3A_21, %slice3A, %broadcast_in_dim3A_36 : vector<576x20xi1>, vector<576x20xf32>
    %add3A_38 = arith.addf %broadcast_in_dim3A_34, %select_n3A_37 : vector<576x20xf32>
    %slice3A_39 = vector.extract_strided_slice %concatenate3A {offsets = [1, 20], sizes = [576, 20], strides = [1, 1]} : vector<626x180xf32> to vector<576x20xf32>
    %add3A_40 = arith.addf %add3A_38, %slice3A_39 : vector<576x20xf32>
    %slice3A_41 = vector.extract_strided_slice %concatenate3A {offsets = [2, 40], sizes = [576, 20], strides = [1, 1]} : vector<626x180xf32> to vector<576x20xf32>
    %jit3A_42 = arith.constant 0.000000e+00 : f32
    %broadcast_in_dim3A_43 = vector.broadcast %jit3A_42 : f32 to vector<576x20xf32>
    %select_n3A_44 = arith.select %le3A_23, %slice3A_41, %broadcast_in_dim3A_43 : vector<576x20xi1>, vector<576x20xf32>
    %add3A_45 = arith.addf %add3A_40, %select_n3A_44 : vector<576x20xf32>
    %slice3A_46 = vector.extract_strided_slice %concatenate3A {offsets = [24, 60], sizes = [576, 20], strides = [1, 1]} : vector<626x180xf32> to vector<576x20xf32>
    %jit3A_47 = arith.constant 0.000000e+00 : f32
    %broadcast_in_dim3A_48 = vector.broadcast %jit3A_47 : f32 to vector<576x20xf32>
    %select_n3A_49 = arith.select %ge3A_21, %slice3A_46, %broadcast_in_dim3A_48 : vector<576x20xi1>, vector<576x20xf32>
    %add3A_50 = arith.addf %add3A_45, %select_n3A_49 : vector<576x20xf32>
    %slice3A_51 = vector.extract_strided_slice %concatenate3A {offsets = [25, 80], sizes = [576, 20], strides = [1, 1]} : vector<626x180xf32> to vector<576x20xf32>
    %add3A_52 = arith.addf %add3A_50, %slice3A_51 : vector<576x20xf32>
    %slice3A_53 = vector.extract_strided_slice %concatenate3A {offsets = [26, 100], sizes = [576, 20], strides = [1, 1]} : vector<626x180xf32> to vector<576x20xf32>
    %jit3A_54 = arith.constant 0.000000e+00 : f32
    %broadcast_in_dim3A_55 = vector.broadcast %jit3A_54 : f32 to vector<576x20xf32>
    %select_n3A_56 = arith.select %le3A_23, %slice3A_53, %broadcast_in_dim3A_55 : vector<576x20xi1>, vector<576x20xf32>
    %add3A_57 = arith.addf %add3A_52, %select_n3A_56 : vector<576x20xf32>
    %slice3A_58 = vector.extract_strided_slice %concatenate3A {offsets = [48, 120], sizes = [576, 20], strides = [1, 1]} : vector<626x180xf32> to vector<576x20xf32>
    %jit3A_59 = arith.constant 0.000000e+00 : f32
    %broadcast_in_dim3A_60 = vector.broadcast %jit3A_59 : f32 to vector<576x20xf32>
    %select_n3A_61 = arith.select %ge3A_21, %slice3A_58, %broadcast_in_dim3A_60 : vector<576x20xi1>, vector<576x20xf32>
    %add3A_62 = arith.addf %add3A_57, %select_n3A_61 : vector<576x20xf32>
    %slice3A_63 = vector.extract_strided_slice %concatenate3A {offsets = [49, 140], sizes = [576, 20], strides = [1, 1]} : vector<626x180xf32> to vector<576x20xf32>
    %add3A_64 = arith.addf %add3A_62, %slice3A_63 : vector<576x20xf32>
    %slice3A_65 = vector.extract_strided_slice %concatenate3A {offsets = [50, 160], sizes = [576, 20], strides = [1, 1]} : vector<626x180xf32> to vector<576x20xf32>
    %jit3A_66 = arith.constant 0.000000e+00 : f32
    %broadcast_in_dim3A_67 = vector.broadcast %jit3A_66 : f32 to vector<576x20xf32>
    %select_n3A_68 = arith.select %le3A_23, %slice3A_65, %broadcast_in_dim3A_67 : vector<576x20xi1>, vector<576x20xf32>
    %add3A_69 = arith.addf %add3A_64, %select_n3A_68 : vector<576x20xf32>
    %max3A = arith.constant 0.000000e+00 : f32
    %max3A_70 = vector.broadcast %max3A : f32 to vector<576x20xf32>
    %max3A_71 = arith.maximumf %add3A_69, %max3A_70 : vector<576x20xf32>
    %swap3A_72 = arith.constant 0 : index
    %swap3A_73 = arith.constant 144 : index
    %swap3A_74 = vector.load %arg6[%swap3A_72, %swap3A_73] : memref<576x304xf32, #tpu.memory_space<vmem>>, vector<576x20xf32>
    tpu.vector_store %arg6[%swap3A_72, %swap3A_73], %max3A_71 {strides = array<i32>} : memref<576x304xf32, #tpu.memory_space<vmem>>, vector<576x20xf32>,
    %get3A_75 = arith.constant 0 : index
    %get3A_76 = arith.constant 0 : index
    %get3A_77 = vector.load %arg6[%get3A_75, %get3A_76] : memref<576x304xf32, #tpu.memory_space<vmem>>, vector<576x164xf32>
    %convert_element_type3A_78 = arith.truncf %get3A_77 : vector<576x164xf32> to vector<576x164xbf16>
    %get3A_79 = arith.constant 144 : index
    %get3A_80 = arith.constant 0 : index
    %get3A_81 = vector.load %arg2[%get3A_79, %get3A_80] : memref<1712x180xf32, #tpu.memory_space<vmem>>, vector<164x180xf32>
    %convert_element_type3A_82 = arith.truncf %get3A_81 : vector<164x180xf32> to vector<164x180xbf16>
    %dot_general3A_83 = arith.constant dense<0.000000e+00> : vector<576x180xf32>
    %dot_general3A_84 = tpu.matmul %convert_element_type3A_78, %convert_element_type3A_82, %dot_general3A_83 {dimension_numbers = #tpu.dot_dimension_numbers<[1], [0], [0], [1], [0, 0, 1, 1], [], []>, transpose_lhs_hint = false} : vector<576x164xbf16>, vector<164x180xbf16>, vector<576x180xf32> -> vector<576x180xf32>
    %concatenate3A_85 = tpu.concatenate %broadcast_in_dim3A_24, %dot_general3A_84, %broadcast_in_dim3A_24 in 0 : vector<25x180xf32>, vector<576x180xf32>, vector<25x180xf32> -> vector<626x180xf32>
    %broadcast_in_dim3A_86 = arith.constant 0.000000e+00 : f32
    %broadcast_in_dim3A_87 = vector.broadcast %broadcast_in_dim3A_86 : f32 to vector<576x20xf32>
    %slice3A_88 = vector.extract_strided_slice %concatenate3A_85 {offsets = [0, 0], sizes = [576, 20], strides = [1, 1]} : vector<626x180xf32> to vector<576x20xf32>
    %jit3A_89 = arith.constant 0.000000e+00 : f32
    %broadcast_in_dim3A_90 = vector.broadcast %jit3A_89 : f32 to vector<576x20xf32>
    %select_n3A_91 = arith.select %ge3A_21, %slice3A_88, %broadcast_in_dim3A_90 : vector<576x20xi1>, vector<576x20xf32>
    %add3A_92 = arith.addf %broadcast_in_dim3A_87, %select_n3A_91 : vector<576x20xf32>
    %slice3A_93 = vector.extract_strided_slice %concatenate3A_85 {offsets = [1, 20], sizes = [576, 20], strides = [1, 1]} : vector<626x180xf32> to vector<576x20xf32>
    %add3A_94 = arith.addf %add3A_92, %slice3A_93 : vector<576x20xf32>
    %slice3A_95 = vector.extract_strided_slice %concatenate3A_85 {offsets = [2, 40], sizes = [576, 20], strides = [1, 1]} : vector<626x180xf32> to vector<576x20xf32>
    %jit3A_96 = arith.constant 0.000000e+00 : f32
    %broadcast_in_dim3A_97 = vector.broadcast %jit3A_96 : f32 to vector<576x20xf32>
    %select_n3A_98 = arith.select %le3A_23, %slice3A_95, %broadcast_in_dim3A_97 : vector<576x20xi1>, vector<576x20xf32>
    %add3A_99 = arith.addf %add3A_94, %select_n3A_98 : vector<576x20xf32>
    %slice3A_100 = vector.extract_strided_slice %concatenate3A_85 {offsets = [24, 60], sizes = [576, 20], strides = [1, 1]} : vector<626x180xf32> to vector<576x20xf32>
    %jit3A_101 = arith.constant 0.000000e+00 : f32
    %broadcast_in_dim3A_102 = vector.broadcast %jit3A_101 : f32 to vector<576x20xf32>
    %select_n3A_103 = arith.select %ge3A_21, %slice3A_100, %broadcast_in_dim3A_102 : vector<576x20xi1>, vector<576x20xf32>
    %add3A_104 = arith.addf %add3A_99, %select_n3A_103 : vector<576x20xf32>
    %slice3A_105 = vector.extract_strided_slice %concatenate3A_85 {offsets = [25, 80], sizes = [576, 20], strides = [1, 1]} : vector<626x180xf32> to vector<576x20xf32>
    %add3A_106 = arith.addf %add3A_104, %slice3A_105 : vector<576x20xf32>
    %slice3A_107 = vector.extract_strided_slice %concatenate3A_85 {offsets = [26, 100], sizes = [576, 20], strides = [1, 1]} : vector<626x180xf32> to vector<576x20xf32>
    %jit3A_108 = arith.constant 0.000000e+00 : f32
    %broadcast_in_dim3A_109 = vector.broadcast %jit3A_108 : f32 to vector<576x20xf32>
    %select_n3A_110 = arith.select %le3A_23, %slice3A_107, %broadcast_in_dim3A_109 : vector<576x20xi1>, vector<576x20xf32>
    %add3A_111 = arith.addf %add3A_106, %select_n3A_110 : vector<576x20xf32>
    %slice3A_112 = vector.extract_strided_slice %concatenate3A_85 {offsets = [48, 120], sizes = [576, 20], strides = [1, 1]} : vector<626x180xf32> to vector<576x20xf32>
    %jit3A_113 = arith.constant 0.000000e+00 : f32
    %broadcast_in_dim3A_114 = vector.broadcast %jit3A_113 : f32 to vector<576x20xf32>
    %select_n3A_115 = arith.select %ge3A_21, %slice3A_112, %broadcast_in_dim3A_114 : vector<576x20xi1>, vector<576x20xf32>
    %add3A_116 = arith.addf %add3A_111, %select_n3A_115 : vector<576x20xf32>
    %slice3A_117 = vector.extract_strided_slice %concatenate3A_85 {offsets = [49, 140], sizes = [576, 20], strides = [1, 1]} : vector<626x180xf32> to vector<576x20xf32>
    %add3A_118 = arith.addf %add3A_116, %slice3A_117 : vector<576x20xf32>
    %slice3A_119 = vector.extract_strided_slice %concatenate3A_85 {offsets = [50, 160], sizes = [576, 20], strides = [1, 1]} : vector<626x180xf32> to vector<576x20xf32>
    %jit3A_120 = arith.constant 0.000000e+00 : f32
    %broadcast_in_dim3A_121 = vector.broadcast %jit3A_120 : f32 to vector<576x20xf32>
    %select_n3A_122 = arith.select %le3A_23, %slice3A_119, %broadcast_in_dim3A_121 : vector<576x20xi1>, vector<576x20xf32>
    %add3A_123 = arith.addf %add3A_118, %select_n3A_122 : vector<576x20xf32>
    %max3A_124 = arith.constant 0.000000e+00 : f32
    %max3A_125 = vector.broadcast %max3A_124 : f32 to vector<576x20xf32>
    %max3A_126 = arith.maximumf %add3A_123, %max3A_125 : vector<576x20xf32>
    %swap3A_127 = arith.constant 0 : index
    %swap3A_128 = arith.constant 164 : index
    %swap3A_129 = vector.load %arg6[%swap3A_127, %swap3A_128] : memref<576x304xf32, #tpu.memory_space<vmem>>, vector<576x20xf32>
    tpu.vector_store %arg6[%swap3A_127, %swap3A_128], %max3A_126 {strides = array<i32>} : memref<576x304xf32, #tpu.memory_space<vmem>>, vector<576x20xf32>,
    %get3A_130 = arith.constant 0 : index
    %get3A_131 = arith.constant 0 : index
    %get3A_132 = vector.load %arg6[%get3A_130, %get3A_131] : memref<576x304xf32, #tpu.memory_space<vmem>>, vector<576x184xf32>
    %convert_element_type3A_133 = arith.truncf %get3A_132 : vector<576x184xf32> to vector<576x184xbf16>
    %get3A_134 = arith.constant 308 : index
    %get3A_135 = arith.constant 0 : index
    %get3A_136 = vector.load %arg2[%get3A_134, %get3A_135] : memref<1712x180xf32, #tpu.memory_space<vmem>>, vector<184x180xf32>
    %convert_element_type3A_137 = arith.truncf %get3A_136 : vector<184x180xf32> to vector<184x180xbf16>
    %dot_general3A_138 = arith.constant dense<0.000000e+00> : vector<576x180xf32>
    %dot_general3A_139 = tpu.matmul %convert_element_type3A_133, %convert_element_type3A_137, %dot_general3A_138 {dimension_numbers = #tpu.dot_dimension_numbers<[1], [0], [0], [1], [0, 0, 1, 1], [], []>, transpose_lhs_hint = false} : vector<576x184xbf16>, vector<184x180xbf16>, vector<576x180xf32> -> vector<576x180xf32>
    %concatenate3A_140 = tpu.concatenate %broadcast_in_dim3A_24, %dot_general3A_139, %broadcast_in_dim3A_24 in 0 : vector<25x180xf32>, vector<576x180xf32>, vector<25x180xf32> -> vector<626x180xf32>
    %broadcast_in_dim3A_141 = arith.constant 0.000000e+00 : f32
    %broadcast_in_dim3A_142 = vector.broadcast %broadcast_in_dim3A_141 : f32 to vector<576x20xf32>
    %slice3A_143 = vector.extract_strided_slice %concatenate3A_140 {offsets = [0, 0], sizes = [576, 20], strides = [1, 1]} : vector<626x180xf32> to vector<576x20xf32>
    %jit3A_144 = arith.constant 0.000000e+00 : f32
    %broadcast_in_dim3A_145 = vector.broadcast %jit3A_144 : f32 to vector<576x20xf32>
    %select_n3A_146 = arith.select %ge3A_21, %slice3A_143, %broadcast_in_dim3A_145 : vector<576x20xi1>, vector<576x20xf32>
    %add3A_147 = arith.addf %broadcast_in_dim3A_142, %select_n3A_146 : vector<576x20xf32>
    %slice3A_148 = vector.extract_strided_slice %concatenate3A_140 {offsets = [1, 20], sizes = [576, 20], strides = [1, 1]} : vector<626x180xf32> to vector<576x20xf32>
    %add3A_149 = arith.addf %add3A_147, %slice3A_148 : vector<576x20xf32>
    %slice3A_150 = vector.extract_strided_slice %concatenate3A_140 {offsets = [2, 40], sizes = [576, 20], strides = [1, 1]} : vector<626x180xf32> to vector<576x20xf32>
    %jit3A_151 = arith.constant 0.000000e+00 : f32
    %broadcast_in_dim3A_152 = vector.broadcast %jit3A_151 : f32 to vector<576x20xf32>
    %select_n3A_153 = arith.select %le3A_23, %slice3A_150, %broadcast_in_dim3A_152 : vector<576x20xi1>, vector<576x20xf32>
    %add3A_154 = arith.addf %add3A_149, %select_n3A_153 : vector<576x20xf32>
    %slice3A_155 = vector.extract_strided_slice %concatenate3A_140 {offsets = [24, 60], sizes = [576, 20], strides = [1, 1]} : vector<626x180xf32> to vector<576x20xf32>
    %jit3A_156 = arith.constant 0.000000e+00 : f32
    %broadcast_in_dim3A_157 = vector.broadcast %jit3A_156 : f32 to vector<576x20xf32>
    %select_n3A_158 = arith.select %ge3A_21, %slice3A_155, %broadcast_in_dim3A_157 : vector<576x20xi1>, vector<576x20xf32>
    %add3A_159 = arith.addf %add3A_154, %select_n3A_158 : vector<576x20xf32>
    %slice3A_160 = vector.extract_strided_slice %concatenate3A_140 {offsets = [25, 80], sizes = [576, 20], strides = [1, 1]} : vector<626x180xf32> to vector<576x20xf32>
    %add3A_161 = arith.addf %add3A_159, %slice3A_160 : vector<576x20xf32>
    %slice3A_162 = vector.extract_strided_slice %concatenate3A_140 {offsets = [26, 100], sizes = [576, 20], strides = [1, 1]} : vector<626x180xf32> to vector<576x20xf32>
    %jit3A_163 = arith.constant 0.000000e+00 : f32
    %broadcast_in_dim3A_164 = vector.broadcast %jit3A_163 : f32 to vector<576x20xf32>
    %select_n3A_165 = arith.select %le3A_23, %slice3A_162, %broadcast_in_dim3A_164 : vector<576x20xi1>, vector<576x20xf32>
    %add3A_166 = arith.addf %add3A_161, %select_n3A_165 : vector<576x20xf32>
    %slice3A_167 = vector.extract_strided_slice %concatenate3A_140 {offsets = [48, 120], sizes = [576, 20], strides = [1, 1]} : vector<626x180xf32> to vector<576x20xf32>
    %jit3A_168 = arith.constant 0.000000e+00 : f32
    %broadcast_in_dim3A_169 = vector.broadcast %jit3A_168 : f32 to vector<576x20xf32>
    %select_n3A_170 = arith.select %ge3A_21, %slice3A_167, %broadcast_in_dim3A_169 : vector<576x20xi1>, vector<576x20xf32>
    %add3A_171 = arith.addf %add3A_166, %select_n3A_170 : vector<576x20xf32>
    %slice3A_172 = vector.extract_strided_slice %concatenate3A_140 {offsets = [49, 140], sizes = [576, 20], strides = [1, 1]} : vector<626x180xf32> to vector<576x20xf32>
    %add3A_173 = arith.addf %add3A_171, %slice3A_172 : vector<576x20xf32>
    %slice3A_174 = vector.extract_strided_slice %concatenate3A_140 {offsets = [50, 160], sizes = [576, 20], strides = [1, 1]} : vector<626x180xf32> to vector<576x20xf32>
    %jit3A_175 = arith.constant 0.000000e+00 : f32
    %broadcast_in_dim3A_176 = vector.broadcast %jit3A_175 : f32 to vector<576x20xf32>
    %select_n3A_177 = arith.select %le3A_23, %slice3A_174, %broadcast_in_dim3A_176 : vector<576x20xi1>, vector<576x20xf32>
    %add3A_178 = arith.addf %add3A_173, %select_n3A_177 : vector<576x20xf32>
    %max3A_179 = arith.constant 0.000000e+00 : f32
    %max3A_180 = vector.broadcast %max3A_179 : f32 to vector<576x20xf32>
    %max3A_181 = arith.maximumf %add3A_178, %max3A_180 : vector<576x20xf32>
    %swap3A_182 = arith.constant 0 : index
    %swap3A_183 = arith.constant 184 : index
    %swap3A_184 = vector.load %arg6[%swap3A_182, %swap3A_183] : memref<576x304xf32, #tpu.memory_space<vmem>>, vector<576x20xf32>
    tpu.vector_store %arg6[%swap3A_182, %swap3A_183], %max3A_181 {strides = array<i32>} : memref<576x304xf32, #tpu.memory_space<vmem>>, vector<576x20xf32>,
    %get3A_185 = arith.constant 0 : index
    %get3A_186 = arith.constant 0 : index
    %get3A_187 = vector.load %arg6[%get3A_185, %get3A_186] : memref<576x304xf32, #tpu.memory_space<vmem>>, vector<576x204xf32>
    %convert_element_type3A_188 = arith.truncf %get3A_187 : vector<576x204xf32> to vector<576x204xbf16>
    %get3A_189 = arith.constant 492 : index
    %get3A_190 = arith.constant 0 : index
    %get3A_191 = vector.load %arg2[%get3A_189, %get3A_190] : memref<1712x180xf32, #tpu.memory_space<vmem>>, vector<204x180xf32>
    %convert_element_type3A_192 = arith.truncf %get3A_191 : vector<204x180xf32> to vector<204x180xbf16>
    %dot_general3A_193 = arith.constant dense<0.000000e+00> : vector<576x180xf32>
    %dot_general3A_194 = tpu.matmul %convert_element_type3A_188, %convert_element_type3A_192, %dot_general3A_193 {dimension_numbers = #tpu.dot_dimension_numbers<[1], [0], [0], [1], [0, 0, 1, 1], [], []>, transpose_lhs_hint = false} : vector<576x204xbf16>, vector<204x180xbf16>, vector<576x180xf32> -> vector<576x180xf32>
    %concatenate3A_195 = tpu.concatenate %broadcast_in_dim3A_24, %dot_general3A_194, %broadcast_in_dim3A_24 in 0 : vector<25x180xf32>, vector<576x180xf32>, vector<25x180xf32> -> vector<626x180xf32>
    %broadcast_in_dim3A_196 = arith.constant 0.000000e+00 : f32
    %broadcast_in_dim3A_197 = vector.broadcast %broadcast_in_dim3A_196 : f32 to vector<576x20xf32>
    %slice3A_198 = vector.extract_strided_slice %concatenate3A_195 {offsets = [0, 0], sizes = [576, 20], strides = [1, 1]} : vector<626x180xf32> to vector<576x20xf32>
    %jit3A_199 = arith.constant 0.000000e+00 : f32
    %broadcast_in_dim3A_200 = vector.broadcast %jit3A_199 : f32 to vector<576x20xf32>
    %select_n3A_201 = arith.select %ge3A_21, %slice3A_198, %broadcast_in_dim3A_200 : vector<576x20xi1>, vector<576x20xf32>
    %add3A_202 = arith.addf %broadcast_in_dim3A_197, %select_n3A_201 : vector<576x20xf32>
    %slice3A_203 = vector.extract_strided_slice %concatenate3A_195 {offsets = [1, 20], sizes = [576, 20], strides = [1, 1]} : vector<626x180xf32> to vector<576x20xf32>
    %add3A_204 = arith.addf %add3A_202, %slice3A_203 : vector<576x20xf32>
    %slice3A_205 = vector.extract_strided_slice %concatenate3A_195 {offsets = [2, 40], sizes = [576, 20], strides = [1, 1]} : vector<626x180xf32> to vector<576x20xf32>
    %jit3A_206 = arith.constant 0.000000e+00 : f32
    %broadcast_in_dim3A_207 = vector.broadcast %jit3A_206 : f32 to vector<576x20xf32>
    %select_n3A_208 = arith.select %le3A_23, %slice3A_205, %broadcast_in_dim3A_207 : vector<576x20xi1>, vector<576x20xf32>
    %add3A_209 = arith.addf %add3A_204, %select_n3A_208 : vector<576x20xf32>
    %slice3A_210 = vector.extract_strided_slice %concatenate3A_195 {offsets = [24, 60], sizes = [576, 20], strides = [1, 1]} : vector<626x180xf32> to vector<576x20xf32>
    %jit3A_211 = arith.constant 0.000000e+00 : f32
    %broadcast_in_dim3A_212 = vector.broadcast %jit3A_211 : f32 to vector<576x20xf32>
    %select_n3A_213 = arith.select %ge3A_21, %slice3A_210, %broadcast_in_dim3A_212 : vector<576x20xi1>, vector<576x20xf32>
    %add3A_214 = arith.addf %add3A_209, %select_n3A_213 : vector<576x20xf32>
    %slice3A_215 = vector.extract_strided_slice %concatenate3A_195 {offsets = [25, 80], sizes = [576, 20], strides = [1, 1]} : vector<626x180xf32> to vector<576x20xf32>
    %add3A_216 = arith.addf %add3A_214, %slice3A_215 : vector<576x20xf32>
    %slice3A_217 = vector.extract_strided_slice %concatenate3A_195 {offsets = [26, 100], sizes = [576, 20], strides = [1, 1]} : vector<626x180xf32> to vector<576x20xf32>
    %jit3A_218 = arith.constant 0.000000e+00 : f32
    %broadcast_in_dim3A_219 = vector.broadcast %jit3A_218 : f32 to vector<576x20xf32>
    %select_n3A_220 = arith.select %le3A_23, %slice3A_217, %broadcast_in_dim3A_219 : vector<576x20xi1>, vector<576x20xf32>
    %add3A_221 = arith.addf %add3A_216, %select_n3A_220 : vector<576x20xf32>
    %slice3A_222 = vector.extract_strided_slice %concatenate3A_195 {offsets = [48, 120], sizes = [576, 20], strides = [1, 1]} : vector<626x180xf32> to vector<576x20xf32>
    %jit3A_223 = arith.constant 0.000000e+00 : f32
    %broadcast_in_dim3A_224 = vector.broadcast %jit3A_223 : f32 to vector<576x20xf32>
    %select_n3A_225 = arith.select %ge3A_21, %slice3A_222, %broadcast_in_dim3A_224 : vector<576x20xi1>, vector<576x20xf32>
    %add3A_226 = arith.addf %add3A_221, %select_n3A_225 : vector<576x20xf32>
    %slice3A_227 = vector.extract_strided_slice %concatenate3A_195 {offsets = [49, 140], sizes = [576, 20], strides = [1, 1]} : vector<626x180xf32> to vector<576x20xf32>
    %add3A_228 = arith.addf %add3A_226, %slice3A_227 : vector<576x20xf32>
    %slice3A_229 = vector.extract_strided_slice %concatenate3A_195 {offsets = [50, 160], sizes = [576, 20], strides = [1, 1]} : vector<626x180xf32> to vector<576x20xf32>
    %jit3A_230 = arith.constant 0.000000e+00 : f32
    %broadcast_in_dim3A_231 = vector.broadcast %jit3A_230 : f32 to vector<576x20xf32>
    %select_n3A_232 = arith.select %le3A_23, %slice3A_229, %broadcast_in_dim3A_231 : vector<576x20xi1>, vector<576x20xf32>
    %add3A_233 = arith.addf %add3A_228, %select_n3A_232 : vector<576x20xf32>
    %max3A_234 = arith.constant 0.000000e+00 : f32
    %max3A_235 = vector.broadcast %max3A_234 : f32 to vector<576x20xf32>
    %max3A_236 = arith.maximumf %add3A_233, %max3A_235 : vector<576x20xf32>
    %swap3A_237 = arith.constant 0 : index
    %swap3A_238 = arith.constant 204 : index
    %swap3A_239 = vector.load %arg6[%swap3A_237, %swap3A_238] : memref<576x304xf32, #tpu.memory_space<vmem>>, vector<576x20xf32>
    tpu.vector_store %arg6[%swap3A_237, %swap3A_238], %max3A_236 {strides = array<i32>} : memref<576x304xf32, #tpu.memory_space<vmem>>, vector<576x20xf32>,
    %get3A_240 = arith.constant 0 : index
    %get3A_241 = arith.constant 0 : index
    %get3A_242 = vector.load %arg6[%get3A_240, %get3A_241] : memref<576x304xf32, #tpu.memory_space<vmem>>, vector<576x224xf32>
    %convert_element_type3A_243 = arith.truncf %get3A_242 : vector<576x224xf32> to vector<576x224xbf16>
    %get3A_244 = arith.constant 696 : index
    %get3A_245 = arith.constant 0 : index
    %get3A_246 = vector.load %arg2[%get3A_244, %get3A_245] : memref<1712x180xf32, #tpu.memory_space<vmem>>, vector<224x180xf32>
    %convert_element_type3A_247 = arith.truncf %get3A_246 : vector<224x180xf32> to vector<224x180xbf16>
    %dot_general3A_248 = arith.constant dense<0.000000e+00> : vector<576x180xf32>
    %dot_general3A_249 = tpu.matmul %convert_element_type3A_243, %convert_element_type3A_247, %dot_general3A_248 {dimension_numbers = #tpu.dot_dimension_numbers<[1], [0], [0], [1], [0, 0, 1, 1], [], []>, transpose_lhs_hint = false} : vector<576x224xbf16>, vector<224x180xbf16>, vector<576x180xf32> -> vector<576x180xf32>
    %concatenate3A_250 = tpu.concatenate %broadcast_in_dim3A_24, %dot_general3A_249, %broadcast_in_dim3A_24 in 0 : vector<25x180xf32>, vector<576x180xf32>, vector<25x180xf32> -> vector<626x180xf32>
    %broadcast_in_dim3A_251 = arith.constant 0.000000e+00 : f32
    %broadcast_in_dim3A_252 = vector.broadcast %broadcast_in_dim3A_251 : f32 to vector<576x20xf32>
    %slice3A_253 = vector.extract_strided_slice %concatenate3A_250 {offsets = [0, 0], sizes = [576, 20], strides = [1, 1]} : vector<626x180xf32> to vector<576x20xf32>
    %jit3A_254 = arith.constant 0.000000e+00 : f32
    %broadcast_in_dim3A_255 = vector.broadcast %jit3A_254 : f32 to vector<576x20xf32>
    %select_n3A_256 = arith.select %ge3A_21, %slice3A_253, %broadcast_in_dim3A_255 : vector<576x20xi1>, vector<576x20xf32>
    %add3A_257 = arith.addf %broadcast_in_dim3A_252, %select_n3A_256 : vector<576x20xf32>
    %slice3A_258 = vector.extract_strided_slice %concatenate3A_250 {offsets = [1, 20], sizes = [576, 20], strides = [1, 1]} : vector<626x180xf32> to vector<576x20xf32>
    %add3A_259 = arith.addf %add3A_257, %slice3A_258 : vector<576x20xf32>
    %slice3A_260 = vector.extract_strided_slice %concatenate3A_250 {offsets = [2, 40], sizes = [576, 20], strides = [1, 1]} : vector<626x180xf32> to vector<576x20xf32>
    %jit3A_261 = arith.constant 0.000000e+00 : f32
    %broadcast_in_dim3A_262 = vector.broadcast %jit3A_261 : f32 to vector<576x20xf32>
    %select_n3A_263 = arith.select %le3A_23, %slice3A_260, %broadcast_in_dim3A_262 : vector<576x20xi1>, vector<576x20xf32>
    %add3A_264 = arith.addf %add3A_259, %select_n3A_263 : vector<576x20xf32>
    %slice3A_265 = vector.extract_strided_slice %concatenate3A_250 {offsets = [24, 60], sizes = [576, 20], strides = [1, 1]} : vector<626x180xf32> to vector<576x20xf32>
    %jit3A_266 = arith.constant 0.000000e+00 : f32
    %broadcast_in_dim3A_267 = vector.broadcast %jit3A_266 : f32 to vector<576x20xf32>
    %select_n3A_268 = arith.select %ge3A_21, %slice3A_265, %broadcast_in_dim3A_267 : vector<576x20xi1>, vector<576x20xf32>
    %add3A_269 = arith.addf %add3A_264, %select_n3A_268 : vector<576x20xf32>
    %slice3A_270 = vector.extract_strided_slice %concatenate3A_250 {offsets = [25, 80], sizes = [576, 20], strides = [1, 1]} : vector<626x180xf32> to vector<576x20xf32>
    %add3A_271 = arith.addf %add3A_269, %slice3A_270 : vector<576x20xf32>
    %slice3A_272 = vector.extract_strided_slice %concatenate3A_250 {offsets = [26, 100], sizes = [576, 20], strides = [1, 1]} : vector<626x180xf32> to vector<576x20xf32>
    %jit3A_273 = arith.constant 0.000000e+00 : f32
    %broadcast_in_dim3A_274 = vector.broadcast %jit3A_273 : f32 to vector<576x20xf32>
    %select_n3A_275 = arith.select %le3A_23, %slice3A_272, %broadcast_in_dim3A_274 : vector<576x20xi1>, vector<576x20xf32>
    %add3A_276 = arith.addf %add3A_271, %select_n3A_275 : vector<576x20xf32>
    %slice3A_277 = vector.extract_strided_slice %concatenate3A_250 {offsets = [48, 120], sizes = [576, 20], strides = [1, 1]} : vector<626x180xf32> to vector<576x20xf32>
    %jit3A_278 = arith.constant 0.000000e+00 : f32
    %broadcast_in_dim3A_279 = vector.broadcast %jit3A_278 : f32 to vector<576x20xf32>
    %select_n3A_280 = arith.select %ge3A_21, %slice3A_277, %broadcast_in_dim3A_279 : vector<576x20xi1>, vector<576x20xf32>
    %add3A_281 = arith.addf %add3A_276, %select_n3A_280 : vector<576x20xf32>
    %slice3A_282 = vector.extract_strided_slice %concatenate3A_250 {offsets = [49, 140], sizes = [576, 20], strides = [1, 1]} : vector<626x180xf32> to vector<576x20xf32>
    %add3A_283 = arith.addf %add3A_281, %slice3A_282 : vector<576x20xf32>
    %slice3A_284 = vector.extract_strided_slice %concatenate3A_250 {offsets = [50, 160], sizes = [576, 20], strides = [1, 1]} : vector<626x180xf32> to vector<576x20xf32>
    %jit3A_285 = arith.constant 0.000000e+00 : f32
    %broadcast_in_dim3A_286 = vector.broadcast %jit3A_285 : f32 to vector<576x20xf32>
    %select_n3A_287 = arith.select %le3A_23, %slice3A_284, %broadcast_in_dim3A_286 : vector<576x20xi1>, vector<576x20xf32>
    %add3A_288 = arith.addf %add3A_283, %select_n3A_287 : vector<576x20xf32>
    %max3A_289 = arith.constant 0.000000e+00 : f32
    %max3A_290 = vector.broadcast %max3A_289 : f32 to vector<576x20xf32>
    %max3A_291 = arith.maximumf %add3A_288, %max3A_290 : vector<576x20xf32>
    %swap3A_292 = arith.constant 0 : index
    %swap3A_293 = arith.constant 224 : index
    %swap3A_294 = vector.load %arg6[%swap3A_292, %swap3A_293] : memref<576x304xf32, #tpu.memory_space<vmem>>, vector<576x20xf32>
    tpu.vector_store %arg6[%swap3A_292, %swap3A_293], %max3A_291 {strides = array<i32>} : memref<576x304xf32, #tpu.memory_space<vmem>>, vector<576x20xf32>,
    %get3A_295 = arith.constant 0 : index
    %get3A_296 = arith.constant 0 : index
    %get3A_297 = vector.load %arg6[%get3A_295, %get3A_296] : memref<576x304xf32, #tpu.memory_space<vmem>>, vector<576x244xf32>
    %convert_element_type3A_298 = arith.truncf %get3A_297 : vector<576x244xf32> to vector<576x244xbf16>
    %get3A_299 = arith.constant 920 : index
    %get3A_300 = arith.constant 0 : index
    %get3A_301 = vector.load %arg2[%get3A_299, %get3A_300] : memref<1712x180xf32, #tpu.memory_space<vmem>>, vector<244x180xf32>
    %convert_element_type3A_302 = arith.truncf %get3A_301 : vector<244x180xf32> to vector<244x180xbf16>
    %dot_general3A_303 = arith.constant dense<0.000000e+00> : vector<576x180xf32>
    %dot_general3A_304 = tpu.matmul %convert_element_type3A_298, %convert_element_type3A_302, %dot_general3A_303 {dimension_numbers = #tpu.dot_dimension_numbers<[1], [0], [0], [1], [0, 0, 1, 1], [], []>, transpose_lhs_hint = false} : vector<576x244xbf16>, vector<244x180xbf16>, vector<576x180xf32> -> vector<576x180xf32>
    %concatenate3A_305 = tpu.concatenate %broadcast_in_dim3A_24, %dot_general3A_304, %broadcast_in_dim3A_24 in 0 : vector<25x180xf32>, vector<576x180xf32>, vector<25x180xf32> -> vector<626x180xf32>
    %broadcast_in_dim3A_306 = arith.constant 0.000000e+00 : f32
    %broadcast_in_dim3A_307 = vector.broadcast %broadcast_in_dim3A_306 : f32 to vector<576x20xf32>
    %slice3A_308 = vector.extract_strided_slice %concatenate3A_305 {offsets = [0, 0], sizes = [576, 20], strides = [1, 1]} : vector<626x180xf32> to vector<576x20xf32>
    %jit3A_309 = arith.constant 0.000000e+00 : f32
    %broadcast_in_dim3A_310 = vector.broadcast %jit3A_309 : f32 to vector<576x20xf32>
    %select_n3A_311 = arith.select %ge3A_21, %slice3A_308, %broadcast_in_dim3A_310 : vector<576x20xi1>, vector<576x20xf32>
    %add3A_312 = arith.addf %broadcast_in_dim3A_307, %select_n3A_311 : vector<576x20xf32>
    %slice3A_313 = vector.extract_strided_slice %concatenate3A_305 {offsets = [1, 20], sizes = [576, 20], strides = [1, 1]} : vector<626x180xf32> to vector<576x20xf32>
    %add3A_314 = arith.addf %add3A_312, %slice3A_313 : vector<576x20xf32>
    %slice3A_315 = vector.extract_strided_slice %concatenate3A_305 {offsets = [2, 40], sizes = [576, 20], strides = [1, 1]} : vector<626x180xf32> to vector<576x20xf32>
    %jit3A_316 = arith.constant 0.000000e+00 : f32
    %broadcast_in_dim3A_317 = vector.broadcast %jit3A_316 : f32 to vector<576x20xf32>
    %select_n3A_318 = arith.select %le3A_23, %slice3A_315, %broadcast_in_dim3A_317 : vector<576x20xi1>, vector<576x20xf32>
    %add3A_319 = arith.addf %add3A_314, %select_n3A_318 : vector<576x20xf32>
    %slice3A_320 = vector.extract_strided_slice %concatenate3A_305 {offsets = [24, 60], sizes = [576, 20], strides = [1, 1]} : vector<626x180xf32> to vector<576x20xf32>
    %jit3A_321 = arith.constant 0.000000e+00 : f32
    %broadcast_in_dim3A_322 = vector.broadcast %jit3A_321 : f32 to vector<576x20xf32>
    %select_n3A_323 = arith.select %ge3A_21, %slice3A_320, %broadcast_in_dim3A_322 : vector<576x20xi1>, vector<576x20xf32>
    %add3A_324 = arith.addf %add3A_319, %select_n3A_323 : vector<576x20xf32>
    %slice3A_325 = vector.extract_strided_slice %concatenate3A_305 {offsets = [25, 80], sizes = [576, 20], strides = [1, 1]} : vector<626x180xf32> to vector<576x20xf32>
    %add3A_326 = arith.addf %add3A_324, %slice3A_325 : vector<576x20xf32>
    %slice3A_327 = vector.extract_strided_slice %concatenate3A_305 {offsets = [26, 100], sizes = [576, 20], strides = [1, 1]} : vector<626x180xf32> to vector<576x20xf32>
    %jit3A_328 = arith.constant 0.000000e+00 : f32
    %broadcast_in_dim3A_329 = vector.broadcast %jit3A_328 : f32 to vector<576x20xf32>
    %select_n3A_330 = arith.select %le3A_23, %slice3A_327, %broadcast_in_dim3A_329 : vector<576x20xi1>, vector<576x20xf32>
    %add3A_331 = arith.addf %add3A_326, %select_n3A_330 : vector<576x20xf32>
    %slice3A_332 = vector.extract_strided_slice %concatenate3A_305 {offsets = [48, 120], sizes = [576, 20], strides = [1, 1]} : vector<626x180xf32> to vector<576x20xf32>
    %jit3A_333 = arith.constant 0.000000e+00 : f32
    %broadcast_in_dim3A_334 = vector.broadcast %jit3A_333 : f32 to vector<576x20xf32>
    %select_n3A_335 = arith.select %ge3A_21, %slice3A_332, %broadcast_in_dim3A_334 : vector<576x20xi1>, vector<576x20xf32>
    %add3A_336 = arith.addf %add3A_331, %select_n3A_335 : vector<576x20xf32>
    %slice3A_337 = vector.extract_strided_slice %concatenate3A_305 {offsets = [49, 140], sizes = [576, 20], strides = [1, 1]} : vector<626x180xf32> to vector<576x20xf32>
    %add3A_338 = arith.addf %add3A_336, %slice3A_337 : vector<576x20xf32>
    %slice3A_339 = vector.extract_strided_slice %concatenate3A_305 {offsets = [50, 160], sizes = [576, 20], strides = [1, 1]} : vector<626x180xf32> to vector<576x20xf32>
    %jit3A_340 = arith.constant 0.000000e+00 : f32
    %broadcast_in_dim3A_341 = vector.broadcast %jit3A_340 : f32 to vector<576x20xf32>
    %select_n3A_342 = arith.select %le3A_23, %slice3A_339, %broadcast_in_dim3A_341 : vector<576x20xi1>, vector<576x20xf32>
    %add3A_343 = arith.addf %add3A_338, %select_n3A_342 : vector<576x20xf32>
    %max3A_344 = arith.constant 0.000000e+00 : f32
    %max3A_345 = vector.broadcast %max3A_344 : f32 to vector<576x20xf32>
    %max3A_346 = arith.maximumf %add3A_343, %max3A_345 : vector<576x20xf32>
    %swap3A_347 = arith.constant 0 : index
    %swap3A_348 = arith.constant 244 : index
    %swap3A_349 = vector.load %arg6[%swap3A_347, %swap3A_348] : memref<576x304xf32, #tpu.memory_space<vmem>>, vector<576x20xf32>
    tpu.vector_store %arg6[%swap3A_347, %swap3A_348], %max3A_346 {strides = array<i32>} : memref<576x304xf32, #tpu.memory_space<vmem>>, vector<576x20xf32>,
    %get3A_350 = arith.constant 0 : index
    %get3A_351 = arith.constant 0 : index
    %get3A_352 = vector.load %arg6[%get3A_350, %get3A_351] : memref<576x304xf32, #tpu.memory_space<vmem>>, vector<576x264xf32>
    %convert_element_type3A_353 = arith.truncf %get3A_352 : vector<576x264xf32> to vector<576x264xbf16>
    %get3A_354 = arith.constant 1164 : index
    %get3A_355 = arith.constant 0 : index
    %get3A_356 = vector.load %arg2[%get3A_354, %get3A_355] : memref<1712x180xf32, #tpu.memory_space<vmem>>, vector<264x180xf32>
    %convert_element_type3A_357 = arith.truncf %get3A_356 : vector<264x180xf32> to vector<264x180xbf16>
    %dot_general3A_358 = arith.constant dense<0.000000e+00> : vector<576x180xf32>
    %dot_general3A_359 = tpu.matmul %convert_element_type3A_353, %convert_element_type3A_357, %dot_general3A_358 {dimension_numbers = #tpu.dot_dimension_numbers<[1], [0], [0], [1], [0, 0, 1, 1], [], []>, transpose_lhs_hint = false} : vector<576x264xbf16>, vector<264x180xbf16>, vector<576x180xf32> -> vector<576x180xf32>
    %concatenate3A_360 = tpu.concatenate %broadcast_in_dim3A_24, %dot_general3A_359, %broadcast_in_dim3A_24 in 0 : vector<25x180xf32>, vector<576x180xf32>, vector<25x180xf32> -> vector<626x180xf32>
    %broadcast_in_dim3A_361 = arith.constant 0.000000e+00 : f32
    %broadcast_in_dim3A_362 = vector.broadcast %broadcast_in_dim3A_361 : f32 to vector<576x20xf32>
    %slice3A_363 = vector.extract_strided_slice %concatenate3A_360 {offsets = [0, 0], sizes = [576, 20], strides = [1, 1]} : vector<626x180xf32> to vector<576x20xf32>
    %jit3A_364 = arith.constant 0.000000e+00 : f32
    %broadcast_in_dim3A_365 = vector.broadcast %jit3A_364 : f32 to vector<576x20xf32>
    %select_n3A_366 = arith.select %ge3A_21, %slice3A_363, %broadcast_in_dim3A_365 : vector<576x20xi1>, vector<576x20xf32>
    %add3A_367 = arith.addf %broadcast_in_dim3A_362, %select_n3A_366 : vector<576x20xf32>
    %slice3A_368 = vector.extract_strided_slice %concatenate3A_360 {offsets = [1, 20], sizes = [576, 20], strides = [1, 1]} : vector<626x180xf32> to vector<576x20xf32>
    %add3A_369 = arith.addf %add3A_367, %slice3A_368 : vector<576x20xf32>
    %slice3A_370 = vector.extract_strided_slice %concatenate3A_360 {offsets = [2, 40], sizes = [576, 20], strides = [1, 1]} : vector<626x180xf32> to vector<576x20xf32>
    %jit3A_371 = arith.constant 0.000000e+00 : f32
    %broadcast_in_dim3A_372 = vector.broadcast %jit3A_371 : f32 to vector<576x20xf32>
    %select_n3A_373 = arith.select %le3A_23, %slice3A_370, %broadcast_in_dim3A_372 : vector<576x20xi1>, vector<576x20xf32>
    %add3A_374 = arith.addf %add3A_369, %select_n3A_373 : vector<576x20xf32>
    %slice3A_375 = vector.extract_strided_slice %concatenate3A_360 {offsets = [24, 60], sizes = [576, 20], strides = [1, 1]} : vector<626x180xf32> to vector<576x20xf32>
    %jit3A_376 = arith.constant 0.000000e+00 : f32
    %broadcast_in_dim3A_377 = vector.broadcast %jit3A_376 : f32 to vector<576x20xf32>
    %select_n3A_378 = arith.select %ge3A_21, %slice3A_375, %broadcast_in_dim3A_377 : vector<576x20xi1>, vector<576x20xf32>
    %add3A_379 = arith.addf %add3A_374, %select_n3A_378 : vector<576x20xf32>
    %slice3A_380 = vector.extract_strided_slice %concatenate3A_360 {offsets = [25, 80], sizes = [576, 20], strides = [1, 1]} : vector<626x180xf32> to vector<576x20xf32>
    %add3A_381 = arith.addf %add3A_379, %slice3A_380 : vector<576x20xf32>
    %slice3A_382 = vector.extract_strided_slice %concatenate3A_360 {offsets = [26, 100], sizes = [576, 20], strides = [1, 1]} : vector<626x180xf32> to vector<576x20xf32>
    %jit3A_383 = arith.constant 0.000000e+00 : f32
    %broadcast_in_dim3A_384 = vector.broadcast %jit3A_383 : f32 to vector<576x20xf32>
    %select_n3A_385 = arith.select %le3A_23, %slice3A_382, %broadcast_in_dim3A_384 : vector<576x20xi1>, vector<576x20xf32>
    %add3A_386 = arith.addf %add3A_381, %select_n3A_385 : vector<576x20xf32>
    %slice3A_387 = vector.extract_strided_slice %concatenate3A_360 {offsets = [48, 120], sizes = [576, 20], strides = [1, 1]} : vector<626x180xf32> to vector<576x20xf32>
    %jit3A_388 = arith.constant 0.000000e+00 : f32
    %broadcast_in_dim3A_389 = vector.broadcast %jit3A_388 : f32 to vector<576x20xf32>
    %select_n3A_390 = arith.select %ge3A_21, %slice3A_387, %broadcast_in_dim3A_389 : vector<576x20xi1>, vector<576x20xf32>
    %add3A_391 = arith.addf %add3A_386, %select_n3A_390 : vector<576x20xf32>
    %slice3A_392 = vector.extract_strided_slice %concatenate3A_360 {offsets = [49, 140], sizes = [576, 20], strides = [1, 1]} : vector<626x180xf32> to vector<576x20xf32>
    %add3A_393 = arith.addf %add3A_391, %slice3A_392 : vector<576x20xf32>
    %slice3A_394 = vector.extract_strided_slice %concatenate3A_360 {offsets = [50, 160], sizes = [576, 20], strides = [1, 1]} : vector<626x180xf32> to vector<576x20xf32>
    %jit3A_395 = arith.constant 0.000000e+00 : f32
    %broadcast_in_dim3A_396 = vector.broadcast %jit3A_395 : f32 to vector<576x20xf32>
    %select_n3A_397 = arith.select %le3A_23, %slice3A_394, %broadcast_in_dim3A_396 : vector<576x20xi1>, vector<576x20xf32>
    %add3A_398 = arith.addf %add3A_393, %select_n3A_397 : vector<576x20xf32>
    %max3A_399 = arith.constant 0.000000e+00 : f32
    %max3A_400 = vector.broadcast %max3A_399 : f32 to vector<576x20xf32>
    %max3A_401 = arith.maximumf %add3A_398, %max3A_400 : vector<576x20xf32>
    %swap3A_402 = arith.constant 0 : index
    %swap3A_403 = arith.constant 264 : index
    %swap3A_404 = vector.load %arg6[%swap3A_402, %swap3A_403] : memref<576x304xf32, #tpu.memory_space<vmem>>, vector<576x20xf32>
    tpu.vector_store %arg6[%swap3A_402, %swap3A_403], %max3A_401 {strides = array<i32>} : memref<576x304xf32, #tpu.memory_space<vmem>>, vector<576x20xf32>,
    %get3A_405 = arith.constant 0 : index
    %get3A_406 = arith.constant 0 : index
    %get3A_407 = vector.load %arg6[%get3A_405, %get3A_406] : memref<576x304xf32, #tpu.memory_space<vmem>>, vector<576x284xf32>
    %convert_element_type3A_408 = arith.truncf %get3A_407 : vector<576x284xf32> to vector<576x284xbf16>
    %get3A_409 = arith.constant 1428 : index
    %get3A_410 = arith.constant 0 : index
    %get3A_411 = vector.load %arg2[%get3A_409, %get3A_410] : memref<1712x180xf32, #tpu.memory_space<vmem>>, vector<284x180xf32>
    %convert_element_type3A_412 = arith.truncf %get3A_411 : vector<284x180xf32> to vector<284x180xbf16>
    %dot_general3A_413 = arith.constant dense<0.000000e+00> : vector<576x180xf32>
    %dot_general3A_414 = tpu.matmul %convert_element_type3A_408, %convert_element_type3A_412, %dot_general3A_413 {dimension_numbers = #tpu.dot_dimension_numbers<[1], [0], [0], [1], [0, 0, 1, 1], [], []>, transpose_lhs_hint = false} : vector<576x284xbf16>, vector<284x180xbf16>, vector<576x180xf32> -> vector<576x180xf32>
    %concatenate3A_415 = tpu.concatenate %broadcast_in_dim3A_24, %dot_general3A_414, %broadcast_in_dim3A_24 in 0 : vector<25x180xf32>, vector<576x180xf32>, vector<25x180xf32> -> vector<626x180xf32>
    %broadcast_in_dim3A_416 = arith.constant 0.000000e+00 : f32
    %broadcast_in_dim3A_417 = vector.broadcast %broadcast_in_dim3A_416 : f32 to vector<576x20xf32>
    %slice3A_418 = vector.extract_strided_slice %concatenate3A_415 {offsets = [0, 0], sizes = [576, 20], strides = [1, 1]} : vector<626x180xf32> to vector<576x20xf32>
    %jit3A_419 = arith.constant 0.000000e+00 : f32
    %broadcast_in_dim3A_420 = vector.broadcast %jit3A_419 : f32 to vector<576x20xf32>
    %select_n3A_421 = arith.select %ge3A_21, %slice3A_418, %broadcast_in_dim3A_420 : vector<576x20xi1>, vector<576x20xf32>
    %add3A_422 = arith.addf %broadcast_in_dim3A_417, %select_n3A_421 : vector<576x20xf32>
    %slice3A_423 = vector.extract_strided_slice %concatenate3A_415 {offsets = [1, 20], sizes = [576, 20], strides = [1, 1]} : vector<626x180xf32> to vector<576x20xf32>
    %add3A_424 = arith.addf %add3A_422, %slice3A_423 : vector<576x20xf32>
    %slice3A_425 = vector.extract_strided_slice %concatenate3A_415 {offsets = [2, 40], sizes = [576, 20], strides = [1, 1]} : vector<626x180xf32> to vector<576x20xf32>
    %jit3A_426 = arith.constant 0.000000e+00 : f32
    %broadcast_in_dim3A_427 = vector.broadcast %jit3A_426 : f32 to vector<576x20xf32>
    %select_n3A_428 = arith.select %le3A_23, %slice3A_425, %broadcast_in_dim3A_427 : vector<576x20xi1>, vector<576x20xf32>
    %add3A_429 = arith.addf %add3A_424, %select_n3A_428 : vector<576x20xf32>
    %slice3A_430 = vector.extract_strided_slice %concatenate3A_415 {offsets = [24, 60], sizes = [576, 20], strides = [1, 1]} : vector<626x180xf32> to vector<576x20xf32>
    %jit3A_431 = arith.constant 0.000000e+00 : f32
    %broadcast_in_dim3A_432 = vector.broadcast %jit3A_431 : f32 to vector<576x20xf32>
    %select_n3A_433 = arith.select %ge3A_21, %slice3A_430, %broadcast_in_dim3A_432 : vector<576x20xi1>, vector<576x20xf32>
    %add3A_434 = arith.addf %add3A_429, %select_n3A_433 : vector<576x20xf32>
    %slice3A_435 = vector.extract_strided_slice %concatenate3A_415 {offsets = [25, 80], sizes = [576, 20], strides = [1, 1]} : vector<626x180xf32> to vector<576x20xf32>
    %add3A_436 = arith.addf %add3A_434, %slice3A_435 : vector<576x20xf32>
    %slice3A_437 = vector.extract_strided_slice %concatenate3A_415 {offsets = [26, 100], sizes = [576, 20], strides = [1, 1]} : vector<626x180xf32> to vector<576x20xf32>
    %jit3A_438 = arith.constant 0.000000e+00 : f32
    %broadcast_in_dim3A_439 = vector.broadcast %jit3A_438 : f32 to vector<576x20xf32>
    %select_n3A_440 = arith.select %le3A_23, %slice3A_437, %broadcast_in_dim3A_439 : vector<576x20xi1>, vector<576x20xf32>
    %add3A_441 = arith.addf %add3A_436, %select_n3A_440 : vector<576x20xf32>
    %slice3A_442 = vector.extract_strided_slice %concatenate3A_415 {offsets = [48, 120], sizes = [576, 20], strides = [1, 1]} : vector<626x180xf32> to vector<576x20xf32>
    %jit3A_443 = arith.constant 0.000000e+00 : f32
    %broadcast_in_dim3A_444 = vector.broadcast %jit3A_443 : f32 to vector<576x20xf32>
    %select_n3A_445 = arith.select %ge3A_21, %slice3A_442, %broadcast_in_dim3A_444 : vector<576x20xi1>, vector<576x20xf32>
    %add3A_446 = arith.addf %add3A_441, %select_n3A_445 : vector<576x20xf32>
    %slice3A_447 = vector.extract_strided_slice %concatenate3A_415 {offsets = [49, 140], sizes = [576, 20], strides = [1, 1]} : vector<626x180xf32> to vector<576x20xf32>
    %add3A_448 = arith.addf %add3A_446, %slice3A_447 : vector<576x20xf32>
    %slice3A_449 = vector.extract_strided_slice %concatenate3A_415 {offsets = [50, 160], sizes = [576, 20], strides = [1, 1]} : vector<626x180xf32> to vector<576x20xf32>
    %jit3A_450 = arith.constant 0.000000e+00 : f32
    %broadcast_in_dim3A_451 = vector.broadcast %jit3A_450 : f32 to vector<576x20xf32>
    %select_n3A_452 = arith.select %le3A_23, %slice3A_449, %broadcast_in_dim3A_451 : vector<576x20xi1>, vector<576x20xf32>
    %add3A_453 = arith.addf %add3A_448, %select_n3A_452 : vector<576x20xf32>
    %max3A_454 = arith.constant 0.000000e+00 : f32
    %max3A_455 = vector.broadcast %max3A_454 : f32 to vector<576x20xf32>
    %max3A_456 = arith.maximumf %add3A_453, %max3A_455 : vector<576x20xf32>
    %swap3A_457 = arith.constant 0 : index
    %swap3A_458 = arith.constant 284 : index
    %swap3A_459 = vector.load %arg6[%swap3A_457, %swap3A_458] : memref<576x304xf32, #tpu.memory_space<vmem>>, vector<576x20xf32>
    tpu.vector_store %arg6[%swap3A_457, %swap3A_458], %max3A_456 {strides = array<i32>} : memref<576x304xf32, #tpu.memory_space<vmem>>, vector<576x20xf32>,
    %get3A_460 = arith.constant 0 : index
    %get3A_461 = arith.constant 0 : index
    %get3A_462 = vector.load %arg6[%get3A_460, %get3A_461] : memref<576x304xf32, #tpu.memory_space<vmem>>, vector<576x304xf32>
    %convert_element_type3A_463 = arith.truncf %get3A_462 : vector<576x304xf32> to vector<576x304xbf16>
    %get3A_464 = arith.constant 0 : index
    %get3A_465 = arith.constant 0 : index
    %get3A_466 = vector.load %arg3[%get3A_464, %get3A_465] : memref<304x152xf32, #tpu.memory_space<vmem>>, vector<304x152xf32>
    %convert_element_type3A_467 = arith.truncf %get3A_466 : vector<304x152xf32> to vector<304x152xbf16>
    %dot_general3A_468 = arith.constant dense<0.000000e+00> : vector<576x152xf32>
    %dot_general3A_469 = tpu.matmul %convert_element_type3A_463, %convert_element_type3A_467, %dot_general3A_468 {dimension_numbers = #tpu.dot_dimension_numbers<[1], [0], [0], [1], [0, 0, 1, 1], [], []>, transpose_lhs_hint = false} : vector<576x304xbf16>, vector<304x152xbf16>, vector<576x152xf32> -> vector<576x152xf32>
    %max3A_470 = arith.constant 0.000000e+00 : f32
    %max3A_471 = vector.broadcast %max3A_470 : f32 to vector<576x152xf32>
    %max3A_472 = arith.maximumf %dot_general3A_469, %max3A_471 : vector<576x152xf32>
    %slice3A_473 = vector.extract_strided_slice %max3A_472 {offsets = [1, 0], sizes = [575, 152], strides = [1, 1]} : vector<576x152xf32> to vector<575x152xf32>
    %broadcast_in_dim3A_474 = arith.constant 0.000000e+00 : f32
    %broadcast_in_dim3A_475 = vector.broadcast %broadcast_in_dim3A_474 : f32 to vector<1x152xf32>
    %concatenate3A_476 = tpu.concatenate %slice3A_473, %broadcast_in_dim3A_475 in 0 : vector<575x152xf32>, vector<1x152xf32> -> vector<576x152xf32>
    %max3A_477 = arith.maximumf %max3A_472, %concatenate3A_476 : vector<576x152xf32>
    %slice3A_478 = vector.extract_strided_slice %max3A_477 {offsets = [24, 0], sizes = [552, 152], strides = [1, 1]} : vector<576x152xf32> to vector<552x152xf32>
    %broadcast_in_dim3A_479 = arith.constant 0.000000e+00 : f32
    %broadcast_in_dim3A_480 = vector.broadcast %broadcast_in_dim3A_479 : f32 to vector<24x152xf32>
    %concatenate3A_481 = tpu.concatenate %slice3A_478, %broadcast_in_dim3A_480 in 0 : vector<552x152xf32>, vector<24x152xf32> -> vector<576x152xf32>
    %max3A_482 = arith.maximumf %max3A_477, %concatenate3A_481 : vector<576x152xf32>
    %get3A_483 = arith.constant 0 : index
    %get3A_484 = arith.constant 0 : index
    %get3A_485 = vector.load %arg4[%get3A_483, %get3A_484] : memref<144x576xf32, #tpu.memory_space<vmem>>, vector<144x576xf32>
    %dot_general3A_486 = arith.constant dense<0.000000e+00> : vector<144x152xf32>
    %dot_general3A_487 = tpu.matmul %get3A_485, %max3A_482, %dot_general3A_486 {dimension_numbers = #tpu.dot_dimension_numbers<[1], [0], [0], [1], [0, 0, 1, 1], [], []>, transpose_lhs_hint = false} : vector<144x576xf32>, vector<576x152xf32>, vector<144x152xf32> -> vector<144x152xf32>
    %swap3A_488 = arith.constant 0 : index
    %swap3A_489 = arith.constant 0 : index
    %swap3A_490 = arith.constant 0 : index
    %swap3A_491 = vector.load %arg5[%swap3A_488, %swap3A_489, %swap3A_490] : memref<1x144x152xf32, #tpu.memory_space<vmem>>, vector<1x144x152xf32>
    %swap3A_492 = vector.shape_cast %swap3A_491 : vector<1x144x152xf32> to vector<144x152xf32>
    %swap3A_493 = vector.shape_cast %dot_general3A_487 : vector<144x152xf32> to vector<1x144x152xf32>
    tpu.vector_store %arg5[%swap3A_488, %swap3A_489, %swap3A_490], %swap3A_493 {strides = array<i32>} : memref<1x144x152xf32, #tpu.memory_space<vmem>>, vector<1x144x152xf32>,
    return
  }
  func.func @transform_0(%arg0: i32) -> (i32, i32, i32) {
    %c0_i32 = arith.constant 0 : i32
    %c0_i32_0 = arith.constant 0 : i32
    %c0_i32_1 = arith.constant 0 : i32
    return %arg0, %c0_i32, %c0_i32_0 : i32, i32, i32
  }
  func.func @transform_1(%arg0: i32) -> (i32, i32) {
    %c0_i32 = arith.constant 0 : i32
    %c0_i32_0 = arith.constant 0 : i32
    %c0_i32_1 = arith.constant 0 : i32
    return %c0_i32, %c0_i32_0 : i32, i32
  }
  func.func @transform_2(%arg0: i32) -> (i32, i32) {
    %c0_i32 = arith.constant 0 : i32
    %c0_i32_0 = arith.constant 0 : i32
    %c0_i32_1 = arith.constant 0 : i32
    return %c0_i32, %c0_i32_0 : i32, i32
  }
  func.func @transform_3(%arg0: i32) -> (i32, i32) {
    %c0_i32 = arith.constant 0 : i32
    %c0_i32_0 = arith.constant 0 : i32
    %c0_i32_1 = arith.constant 0 : i32
    return %c0_i32, %c0_i32_0 : i32, i32
  }
  func.func @transform_4(%arg0: i32) -> (i32, i32, i32) {
    %c0_i32 = arith.constant 0 : i32
    %c0_i32_0 = arith.constant 0 : i32
    %c0_i32_1 = arith.constant 0 : i32
    return %arg0, %c0_i32, %c0_i32_0 : i32, i32, i32
  }
}

module attributes {stable_mosaic.version = 14 : i64} {
  func.func @_block_kernel(%arg0: i32, %arg1: memref<1x144x152xf32, #tpu.memory_space<vmem>>, %arg2: memref<1776x180xf32, #tpu.memory_space<vmem>>, %arg3: memref<312x156xf32, #tpu.memory_space<vmem>>, %arg4: memref<36x144xf32, #tpu.memory_space<vmem>>, %arg5: memref<1x36x156xf32, #tpu.memory_space<vmem>>, %arg6: memref<144x312xf32, #tpu.memory_space<vmem>>) attributes {dimension_semantics = [#tpu.dimension_semantics<arbitrary>], iteration_bounds = array<i64: 16>, scalar_prefetch = 0 : i64, scratch_operands = 1 : i64, tpu.core_type = #tpu.core_type<tc>, window_params = [{transform_indices = @transform_0, window_bounds = array<i64: 1, 144, 152>}, {pipeline_mode = #tpu.pipeline_mode<synchronous>, transform_indices = @transform_1, window_bounds = array<i64: 1776, 180>}, {pipeline_mode = #tpu.pipeline_mode<synchronous>, transform_indices = @transform_2, window_bounds = array<i64: 312, 156>}, {pipeline_mode = #tpu.pipeline_mode<synchronous>, transform_indices = @transform_3, window_bounds = array<i64: 36, 144>}, {transform_indices = @transform_4, window_bounds = array<i64: 1, 36, 156>}]} {
    %get3A = arith.constant 0 : index
    %get3A_0 = arith.constant 0 : index
    %get3A_1 = arith.constant 0 : index
    %get3A_2 = vector.load %arg1[%get3A, %get3A_0, %get3A_1] : memref<1x144x152xf32, #tpu.memory_space<vmem>>, vector<1x144x152xf32>
    %get3A_3 = vector.shape_cast %get3A_2 : vector<1x144x152xf32> to vector<144x152xf32>
    %swap3A = arith.constant 0 : index
    %swap3A_4 = arith.constant 0 : index
    %swap3A_5 = vector.load %arg6[%swap3A, %swap3A_4] : memref<144x312xf32, #tpu.memory_space<vmem>>, vector<144x152xf32>
    tpu.vector_store %arg6[%swap3A, %swap3A_4], %get3A_3 {strides = array<i32>} : memref<144x312xf32, #tpu.memory_space<vmem>>, vector<144x152xf32>,
    %iota3A = tpu.iota {dimensions = array<i32: 0>} : vector<144x20xi32>
    %jit3A = arith.constant 12 : i32
    %eq3A = arith.constant 0 : i32
    %eq3A_6 = arith.cmpi eq, %jit3A, %eq3A : i32
    %jit3A_7 = arith.constant 1 : i32
    %select_n3A = arith.select %eq3A_6, %jit3A_7, %jit3A : i32
    %rem3A = vector.broadcast %select_n3A : i32 to vector<144x20xi32>
    %rem3A_8 = arith.remsi %iota3A, %rem3A : vector<144x20xi32>
    %ne3A = arith.constant 0 : i32
    %ne3A_9 = vector.broadcast %ne3A : i32 to vector<144x20xi32>
    %ne3A_10 = arith.cmpi ne, %rem3A_8, %ne3A_9 : vector<144x20xi32>
    %lt3A = arith.constant 0 : i32
    %lt3A_11 = vector.broadcast %lt3A : i32 to vector<144x20xi32>
    %lt3A_12 = arith.cmpi slt, %rem3A_8, %lt3A_11 : vector<144x20xi32>
    %lt3A_13 = arith.constant 0 : i32
    %lt3A_14 = arith.cmpi slt, %select_n3A, %lt3A_13 : i32
    %ne3A_15 = vector.broadcast %lt3A_14 : i1 to vector<144x20xi1>
    %ne3A_16 = vector.broadcast %ne3A_15 : vector<144x20xi1> to vector<144x20xi1>
    %ne3A_17 = arith.xori %lt3A_12, %ne3A_16 : vector<144x20xi1>
    %and3A = arith.andi %ne3A_17, %ne3A_10 : vector<144x20xi1>
    %add3A = vector.broadcast %select_n3A : i32 to vector<144x20xi32>
    %add3A_18 = arith.addi %rem3A_8, %add3A : vector<144x20xi32>
    %select_n3A_19 = arith.select %and3A, %add3A_18, %rem3A_8 : vector<144x20xi1>, vector<144x20xi32>
    %ge3A = arith.constant 1 : i32
    %ge3A_20 = vector.broadcast %ge3A : i32 to vector<144x20xi32>
    %ge3A_21 = arith.cmpi sge, %select_n3A_19, %ge3A_20 : vector<144x20xi32>
    %le3A = arith.constant 10 : i32
    %le3A_22 = vector.broadcast %le3A : i32 to vector<144x20xi32>
    %le3A_23 = arith.cmpi sle, %select_n3A_19, %le3A_22 : vector<144x20xi32>
    %broadcast_in_dim3A = arith.constant 0.000000e+00 : f32
    %broadcast_in_dim3A_24 = vector.broadcast %broadcast_in_dim3A : f32 to vector<13x180xf32>
    %get3A_25 = arith.constant 0 : index
    %get3A_26 = arith.constant 0 : index
    %get3A_27 = vector.load %arg6[%get3A_25, %get3A_26] : memref<144x312xf32, #tpu.memory_space<vmem>>, vector<144x152xf32>
    %convert_element_type3A = arith.truncf %get3A_27 : vector<144x152xf32> to vector<144x152xbf16>
    %get3A_28 = arith.constant 0 : index
    %get3A_29 = arith.constant 0 : index
    %get3A_30 = vector.load %arg2[%get3A_28, %get3A_29] : memref<1776x180xf32, #tpu.memory_space<vmem>>, vector<152x180xf32>
    %convert_element_type3A_31 = arith.truncf %get3A_30 : vector<152x180xf32> to vector<152x180xbf16>
    %dot_general3A = arith.constant dense<0.000000e+00> : vector<144x180xf32>
    %dot_general3A_32 = tpu.matmul %convert_element_type3A, %convert_element_type3A_31, %dot_general3A {dimension_numbers = #tpu.dot_dimension_numbers<[1], [0], [0], [1], [0, 0, 1, 1], [], []>, transpose_lhs_hint = false} : vector<144x152xbf16>, vector<152x180xbf16>, vector<144x180xf32> -> vector<144x180xf32>
    %concatenate3A = tpu.concatenate %broadcast_in_dim3A_24, %dot_general3A_32, %broadcast_in_dim3A_24 in 0 : vector<13x180xf32>, vector<144x180xf32>, vector<13x180xf32> -> vector<170x180xf32>
    %broadcast_in_dim3A_33 = arith.constant 0.000000e+00 : f32
    %broadcast_in_dim3A_34 = vector.broadcast %broadcast_in_dim3A_33 : f32 to vector<144x20xf32>
    %slice3A = vector.extract_strided_slice %concatenate3A {offsets = [0, 0], sizes = [144, 20], strides = [1, 1]} : vector<170x180xf32> to vector<144x20xf32>
    %jit3A_35 = arith.constant 0.000000e+00 : f32
    %broadcast_in_dim3A_36 = vector.broadcast %jit3A_35 : f32 to vector<144x20xf32>
    %select_n3A_37 = arith.select %ge3A_21, %slice3A, %broadcast_in_dim3A_36 : vector<144x20xi1>, vector<144x20xf32>
    %add3A_38 = arith.addf %broadcast_in_dim3A_34, %select_n3A_37 : vector<144x20xf32>
    %slice3A_39 = vector.extract_strided_slice %concatenate3A {offsets = [1, 20], sizes = [144, 20], strides = [1, 1]} : vector<170x180xf32> to vector<144x20xf32>
    %add3A_40 = arith.addf %add3A_38, %slice3A_39 : vector<144x20xf32>
    %slice3A_41 = vector.extract_strided_slice %concatenate3A {offsets = [2, 40], sizes = [144, 20], strides = [1, 1]} : vector<170x180xf32> to vector<144x20xf32>
    %jit3A_42 = arith.constant 0.000000e+00 : f32
    %broadcast_in_dim3A_43 = vector.broadcast %jit3A_42 : f32 to vector<144x20xf32>
    %select_n3A_44 = arith.select %le3A_23, %slice3A_41, %broadcast_in_dim3A_43 : vector<144x20xi1>, vector<144x20xf32>
    %add3A_45 = arith.addf %add3A_40, %select_n3A_44 : vector<144x20xf32>
    %slice3A_46 = vector.extract_strided_slice %concatenate3A {offsets = [12, 60], sizes = [144, 20], strides = [1, 1]} : vector<170x180xf32> to vector<144x20xf32>
    %jit3A_47 = arith.constant 0.000000e+00 : f32
    %broadcast_in_dim3A_48 = vector.broadcast %jit3A_47 : f32 to vector<144x20xf32>
    %select_n3A_49 = arith.select %ge3A_21, %slice3A_46, %broadcast_in_dim3A_48 : vector<144x20xi1>, vector<144x20xf32>
    %add3A_50 = arith.addf %add3A_45, %select_n3A_49 : vector<144x20xf32>
    %slice3A_51 = vector.extract_strided_slice %concatenate3A {offsets = [13, 80], sizes = [144, 20], strides = [1, 1]} : vector<170x180xf32> to vector<144x20xf32>
    %add3A_52 = arith.addf %add3A_50, %slice3A_51 : vector<144x20xf32>
    %slice3A_53 = vector.extract_strided_slice %concatenate3A {offsets = [14, 100], sizes = [144, 20], strides = [1, 1]} : vector<170x180xf32> to vector<144x20xf32>
    %jit3A_54 = arith.constant 0.000000e+00 : f32
    %broadcast_in_dim3A_55 = vector.broadcast %jit3A_54 : f32 to vector<144x20xf32>
    %select_n3A_56 = arith.select %le3A_23, %slice3A_53, %broadcast_in_dim3A_55 : vector<144x20xi1>, vector<144x20xf32>
    %add3A_57 = arith.addf %add3A_52, %select_n3A_56 : vector<144x20xf32>
    %slice3A_58 = vector.extract_strided_slice %concatenate3A {offsets = [24, 120], sizes = [144, 20], strides = [1, 1]} : vector<170x180xf32> to vector<144x20xf32>
    %jit3A_59 = arith.constant 0.000000e+00 : f32
    %broadcast_in_dim3A_60 = vector.broadcast %jit3A_59 : f32 to vector<144x20xf32>
    %select_n3A_61 = arith.select %ge3A_21, %slice3A_58, %broadcast_in_dim3A_60 : vector<144x20xi1>, vector<144x20xf32>
    %add3A_62 = arith.addf %add3A_57, %select_n3A_61 : vector<144x20xf32>
    %slice3A_63 = vector.extract_strided_slice %concatenate3A {offsets = [25, 140], sizes = [144, 20], strides = [1, 1]} : vector<170x180xf32> to vector<144x20xf32>
    %add3A_64 = arith.addf %add3A_62, %slice3A_63 : vector<144x20xf32>
    %slice3A_65 = vector.extract_strided_slice %concatenate3A {offsets = [26, 160], sizes = [144, 20], strides = [1, 1]} : vector<170x180xf32> to vector<144x20xf32>
    %jit3A_66 = arith.constant 0.000000e+00 : f32
    %broadcast_in_dim3A_67 = vector.broadcast %jit3A_66 : f32 to vector<144x20xf32>
    %select_n3A_68 = arith.select %le3A_23, %slice3A_65, %broadcast_in_dim3A_67 : vector<144x20xi1>, vector<144x20xf32>
    %add3A_69 = arith.addf %add3A_64, %select_n3A_68 : vector<144x20xf32>
    %max3A = arith.constant 0.000000e+00 : f32
    %max3A_70 = vector.broadcast %max3A : f32 to vector<144x20xf32>
    %max3A_71 = arith.maximumf %add3A_69, %max3A_70 : vector<144x20xf32>
    %swap3A_72 = arith.constant 0 : index
    %swap3A_73 = arith.constant 152 : index
    %swap3A_74 = vector.load %arg6[%swap3A_72, %swap3A_73] : memref<144x312xf32, #tpu.memory_space<vmem>>, vector<144x20xf32>
    tpu.vector_store %arg6[%swap3A_72, %swap3A_73], %max3A_71 {strides = array<i32>} : memref<144x312xf32, #tpu.memory_space<vmem>>, vector<144x20xf32>,
    %get3A_75 = arith.constant 0 : index
    %get3A_76 = arith.constant 0 : index
    %get3A_77 = vector.load %arg6[%get3A_75, %get3A_76] : memref<144x312xf32, #tpu.memory_space<vmem>>, vector<144x172xf32>
    %convert_element_type3A_78 = arith.truncf %get3A_77 : vector<144x172xf32> to vector<144x172xbf16>
    %get3A_79 = arith.constant 152 : index
    %get3A_80 = arith.constant 0 : index
    %get3A_81 = vector.load %arg2[%get3A_79, %get3A_80] : memref<1776x180xf32, #tpu.memory_space<vmem>>, vector<172x180xf32>
    %convert_element_type3A_82 = arith.truncf %get3A_81 : vector<172x180xf32> to vector<172x180xbf16>
    %dot_general3A_83 = arith.constant dense<0.000000e+00> : vector<144x180xf32>
    %dot_general3A_84 = tpu.matmul %convert_element_type3A_78, %convert_element_type3A_82, %dot_general3A_83 {dimension_numbers = #tpu.dot_dimension_numbers<[1], [0], [0], [1], [0, 0, 1, 1], [], []>, transpose_lhs_hint = false} : vector<144x172xbf16>, vector<172x180xbf16>, vector<144x180xf32> -> vector<144x180xf32>
    %concatenate3A_85 = tpu.concatenate %broadcast_in_dim3A_24, %dot_general3A_84, %broadcast_in_dim3A_24 in 0 : vector<13x180xf32>, vector<144x180xf32>, vector<13x180xf32> -> vector<170x180xf32>
    %broadcast_in_dim3A_86 = arith.constant 0.000000e+00 : f32
    %broadcast_in_dim3A_87 = vector.broadcast %broadcast_in_dim3A_86 : f32 to vector<144x20xf32>
    %slice3A_88 = vector.extract_strided_slice %concatenate3A_85 {offsets = [0, 0], sizes = [144, 20], strides = [1, 1]} : vector<170x180xf32> to vector<144x20xf32>
    %jit3A_89 = arith.constant 0.000000e+00 : f32
    %broadcast_in_dim3A_90 = vector.broadcast %jit3A_89 : f32 to vector<144x20xf32>
    %select_n3A_91 = arith.select %ge3A_21, %slice3A_88, %broadcast_in_dim3A_90 : vector<144x20xi1>, vector<144x20xf32>
    %add3A_92 = arith.addf %broadcast_in_dim3A_87, %select_n3A_91 : vector<144x20xf32>
    %slice3A_93 = vector.extract_strided_slice %concatenate3A_85 {offsets = [1, 20], sizes = [144, 20], strides = [1, 1]} : vector<170x180xf32> to vector<144x20xf32>
    %add3A_94 = arith.addf %add3A_92, %slice3A_93 : vector<144x20xf32>
    %slice3A_95 = vector.extract_strided_slice %concatenate3A_85 {offsets = [2, 40], sizes = [144, 20], strides = [1, 1]} : vector<170x180xf32> to vector<144x20xf32>
    %jit3A_96 = arith.constant 0.000000e+00 : f32
    %broadcast_in_dim3A_97 = vector.broadcast %jit3A_96 : f32 to vector<144x20xf32>
    %select_n3A_98 = arith.select %le3A_23, %slice3A_95, %broadcast_in_dim3A_97 : vector<144x20xi1>, vector<144x20xf32>
    %add3A_99 = arith.addf %add3A_94, %select_n3A_98 : vector<144x20xf32>
    %slice3A_100 = vector.extract_strided_slice %concatenate3A_85 {offsets = [12, 60], sizes = [144, 20], strides = [1, 1]} : vector<170x180xf32> to vector<144x20xf32>
    %jit3A_101 = arith.constant 0.000000e+00 : f32
    %broadcast_in_dim3A_102 = vector.broadcast %jit3A_101 : f32 to vector<144x20xf32>
    %select_n3A_103 = arith.select %ge3A_21, %slice3A_100, %broadcast_in_dim3A_102 : vector<144x20xi1>, vector<144x20xf32>
    %add3A_104 = arith.addf %add3A_99, %select_n3A_103 : vector<144x20xf32>
    %slice3A_105 = vector.extract_strided_slice %concatenate3A_85 {offsets = [13, 80], sizes = [144, 20], strides = [1, 1]} : vector<170x180xf32> to vector<144x20xf32>
    %add3A_106 = arith.addf %add3A_104, %slice3A_105 : vector<144x20xf32>
    %slice3A_107 = vector.extract_strided_slice %concatenate3A_85 {offsets = [14, 100], sizes = [144, 20], strides = [1, 1]} : vector<170x180xf32> to vector<144x20xf32>
    %jit3A_108 = arith.constant 0.000000e+00 : f32
    %broadcast_in_dim3A_109 = vector.broadcast %jit3A_108 : f32 to vector<144x20xf32>
    %select_n3A_110 = arith.select %le3A_23, %slice3A_107, %broadcast_in_dim3A_109 : vector<144x20xi1>, vector<144x20xf32>
    %add3A_111 = arith.addf %add3A_106, %select_n3A_110 : vector<144x20xf32>
    %slice3A_112 = vector.extract_strided_slice %concatenate3A_85 {offsets = [24, 120], sizes = [144, 20], strides = [1, 1]} : vector<170x180xf32> to vector<144x20xf32>
    %jit3A_113 = arith.constant 0.000000e+00 : f32
    %broadcast_in_dim3A_114 = vector.broadcast %jit3A_113 : f32 to vector<144x20xf32>
    %select_n3A_115 = arith.select %ge3A_21, %slice3A_112, %broadcast_in_dim3A_114 : vector<144x20xi1>, vector<144x20xf32>
    %add3A_116 = arith.addf %add3A_111, %select_n3A_115 : vector<144x20xf32>
    %slice3A_117 = vector.extract_strided_slice %concatenate3A_85 {offsets = [25, 140], sizes = [144, 20], strides = [1, 1]} : vector<170x180xf32> to vector<144x20xf32>
    %add3A_118 = arith.addf %add3A_116, %slice3A_117 : vector<144x20xf32>
    %slice3A_119 = vector.extract_strided_slice %concatenate3A_85 {offsets = [26, 160], sizes = [144, 20], strides = [1, 1]} : vector<170x180xf32> to vector<144x20xf32>
    %jit3A_120 = arith.constant 0.000000e+00 : f32
    %broadcast_in_dim3A_121 = vector.broadcast %jit3A_120 : f32 to vector<144x20xf32>
    %select_n3A_122 = arith.select %le3A_23, %slice3A_119, %broadcast_in_dim3A_121 : vector<144x20xi1>, vector<144x20xf32>
    %add3A_123 = arith.addf %add3A_118, %select_n3A_122 : vector<144x20xf32>
    %max3A_124 = arith.constant 0.000000e+00 : f32
    %max3A_125 = vector.broadcast %max3A_124 : f32 to vector<144x20xf32>
    %max3A_126 = arith.maximumf %add3A_123, %max3A_125 : vector<144x20xf32>
    %swap3A_127 = arith.constant 0 : index
    %swap3A_128 = arith.constant 172 : index
    %swap3A_129 = vector.load %arg6[%swap3A_127, %swap3A_128] : memref<144x312xf32, #tpu.memory_space<vmem>>, vector<144x20xf32>
    tpu.vector_store %arg6[%swap3A_127, %swap3A_128], %max3A_126 {strides = array<i32>} : memref<144x312xf32, #tpu.memory_space<vmem>>, vector<144x20xf32>,
    %get3A_130 = arith.constant 0 : index
    %get3A_131 = arith.constant 0 : index
    %get3A_132 = vector.load %arg6[%get3A_130, %get3A_131] : memref<144x312xf32, #tpu.memory_space<vmem>>, vector<144x192xf32>
    %convert_element_type3A_133 = arith.truncf %get3A_132 : vector<144x192xf32> to vector<144x192xbf16>
    %get3A_134 = arith.constant 324 : index
    %get3A_135 = arith.constant 0 : index
    %get3A_136 = vector.load %arg2[%get3A_134, %get3A_135] : memref<1776x180xf32, #tpu.memory_space<vmem>>, vector<192x180xf32>
    %convert_element_type3A_137 = arith.truncf %get3A_136 : vector<192x180xf32> to vector<192x180xbf16>
    %dot_general3A_138 = arith.constant dense<0.000000e+00> : vector<144x180xf32>
    %dot_general3A_139 = tpu.matmul %convert_element_type3A_133, %convert_element_type3A_137, %dot_general3A_138 {dimension_numbers = #tpu.dot_dimension_numbers<[1], [0], [0], [1], [0, 0, 1, 1], [], []>, transpose_lhs_hint = false} : vector<144x192xbf16>, vector<192x180xbf16>, vector<144x180xf32> -> vector<144x180xf32>
    %concatenate3A_140 = tpu.concatenate %broadcast_in_dim3A_24, %dot_general3A_139, %broadcast_in_dim3A_24 in 0 : vector<13x180xf32>, vector<144x180xf32>, vector<13x180xf32> -> vector<170x180xf32>
    %broadcast_in_dim3A_141 = arith.constant 0.000000e+00 : f32
    %broadcast_in_dim3A_142 = vector.broadcast %broadcast_in_dim3A_141 : f32 to vector<144x20xf32>
    %slice3A_143 = vector.extract_strided_slice %concatenate3A_140 {offsets = [0, 0], sizes = [144, 20], strides = [1, 1]} : vector<170x180xf32> to vector<144x20xf32>
    %jit3A_144 = arith.constant 0.000000e+00 : f32
    %broadcast_in_dim3A_145 = vector.broadcast %jit3A_144 : f32 to vector<144x20xf32>
    %select_n3A_146 = arith.select %ge3A_21, %slice3A_143, %broadcast_in_dim3A_145 : vector<144x20xi1>, vector<144x20xf32>
    %add3A_147 = arith.addf %broadcast_in_dim3A_142, %select_n3A_146 : vector<144x20xf32>
    %slice3A_148 = vector.extract_strided_slice %concatenate3A_140 {offsets = [1, 20], sizes = [144, 20], strides = [1, 1]} : vector<170x180xf32> to vector<144x20xf32>
    %add3A_149 = arith.addf %add3A_147, %slice3A_148 : vector<144x20xf32>
    %slice3A_150 = vector.extract_strided_slice %concatenate3A_140 {offsets = [2, 40], sizes = [144, 20], strides = [1, 1]} : vector<170x180xf32> to vector<144x20xf32>
    %jit3A_151 = arith.constant 0.000000e+00 : f32
    %broadcast_in_dim3A_152 = vector.broadcast %jit3A_151 : f32 to vector<144x20xf32>
    %select_n3A_153 = arith.select %le3A_23, %slice3A_150, %broadcast_in_dim3A_152 : vector<144x20xi1>, vector<144x20xf32>
    %add3A_154 = arith.addf %add3A_149, %select_n3A_153 : vector<144x20xf32>
    %slice3A_155 = vector.extract_strided_slice %concatenate3A_140 {offsets = [12, 60], sizes = [144, 20], strides = [1, 1]} : vector<170x180xf32> to vector<144x20xf32>
    %jit3A_156 = arith.constant 0.000000e+00 : f32
    %broadcast_in_dim3A_157 = vector.broadcast %jit3A_156 : f32 to vector<144x20xf32>
    %select_n3A_158 = arith.select %ge3A_21, %slice3A_155, %broadcast_in_dim3A_157 : vector<144x20xi1>, vector<144x20xf32>
    %add3A_159 = arith.addf %add3A_154, %select_n3A_158 : vector<144x20xf32>
    %slice3A_160 = vector.extract_strided_slice %concatenate3A_140 {offsets = [13, 80], sizes = [144, 20], strides = [1, 1]} : vector<170x180xf32> to vector<144x20xf32>
    %add3A_161 = arith.addf %add3A_159, %slice3A_160 : vector<144x20xf32>
    %slice3A_162 = vector.extract_strided_slice %concatenate3A_140 {offsets = [14, 100], sizes = [144, 20], strides = [1, 1]} : vector<170x180xf32> to vector<144x20xf32>
    %jit3A_163 = arith.constant 0.000000e+00 : f32
    %broadcast_in_dim3A_164 = vector.broadcast %jit3A_163 : f32 to vector<144x20xf32>
    %select_n3A_165 = arith.select %le3A_23, %slice3A_162, %broadcast_in_dim3A_164 : vector<144x20xi1>, vector<144x20xf32>
    %add3A_166 = arith.addf %add3A_161, %select_n3A_165 : vector<144x20xf32>
    %slice3A_167 = vector.extract_strided_slice %concatenate3A_140 {offsets = [24, 120], sizes = [144, 20], strides = [1, 1]} : vector<170x180xf32> to vector<144x20xf32>
    %jit3A_168 = arith.constant 0.000000e+00 : f32
    %broadcast_in_dim3A_169 = vector.broadcast %jit3A_168 : f32 to vector<144x20xf32>
    %select_n3A_170 = arith.select %ge3A_21, %slice3A_167, %broadcast_in_dim3A_169 : vector<144x20xi1>, vector<144x20xf32>
    %add3A_171 = arith.addf %add3A_166, %select_n3A_170 : vector<144x20xf32>
    %slice3A_172 = vector.extract_strided_slice %concatenate3A_140 {offsets = [25, 140], sizes = [144, 20], strides = [1, 1]} : vector<170x180xf32> to vector<144x20xf32>
    %add3A_173 = arith.addf %add3A_171, %slice3A_172 : vector<144x20xf32>
    %slice3A_174 = vector.extract_strided_slice %concatenate3A_140 {offsets = [26, 160], sizes = [144, 20], strides = [1, 1]} : vector<170x180xf32> to vector<144x20xf32>
    %jit3A_175 = arith.constant 0.000000e+00 : f32
    %broadcast_in_dim3A_176 = vector.broadcast %jit3A_175 : f32 to vector<144x20xf32>
    %select_n3A_177 = arith.select %le3A_23, %slice3A_174, %broadcast_in_dim3A_176 : vector<144x20xi1>, vector<144x20xf32>
    %add3A_178 = arith.addf %add3A_173, %select_n3A_177 : vector<144x20xf32>
    %max3A_179 = arith.constant 0.000000e+00 : f32
    %max3A_180 = vector.broadcast %max3A_179 : f32 to vector<144x20xf32>
    %max3A_181 = arith.maximumf %add3A_178, %max3A_180 : vector<144x20xf32>
    %swap3A_182 = arith.constant 0 : index
    %swap3A_183 = arith.constant 192 : index
    %swap3A_184 = vector.load %arg6[%swap3A_182, %swap3A_183] : memref<144x312xf32, #tpu.memory_space<vmem>>, vector<144x20xf32>
    tpu.vector_store %arg6[%swap3A_182, %swap3A_183], %max3A_181 {strides = array<i32>} : memref<144x312xf32, #tpu.memory_space<vmem>>, vector<144x20xf32>,
    %get3A_185 = arith.constant 0 : index
    %get3A_186 = arith.constant 0 : index
    %get3A_187 = vector.load %arg6[%get3A_185, %get3A_186] : memref<144x312xf32, #tpu.memory_space<vmem>>, vector<144x212xf32>
    %convert_element_type3A_188 = arith.truncf %get3A_187 : vector<144x212xf32> to vector<144x212xbf16>
    %get3A_189 = arith.constant 516 : index
    %get3A_190 = arith.constant 0 : index
    %get3A_191 = vector.load %arg2[%get3A_189, %get3A_190] : memref<1776x180xf32, #tpu.memory_space<vmem>>, vector<212x180xf32>
    %convert_element_type3A_192 = arith.truncf %get3A_191 : vector<212x180xf32> to vector<212x180xbf16>
    %dot_general3A_193 = arith.constant dense<0.000000e+00> : vector<144x180xf32>
    %dot_general3A_194 = tpu.matmul %convert_element_type3A_188, %convert_element_type3A_192, %dot_general3A_193 {dimension_numbers = #tpu.dot_dimension_numbers<[1], [0], [0], [1], [0, 0, 1, 1], [], []>, transpose_lhs_hint = false} : vector<144x212xbf16>, vector<212x180xbf16>, vector<144x180xf32> -> vector<144x180xf32>
    %concatenate3A_195 = tpu.concatenate %broadcast_in_dim3A_24, %dot_general3A_194, %broadcast_in_dim3A_24 in 0 : vector<13x180xf32>, vector<144x180xf32>, vector<13x180xf32> -> vector<170x180xf32>
    %broadcast_in_dim3A_196 = arith.constant 0.000000e+00 : f32
    %broadcast_in_dim3A_197 = vector.broadcast %broadcast_in_dim3A_196 : f32 to vector<144x20xf32>
    %slice3A_198 = vector.extract_strided_slice %concatenate3A_195 {offsets = [0, 0], sizes = [144, 20], strides = [1, 1]} : vector<170x180xf32> to vector<144x20xf32>
    %jit3A_199 = arith.constant 0.000000e+00 : f32
    %broadcast_in_dim3A_200 = vector.broadcast %jit3A_199 : f32 to vector<144x20xf32>
    %select_n3A_201 = arith.select %ge3A_21, %slice3A_198, %broadcast_in_dim3A_200 : vector<144x20xi1>, vector<144x20xf32>
    %add3A_202 = arith.addf %broadcast_in_dim3A_197, %select_n3A_201 : vector<144x20xf32>
    %slice3A_203 = vector.extract_strided_slice %concatenate3A_195 {offsets = [1, 20], sizes = [144, 20], strides = [1, 1]} : vector<170x180xf32> to vector<144x20xf32>
    %add3A_204 = arith.addf %add3A_202, %slice3A_203 : vector<144x20xf32>
    %slice3A_205 = vector.extract_strided_slice %concatenate3A_195 {offsets = [2, 40], sizes = [144, 20], strides = [1, 1]} : vector<170x180xf32> to vector<144x20xf32>
    %jit3A_206 = arith.constant 0.000000e+00 : f32
    %broadcast_in_dim3A_207 = vector.broadcast %jit3A_206 : f32 to vector<144x20xf32>
    %select_n3A_208 = arith.select %le3A_23, %slice3A_205, %broadcast_in_dim3A_207 : vector<144x20xi1>, vector<144x20xf32>
    %add3A_209 = arith.addf %add3A_204, %select_n3A_208 : vector<144x20xf32>
    %slice3A_210 = vector.extract_strided_slice %concatenate3A_195 {offsets = [12, 60], sizes = [144, 20], strides = [1, 1]} : vector<170x180xf32> to vector<144x20xf32>
    %jit3A_211 = arith.constant 0.000000e+00 : f32
    %broadcast_in_dim3A_212 = vector.broadcast %jit3A_211 : f32 to vector<144x20xf32>
    %select_n3A_213 = arith.select %ge3A_21, %slice3A_210, %broadcast_in_dim3A_212 : vector<144x20xi1>, vector<144x20xf32>
    %add3A_214 = arith.addf %add3A_209, %select_n3A_213 : vector<144x20xf32>
    %slice3A_215 = vector.extract_strided_slice %concatenate3A_195 {offsets = [13, 80], sizes = [144, 20], strides = [1, 1]} : vector<170x180xf32> to vector<144x20xf32>
    %add3A_216 = arith.addf %add3A_214, %slice3A_215 : vector<144x20xf32>
    %slice3A_217 = vector.extract_strided_slice %concatenate3A_195 {offsets = [14, 100], sizes = [144, 20], strides = [1, 1]} : vector<170x180xf32> to vector<144x20xf32>
    %jit3A_218 = arith.constant 0.000000e+00 : f32
    %broadcast_in_dim3A_219 = vector.broadcast %jit3A_218 : f32 to vector<144x20xf32>
    %select_n3A_220 = arith.select %le3A_23, %slice3A_217, %broadcast_in_dim3A_219 : vector<144x20xi1>, vector<144x20xf32>
    %add3A_221 = arith.addf %add3A_216, %select_n3A_220 : vector<144x20xf32>
    %slice3A_222 = vector.extract_strided_slice %concatenate3A_195 {offsets = [24, 120], sizes = [144, 20], strides = [1, 1]} : vector<170x180xf32> to vector<144x20xf32>
    %jit3A_223 = arith.constant 0.000000e+00 : f32
    %broadcast_in_dim3A_224 = vector.broadcast %jit3A_223 : f32 to vector<144x20xf32>
    %select_n3A_225 = arith.select %ge3A_21, %slice3A_222, %broadcast_in_dim3A_224 : vector<144x20xi1>, vector<144x20xf32>
    %add3A_226 = arith.addf %add3A_221, %select_n3A_225 : vector<144x20xf32>
    %slice3A_227 = vector.extract_strided_slice %concatenate3A_195 {offsets = [25, 140], sizes = [144, 20], strides = [1, 1]} : vector<170x180xf32> to vector<144x20xf32>
    %add3A_228 = arith.addf %add3A_226, %slice3A_227 : vector<144x20xf32>
    %slice3A_229 = vector.extract_strided_slice %concatenate3A_195 {offsets = [26, 160], sizes = [144, 20], strides = [1, 1]} : vector<170x180xf32> to vector<144x20xf32>
    %jit3A_230 = arith.constant 0.000000e+00 : f32
    %broadcast_in_dim3A_231 = vector.broadcast %jit3A_230 : f32 to vector<144x20xf32>
    %select_n3A_232 = arith.select %le3A_23, %slice3A_229, %broadcast_in_dim3A_231 : vector<144x20xi1>, vector<144x20xf32>
    %add3A_233 = arith.addf %add3A_228, %select_n3A_232 : vector<144x20xf32>
    %max3A_234 = arith.constant 0.000000e+00 : f32
    %max3A_235 = vector.broadcast %max3A_234 : f32 to vector<144x20xf32>
    %max3A_236 = arith.maximumf %add3A_233, %max3A_235 : vector<144x20xf32>
    %swap3A_237 = arith.constant 0 : index
    %swap3A_238 = arith.constant 212 : index
    %swap3A_239 = vector.load %arg6[%swap3A_237, %swap3A_238] : memref<144x312xf32, #tpu.memory_space<vmem>>, vector<144x20xf32>
    tpu.vector_store %arg6[%swap3A_237, %swap3A_238], %max3A_236 {strides = array<i32>} : memref<144x312xf32, #tpu.memory_space<vmem>>, vector<144x20xf32>,
    %get3A_240 = arith.constant 0 : index
    %get3A_241 = arith.constant 0 : index
    %get3A_242 = vector.load %arg6[%get3A_240, %get3A_241] : memref<144x312xf32, #tpu.memory_space<vmem>>, vector<144x232xf32>
    %convert_element_type3A_243 = arith.truncf %get3A_242 : vector<144x232xf32> to vector<144x232xbf16>
    %get3A_244 = arith.constant 728 : index
    %get3A_245 = arith.constant 0 : index
    %get3A_246 = vector.load %arg2[%get3A_244, %get3A_245] : memref<1776x180xf32, #tpu.memory_space<vmem>>, vector<232x180xf32>
    %convert_element_type3A_247 = arith.truncf %get3A_246 : vector<232x180xf32> to vector<232x180xbf16>
    %dot_general3A_248 = arith.constant dense<0.000000e+00> : vector<144x180xf32>
    %dot_general3A_249 = tpu.matmul %convert_element_type3A_243, %convert_element_type3A_247, %dot_general3A_248 {dimension_numbers = #tpu.dot_dimension_numbers<[1], [0], [0], [1], [0, 0, 1, 1], [], []>, transpose_lhs_hint = false} : vector<144x232xbf16>, vector<232x180xbf16>, vector<144x180xf32> -> vector<144x180xf32>
    %concatenate3A_250 = tpu.concatenate %broadcast_in_dim3A_24, %dot_general3A_249, %broadcast_in_dim3A_24 in 0 : vector<13x180xf32>, vector<144x180xf32>, vector<13x180xf32> -> vector<170x180xf32>
    %broadcast_in_dim3A_251 = arith.constant 0.000000e+00 : f32
    %broadcast_in_dim3A_252 = vector.broadcast %broadcast_in_dim3A_251 : f32 to vector<144x20xf32>
    %slice3A_253 = vector.extract_strided_slice %concatenate3A_250 {offsets = [0, 0], sizes = [144, 20], strides = [1, 1]} : vector<170x180xf32> to vector<144x20xf32>
    %jit3A_254 = arith.constant 0.000000e+00 : f32
    %broadcast_in_dim3A_255 = vector.broadcast %jit3A_254 : f32 to vector<144x20xf32>
    %select_n3A_256 = arith.select %ge3A_21, %slice3A_253, %broadcast_in_dim3A_255 : vector<144x20xi1>, vector<144x20xf32>
    %add3A_257 = arith.addf %broadcast_in_dim3A_252, %select_n3A_256 : vector<144x20xf32>
    %slice3A_258 = vector.extract_strided_slice %concatenate3A_250 {offsets = [1, 20], sizes = [144, 20], strides = [1, 1]} : vector<170x180xf32> to vector<144x20xf32>
    %add3A_259 = arith.addf %add3A_257, %slice3A_258 : vector<144x20xf32>
    %slice3A_260 = vector.extract_strided_slice %concatenate3A_250 {offsets = [2, 40], sizes = [144, 20], strides = [1, 1]} : vector<170x180xf32> to vector<144x20xf32>
    %jit3A_261 = arith.constant 0.000000e+00 : f32
    %broadcast_in_dim3A_262 = vector.broadcast %jit3A_261 : f32 to vector<144x20xf32>
    %select_n3A_263 = arith.select %le3A_23, %slice3A_260, %broadcast_in_dim3A_262 : vector<144x20xi1>, vector<144x20xf32>
    %add3A_264 = arith.addf %add3A_259, %select_n3A_263 : vector<144x20xf32>
    %slice3A_265 = vector.extract_strided_slice %concatenate3A_250 {offsets = [12, 60], sizes = [144, 20], strides = [1, 1]} : vector<170x180xf32> to vector<144x20xf32>
    %jit3A_266 = arith.constant 0.000000e+00 : f32
    %broadcast_in_dim3A_267 = vector.broadcast %jit3A_266 : f32 to vector<144x20xf32>
    %select_n3A_268 = arith.select %ge3A_21, %slice3A_265, %broadcast_in_dim3A_267 : vector<144x20xi1>, vector<144x20xf32>
    %add3A_269 = arith.addf %add3A_264, %select_n3A_268 : vector<144x20xf32>
    %slice3A_270 = vector.extract_strided_slice %concatenate3A_250 {offsets = [13, 80], sizes = [144, 20], strides = [1, 1]} : vector<170x180xf32> to vector<144x20xf32>
    %add3A_271 = arith.addf %add3A_269, %slice3A_270 : vector<144x20xf32>
    %slice3A_272 = vector.extract_strided_slice %concatenate3A_250 {offsets = [14, 100], sizes = [144, 20], strides = [1, 1]} : vector<170x180xf32> to vector<144x20xf32>
    %jit3A_273 = arith.constant 0.000000e+00 : f32
    %broadcast_in_dim3A_274 = vector.broadcast %jit3A_273 : f32 to vector<144x20xf32>
    %select_n3A_275 = arith.select %le3A_23, %slice3A_272, %broadcast_in_dim3A_274 : vector<144x20xi1>, vector<144x20xf32>
    %add3A_276 = arith.addf %add3A_271, %select_n3A_275 : vector<144x20xf32>
    %slice3A_277 = vector.extract_strided_slice %concatenate3A_250 {offsets = [24, 120], sizes = [144, 20], strides = [1, 1]} : vector<170x180xf32> to vector<144x20xf32>
    %jit3A_278 = arith.constant 0.000000e+00 : f32
    %broadcast_in_dim3A_279 = vector.broadcast %jit3A_278 : f32 to vector<144x20xf32>
    %select_n3A_280 = arith.select %ge3A_21, %slice3A_277, %broadcast_in_dim3A_279 : vector<144x20xi1>, vector<144x20xf32>
    %add3A_281 = arith.addf %add3A_276, %select_n3A_280 : vector<144x20xf32>
    %slice3A_282 = vector.extract_strided_slice %concatenate3A_250 {offsets = [25, 140], sizes = [144, 20], strides = [1, 1]} : vector<170x180xf32> to vector<144x20xf32>
    %add3A_283 = arith.addf %add3A_281, %slice3A_282 : vector<144x20xf32>
    %slice3A_284 = vector.extract_strided_slice %concatenate3A_250 {offsets = [26, 160], sizes = [144, 20], strides = [1, 1]} : vector<170x180xf32> to vector<144x20xf32>
    %jit3A_285 = arith.constant 0.000000e+00 : f32
    %broadcast_in_dim3A_286 = vector.broadcast %jit3A_285 : f32 to vector<144x20xf32>
    %select_n3A_287 = arith.select %le3A_23, %slice3A_284, %broadcast_in_dim3A_286 : vector<144x20xi1>, vector<144x20xf32>
    %add3A_288 = arith.addf %add3A_283, %select_n3A_287 : vector<144x20xf32>
    %max3A_289 = arith.constant 0.000000e+00 : f32
    %max3A_290 = vector.broadcast %max3A_289 : f32 to vector<144x20xf32>
    %max3A_291 = arith.maximumf %add3A_288, %max3A_290 : vector<144x20xf32>
    %swap3A_292 = arith.constant 0 : index
    %swap3A_293 = arith.constant 232 : index
    %swap3A_294 = vector.load %arg6[%swap3A_292, %swap3A_293] : memref<144x312xf32, #tpu.memory_space<vmem>>, vector<144x20xf32>
    tpu.vector_store %arg6[%swap3A_292, %swap3A_293], %max3A_291 {strides = array<i32>} : memref<144x312xf32, #tpu.memory_space<vmem>>, vector<144x20xf32>,
    %get3A_295 = arith.constant 0 : index
    %get3A_296 = arith.constant 0 : index
    %get3A_297 = vector.load %arg6[%get3A_295, %get3A_296] : memref<144x312xf32, #tpu.memory_space<vmem>>, vector<144x252xf32>
    %convert_element_type3A_298 = arith.truncf %get3A_297 : vector<144x252xf32> to vector<144x252xbf16>
    %get3A_299 = arith.constant 960 : index
    %get3A_300 = arith.constant 0 : index
    %get3A_301 = vector.load %arg2[%get3A_299, %get3A_300] : memref<1776x180xf32, #tpu.memory_space<vmem>>, vector<252x180xf32>
    %convert_element_type3A_302 = arith.truncf %get3A_301 : vector<252x180xf32> to vector<252x180xbf16>
    %dot_general3A_303 = arith.constant dense<0.000000e+00> : vector<144x180xf32>
    %dot_general3A_304 = tpu.matmul %convert_element_type3A_298, %convert_element_type3A_302, %dot_general3A_303 {dimension_numbers = #tpu.dot_dimension_numbers<[1], [0], [0], [1], [0, 0, 1, 1], [], []>, transpose_lhs_hint = false} : vector<144x252xbf16>, vector<252x180xbf16>, vector<144x180xf32> -> vector<144x180xf32>
    %concatenate3A_305 = tpu.concatenate %broadcast_in_dim3A_24, %dot_general3A_304, %broadcast_in_dim3A_24 in 0 : vector<13x180xf32>, vector<144x180xf32>, vector<13x180xf32> -> vector<170x180xf32>
    %broadcast_in_dim3A_306 = arith.constant 0.000000e+00 : f32
    %broadcast_in_dim3A_307 = vector.broadcast %broadcast_in_dim3A_306 : f32 to vector<144x20xf32>
    %slice3A_308 = vector.extract_strided_slice %concatenate3A_305 {offsets = [0, 0], sizes = [144, 20], strides = [1, 1]} : vector<170x180xf32> to vector<144x20xf32>
    %jit3A_309 = arith.constant 0.000000e+00 : f32
    %broadcast_in_dim3A_310 = vector.broadcast %jit3A_309 : f32 to vector<144x20xf32>
    %select_n3A_311 = arith.select %ge3A_21, %slice3A_308, %broadcast_in_dim3A_310 : vector<144x20xi1>, vector<144x20xf32>
    %add3A_312 = arith.addf %broadcast_in_dim3A_307, %select_n3A_311 : vector<144x20xf32>
    %slice3A_313 = vector.extract_strided_slice %concatenate3A_305 {offsets = [1, 20], sizes = [144, 20], strides = [1, 1]} : vector<170x180xf32> to vector<144x20xf32>
    %add3A_314 = arith.addf %add3A_312, %slice3A_313 : vector<144x20xf32>
    %slice3A_315 = vector.extract_strided_slice %concatenate3A_305 {offsets = [2, 40], sizes = [144, 20], strides = [1, 1]} : vector<170x180xf32> to vector<144x20xf32>
    %jit3A_316 = arith.constant 0.000000e+00 : f32
    %broadcast_in_dim3A_317 = vector.broadcast %jit3A_316 : f32 to vector<144x20xf32>
    %select_n3A_318 = arith.select %le3A_23, %slice3A_315, %broadcast_in_dim3A_317 : vector<144x20xi1>, vector<144x20xf32>
    %add3A_319 = arith.addf %add3A_314, %select_n3A_318 : vector<144x20xf32>
    %slice3A_320 = vector.extract_strided_slice %concatenate3A_305 {offsets = [12, 60], sizes = [144, 20], strides = [1, 1]} : vector<170x180xf32> to vector<144x20xf32>
    %jit3A_321 = arith.constant 0.000000e+00 : f32
    %broadcast_in_dim3A_322 = vector.broadcast %jit3A_321 : f32 to vector<144x20xf32>
    %select_n3A_323 = arith.select %ge3A_21, %slice3A_320, %broadcast_in_dim3A_322 : vector<144x20xi1>, vector<144x20xf32>
    %add3A_324 = arith.addf %add3A_319, %select_n3A_323 : vector<144x20xf32>
    %slice3A_325 = vector.extract_strided_slice %concatenate3A_305 {offsets = [13, 80], sizes = [144, 20], strides = [1, 1]} : vector<170x180xf32> to vector<144x20xf32>
    %add3A_326 = arith.addf %add3A_324, %slice3A_325 : vector<144x20xf32>
    %slice3A_327 = vector.extract_strided_slice %concatenate3A_305 {offsets = [14, 100], sizes = [144, 20], strides = [1, 1]} : vector<170x180xf32> to vector<144x20xf32>
    %jit3A_328 = arith.constant 0.000000e+00 : f32
    %broadcast_in_dim3A_329 = vector.broadcast %jit3A_328 : f32 to vector<144x20xf32>
    %select_n3A_330 = arith.select %le3A_23, %slice3A_327, %broadcast_in_dim3A_329 : vector<144x20xi1>, vector<144x20xf32>
    %add3A_331 = arith.addf %add3A_326, %select_n3A_330 : vector<144x20xf32>
    %slice3A_332 = vector.extract_strided_slice %concatenate3A_305 {offsets = [24, 120], sizes = [144, 20], strides = [1, 1]} : vector<170x180xf32> to vector<144x20xf32>
    %jit3A_333 = arith.constant 0.000000e+00 : f32
    %broadcast_in_dim3A_334 = vector.broadcast %jit3A_333 : f32 to vector<144x20xf32>
    %select_n3A_335 = arith.select %ge3A_21, %slice3A_332, %broadcast_in_dim3A_334 : vector<144x20xi1>, vector<144x20xf32>
    %add3A_336 = arith.addf %add3A_331, %select_n3A_335 : vector<144x20xf32>
    %slice3A_337 = vector.extract_strided_slice %concatenate3A_305 {offsets = [25, 140], sizes = [144, 20], strides = [1, 1]} : vector<170x180xf32> to vector<144x20xf32>
    %add3A_338 = arith.addf %add3A_336, %slice3A_337 : vector<144x20xf32>
    %slice3A_339 = vector.extract_strided_slice %concatenate3A_305 {offsets = [26, 160], sizes = [144, 20], strides = [1, 1]} : vector<170x180xf32> to vector<144x20xf32>
    %jit3A_340 = arith.constant 0.000000e+00 : f32
    %broadcast_in_dim3A_341 = vector.broadcast %jit3A_340 : f32 to vector<144x20xf32>
    %select_n3A_342 = arith.select %le3A_23, %slice3A_339, %broadcast_in_dim3A_341 : vector<144x20xi1>, vector<144x20xf32>
    %add3A_343 = arith.addf %add3A_338, %select_n3A_342 : vector<144x20xf32>
    %max3A_344 = arith.constant 0.000000e+00 : f32
    %max3A_345 = vector.broadcast %max3A_344 : f32 to vector<144x20xf32>
    %max3A_346 = arith.maximumf %add3A_343, %max3A_345 : vector<144x20xf32>
    %swap3A_347 = arith.constant 0 : index
    %swap3A_348 = arith.constant 252 : index
    %swap3A_349 = vector.load %arg6[%swap3A_347, %swap3A_348] : memref<144x312xf32, #tpu.memory_space<vmem>>, vector<144x20xf32>
    tpu.vector_store %arg6[%swap3A_347, %swap3A_348], %max3A_346 {strides = array<i32>} : memref<144x312xf32, #tpu.memory_space<vmem>>, vector<144x20xf32>,
    %get3A_350 = arith.constant 0 : index
    %get3A_351 = arith.constant 0 : index
    %get3A_352 = vector.load %arg6[%get3A_350, %get3A_351] : memref<144x312xf32, #tpu.memory_space<vmem>>, vector<144x272xf32>
    %convert_element_type3A_353 = arith.truncf %get3A_352 : vector<144x272xf32> to vector<144x272xbf16>
    %get3A_354 = arith.constant 1212 : index
    %get3A_355 = arith.constant 0 : index
    %get3A_356 = vector.load %arg2[%get3A_354, %get3A_355] : memref<1776x180xf32, #tpu.memory_space<vmem>>, vector<272x180xf32>
    %convert_element_type3A_357 = arith.truncf %get3A_356 : vector<272x180xf32> to vector<272x180xbf16>
    %dot_general3A_358 = arith.constant dense<0.000000e+00> : vector<144x180xf32>
    %dot_general3A_359 = tpu.matmul %convert_element_type3A_353, %convert_element_type3A_357, %dot_general3A_358 {dimension_numbers = #tpu.dot_dimension_numbers<[1], [0], [0], [1], [0, 0, 1, 1], [], []>, transpose_lhs_hint = false} : vector<144x272xbf16>, vector<272x180xbf16>, vector<144x180xf32> -> vector<144x180xf32>
    %concatenate3A_360 = tpu.concatenate %broadcast_in_dim3A_24, %dot_general3A_359, %broadcast_in_dim3A_24 in 0 : vector<13x180xf32>, vector<144x180xf32>, vector<13x180xf32> -> vector<170x180xf32>
    %broadcast_in_dim3A_361 = arith.constant 0.000000e+00 : f32
    %broadcast_in_dim3A_362 = vector.broadcast %broadcast_in_dim3A_361 : f32 to vector<144x20xf32>
    %slice3A_363 = vector.extract_strided_slice %concatenate3A_360 {offsets = [0, 0], sizes = [144, 20], strides = [1, 1]} : vector<170x180xf32> to vector<144x20xf32>
    %jit3A_364 = arith.constant 0.000000e+00 : f32
    %broadcast_in_dim3A_365 = vector.broadcast %jit3A_364 : f32 to vector<144x20xf32>
    %select_n3A_366 = arith.select %ge3A_21, %slice3A_363, %broadcast_in_dim3A_365 : vector<144x20xi1>, vector<144x20xf32>
    %add3A_367 = arith.addf %broadcast_in_dim3A_362, %select_n3A_366 : vector<144x20xf32>
    %slice3A_368 = vector.extract_strided_slice %concatenate3A_360 {offsets = [1, 20], sizes = [144, 20], strides = [1, 1]} : vector<170x180xf32> to vector<144x20xf32>
    %add3A_369 = arith.addf %add3A_367, %slice3A_368 : vector<144x20xf32>
    %slice3A_370 = vector.extract_strided_slice %concatenate3A_360 {offsets = [2, 40], sizes = [144, 20], strides = [1, 1]} : vector<170x180xf32> to vector<144x20xf32>
    %jit3A_371 = arith.constant 0.000000e+00 : f32
    %broadcast_in_dim3A_372 = vector.broadcast %jit3A_371 : f32 to vector<144x20xf32>
    %select_n3A_373 = arith.select %le3A_23, %slice3A_370, %broadcast_in_dim3A_372 : vector<144x20xi1>, vector<144x20xf32>
    %add3A_374 = arith.addf %add3A_369, %select_n3A_373 : vector<144x20xf32>
    %slice3A_375 = vector.extract_strided_slice %concatenate3A_360 {offsets = [12, 60], sizes = [144, 20], strides = [1, 1]} : vector<170x180xf32> to vector<144x20xf32>
    %jit3A_376 = arith.constant 0.000000e+00 : f32
    %broadcast_in_dim3A_377 = vector.broadcast %jit3A_376 : f32 to vector<144x20xf32>
    %select_n3A_378 = arith.select %ge3A_21, %slice3A_375, %broadcast_in_dim3A_377 : vector<144x20xi1>, vector<144x20xf32>
    %add3A_379 = arith.addf %add3A_374, %select_n3A_378 : vector<144x20xf32>
    %slice3A_380 = vector.extract_strided_slice %concatenate3A_360 {offsets = [13, 80], sizes = [144, 20], strides = [1, 1]} : vector<170x180xf32> to vector<144x20xf32>
    %add3A_381 = arith.addf %add3A_379, %slice3A_380 : vector<144x20xf32>
    %slice3A_382 = vector.extract_strided_slice %concatenate3A_360 {offsets = [14, 100], sizes = [144, 20], strides = [1, 1]} : vector<170x180xf32> to vector<144x20xf32>
    %jit3A_383 = arith.constant 0.000000e+00 : f32
    %broadcast_in_dim3A_384 = vector.broadcast %jit3A_383 : f32 to vector<144x20xf32>
    %select_n3A_385 = arith.select %le3A_23, %slice3A_382, %broadcast_in_dim3A_384 : vector<144x20xi1>, vector<144x20xf32>
    %add3A_386 = arith.addf %add3A_381, %select_n3A_385 : vector<144x20xf32>
    %slice3A_387 = vector.extract_strided_slice %concatenate3A_360 {offsets = [24, 120], sizes = [144, 20], strides = [1, 1]} : vector<170x180xf32> to vector<144x20xf32>
    %jit3A_388 = arith.constant 0.000000e+00 : f32
    %broadcast_in_dim3A_389 = vector.broadcast %jit3A_388 : f32 to vector<144x20xf32>
    %select_n3A_390 = arith.select %ge3A_21, %slice3A_387, %broadcast_in_dim3A_389 : vector<144x20xi1>, vector<144x20xf32>
    %add3A_391 = arith.addf %add3A_386, %select_n3A_390 : vector<144x20xf32>
    %slice3A_392 = vector.extract_strided_slice %concatenate3A_360 {offsets = [25, 140], sizes = [144, 20], strides = [1, 1]} : vector<170x180xf32> to vector<144x20xf32>
    %add3A_393 = arith.addf %add3A_391, %slice3A_392 : vector<144x20xf32>
    %slice3A_394 = vector.extract_strided_slice %concatenate3A_360 {offsets = [26, 160], sizes = [144, 20], strides = [1, 1]} : vector<170x180xf32> to vector<144x20xf32>
    %jit3A_395 = arith.constant 0.000000e+00 : f32
    %broadcast_in_dim3A_396 = vector.broadcast %jit3A_395 : f32 to vector<144x20xf32>
    %select_n3A_397 = arith.select %le3A_23, %slice3A_394, %broadcast_in_dim3A_396 : vector<144x20xi1>, vector<144x20xf32>
    %add3A_398 = arith.addf %add3A_393, %select_n3A_397 : vector<144x20xf32>
    %max3A_399 = arith.constant 0.000000e+00 : f32
    %max3A_400 = vector.broadcast %max3A_399 : f32 to vector<144x20xf32>
    %max3A_401 = arith.maximumf %add3A_398, %max3A_400 : vector<144x20xf32>
    %swap3A_402 = arith.constant 0 : index
    %swap3A_403 = arith.constant 272 : index
    %swap3A_404 = vector.load %arg6[%swap3A_402, %swap3A_403] : memref<144x312xf32, #tpu.memory_space<vmem>>, vector<144x20xf32>
    tpu.vector_store %arg6[%swap3A_402, %swap3A_403], %max3A_401 {strides = array<i32>} : memref<144x312xf32, #tpu.memory_space<vmem>>, vector<144x20xf32>,
    %get3A_405 = arith.constant 0 : index
    %get3A_406 = arith.constant 0 : index
    %get3A_407 = vector.load %arg6[%get3A_405, %get3A_406] : memref<144x312xf32, #tpu.memory_space<vmem>>, vector<144x292xf32>
    %convert_element_type3A_408 = arith.truncf %get3A_407 : vector<144x292xf32> to vector<144x292xbf16>
    %get3A_409 = arith.constant 1484 : index
    %get3A_410 = arith.constant 0 : index
    %get3A_411 = vector.load %arg2[%get3A_409, %get3A_410] : memref<1776x180xf32, #tpu.memory_space<vmem>>, vector<292x180xf32>
    %convert_element_type3A_412 = arith.truncf %get3A_411 : vector<292x180xf32> to vector<292x180xbf16>
    %dot_general3A_413 = arith.constant dense<0.000000e+00> : vector<144x180xf32>
    %dot_general3A_414 = tpu.matmul %convert_element_type3A_408, %convert_element_type3A_412, %dot_general3A_413 {dimension_numbers = #tpu.dot_dimension_numbers<[1], [0], [0], [1], [0, 0, 1, 1], [], []>, transpose_lhs_hint = false} : vector<144x292xbf16>, vector<292x180xbf16>, vector<144x180xf32> -> vector<144x180xf32>
    %concatenate3A_415 = tpu.concatenate %broadcast_in_dim3A_24, %dot_general3A_414, %broadcast_in_dim3A_24 in 0 : vector<13x180xf32>, vector<144x180xf32>, vector<13x180xf32> -> vector<170x180xf32>
    %broadcast_in_dim3A_416 = arith.constant 0.000000e+00 : f32
    %broadcast_in_dim3A_417 = vector.broadcast %broadcast_in_dim3A_416 : f32 to vector<144x20xf32>
    %slice3A_418 = vector.extract_strided_slice %concatenate3A_415 {offsets = [0, 0], sizes = [144, 20], strides = [1, 1]} : vector<170x180xf32> to vector<144x20xf32>
    %jit3A_419 = arith.constant 0.000000e+00 : f32
    %broadcast_in_dim3A_420 = vector.broadcast %jit3A_419 : f32 to vector<144x20xf32>
    %select_n3A_421 = arith.select %ge3A_21, %slice3A_418, %broadcast_in_dim3A_420 : vector<144x20xi1>, vector<144x20xf32>
    %add3A_422 = arith.addf %broadcast_in_dim3A_417, %select_n3A_421 : vector<144x20xf32>
    %slice3A_423 = vector.extract_strided_slice %concatenate3A_415 {offsets = [1, 20], sizes = [144, 20], strides = [1, 1]} : vector<170x180xf32> to vector<144x20xf32>
    %add3A_424 = arith.addf %add3A_422, %slice3A_423 : vector<144x20xf32>
    %slice3A_425 = vector.extract_strided_slice %concatenate3A_415 {offsets = [2, 40], sizes = [144, 20], strides = [1, 1]} : vector<170x180xf32> to vector<144x20xf32>
    %jit3A_426 = arith.constant 0.000000e+00 : f32
    %broadcast_in_dim3A_427 = vector.broadcast %jit3A_426 : f32 to vector<144x20xf32>
    %select_n3A_428 = arith.select %le3A_23, %slice3A_425, %broadcast_in_dim3A_427 : vector<144x20xi1>, vector<144x20xf32>
    %add3A_429 = arith.addf %add3A_424, %select_n3A_428 : vector<144x20xf32>
    %slice3A_430 = vector.extract_strided_slice %concatenate3A_415 {offsets = [12, 60], sizes = [144, 20], strides = [1, 1]} : vector<170x180xf32> to vector<144x20xf32>
    %jit3A_431 = arith.constant 0.000000e+00 : f32
    %broadcast_in_dim3A_432 = vector.broadcast %jit3A_431 : f32 to vector<144x20xf32>
    %select_n3A_433 = arith.select %ge3A_21, %slice3A_430, %broadcast_in_dim3A_432 : vector<144x20xi1>, vector<144x20xf32>
    %add3A_434 = arith.addf %add3A_429, %select_n3A_433 : vector<144x20xf32>
    %slice3A_435 = vector.extract_strided_slice %concatenate3A_415 {offsets = [13, 80], sizes = [144, 20], strides = [1, 1]} : vector<170x180xf32> to vector<144x20xf32>
    %add3A_436 = arith.addf %add3A_434, %slice3A_435 : vector<144x20xf32>
    %slice3A_437 = vector.extract_strided_slice %concatenate3A_415 {offsets = [14, 100], sizes = [144, 20], strides = [1, 1]} : vector<170x180xf32> to vector<144x20xf32>
    %jit3A_438 = arith.constant 0.000000e+00 : f32
    %broadcast_in_dim3A_439 = vector.broadcast %jit3A_438 : f32 to vector<144x20xf32>
    %select_n3A_440 = arith.select %le3A_23, %slice3A_437, %broadcast_in_dim3A_439 : vector<144x20xi1>, vector<144x20xf32>
    %add3A_441 = arith.addf %add3A_436, %select_n3A_440 : vector<144x20xf32>
    %slice3A_442 = vector.extract_strided_slice %concatenate3A_415 {offsets = [24, 120], sizes = [144, 20], strides = [1, 1]} : vector<170x180xf32> to vector<144x20xf32>
    %jit3A_443 = arith.constant 0.000000e+00 : f32
    %broadcast_in_dim3A_444 = vector.broadcast %jit3A_443 : f32 to vector<144x20xf32>
    %select_n3A_445 = arith.select %ge3A_21, %slice3A_442, %broadcast_in_dim3A_444 : vector<144x20xi1>, vector<144x20xf32>
    %add3A_446 = arith.addf %add3A_441, %select_n3A_445 : vector<144x20xf32>
    %slice3A_447 = vector.extract_strided_slice %concatenate3A_415 {offsets = [25, 140], sizes = [144, 20], strides = [1, 1]} : vector<170x180xf32> to vector<144x20xf32>
    %add3A_448 = arith.addf %add3A_446, %slice3A_447 : vector<144x20xf32>
    %slice3A_449 = vector.extract_strided_slice %concatenate3A_415 {offsets = [26, 160], sizes = [144, 20], strides = [1, 1]} : vector<170x180xf32> to vector<144x20xf32>
    %jit3A_450 = arith.constant 0.000000e+00 : f32
    %broadcast_in_dim3A_451 = vector.broadcast %jit3A_450 : f32 to vector<144x20xf32>
    %select_n3A_452 = arith.select %le3A_23, %slice3A_449, %broadcast_in_dim3A_451 : vector<144x20xi1>, vector<144x20xf32>
    %add3A_453 = arith.addf %add3A_448, %select_n3A_452 : vector<144x20xf32>
    %max3A_454 = arith.constant 0.000000e+00 : f32
    %max3A_455 = vector.broadcast %max3A_454 : f32 to vector<144x20xf32>
    %max3A_456 = arith.maximumf %add3A_453, %max3A_455 : vector<144x20xf32>
    %swap3A_457 = arith.constant 0 : index
    %swap3A_458 = arith.constant 292 : index
    %swap3A_459 = vector.load %arg6[%swap3A_457, %swap3A_458] : memref<144x312xf32, #tpu.memory_space<vmem>>, vector<144x20xf32>
    tpu.vector_store %arg6[%swap3A_457, %swap3A_458], %max3A_456 {strides = array<i32>} : memref<144x312xf32, #tpu.memory_space<vmem>>, vector<144x20xf32>,
    %get3A_460 = arith.constant 0 : index
    %get3A_461 = arith.constant 0 : index
    %get3A_462 = vector.load %arg6[%get3A_460, %get3A_461] : memref<144x312xf32, #tpu.memory_space<vmem>>, vector<144x312xf32>
    %convert_element_type3A_463 = arith.truncf %get3A_462 : vector<144x312xf32> to vector<144x312xbf16>
    %get3A_464 = arith.constant 0 : index
    %get3A_465 = arith.constant 0 : index
    %get3A_466 = vector.load %arg3[%get3A_464, %get3A_465] : memref<312x156xf32, #tpu.memory_space<vmem>>, vector<312x156xf32>
    %convert_element_type3A_467 = arith.truncf %get3A_466 : vector<312x156xf32> to vector<312x156xbf16>
    %dot_general3A_468 = arith.constant dense<0.000000e+00> : vector<144x156xf32>
    %dot_general3A_469 = tpu.matmul %convert_element_type3A_463, %convert_element_type3A_467, %dot_general3A_468 {dimension_numbers = #tpu.dot_dimension_numbers<[1], [0], [0], [1], [0, 0, 1, 1], [], []>, transpose_lhs_hint = false} : vector<144x312xbf16>, vector<312x156xbf16>, vector<144x156xf32> -> vector<144x156xf32>
    %max3A_470 = arith.constant 0.000000e+00 : f32
    %max3A_471 = vector.broadcast %max3A_470 : f32 to vector<144x156xf32>
    %max3A_472 = arith.maximumf %dot_general3A_469, %max3A_471 : vector<144x156xf32>
    %slice3A_473 = vector.extract_strided_slice %max3A_472 {offsets = [1, 0], sizes = [143, 156], strides = [1, 1]} : vector<144x156xf32> to vector<143x156xf32>
    %broadcast_in_dim3A_474 = arith.constant 0.000000e+00 : f32
    %broadcast_in_dim3A_475 = vector.broadcast %broadcast_in_dim3A_474 : f32 to vector<1x156xf32>
    %concatenate3A_476 = tpu.concatenate %slice3A_473, %broadcast_in_dim3A_475 in 0 : vector<143x156xf32>, vector<1x156xf32> -> vector<144x156xf32>
    %max3A_477 = arith.maximumf %max3A_472, %concatenate3A_476 : vector<144x156xf32>
    %slice3A_478 = vector.extract_strided_slice %max3A_477 {offsets = [12, 0], sizes = [132, 156], strides = [1, 1]} : vector<144x156xf32> to vector<132x156xf32>
    %broadcast_in_dim3A_479 = arith.constant 0.000000e+00 : f32
    %broadcast_in_dim3A_480 = vector.broadcast %broadcast_in_dim3A_479 : f32 to vector<12x156xf32>
    %concatenate3A_481 = tpu.concatenate %slice3A_478, %broadcast_in_dim3A_480 in 0 : vector<132x156xf32>, vector<12x156xf32> -> vector<144x156xf32>
    %max3A_482 = arith.maximumf %max3A_477, %concatenate3A_481 : vector<144x156xf32>
    %get3A_483 = arith.constant 0 : index
    %get3A_484 = arith.constant 0 : index
    %get3A_485 = vector.load %arg4[%get3A_483, %get3A_484] : memref<36x144xf32, #tpu.memory_space<vmem>>, vector<36x144xf32>
    %dot_general3A_486 = arith.constant dense<0.000000e+00> : vector<36x156xf32>
    %dot_general3A_487 = tpu.matmul %get3A_485, %max3A_482, %dot_general3A_486 {dimension_numbers = #tpu.dot_dimension_numbers<[1], [0], [0], [1], [0, 0, 1, 1], [], []>, transpose_lhs_hint = false} : vector<36x144xf32>, vector<144x156xf32>, vector<36x156xf32> -> vector<36x156xf32>
    %swap3A_488 = arith.constant 0 : index
    %swap3A_489 = arith.constant 0 : index
    %swap3A_490 = arith.constant 0 : index
    %swap3A_491 = vector.load %arg5[%swap3A_488, %swap3A_489, %swap3A_490] : memref<1x36x156xf32, #tpu.memory_space<vmem>>, vector<1x36x156xf32>
    %swap3A_492 = vector.shape_cast %swap3A_491 : vector<1x36x156xf32> to vector<36x156xf32>
    %swap3A_493 = vector.shape_cast %dot_general3A_487 : vector<36x156xf32> to vector<1x36x156xf32>
    tpu.vector_store %arg5[%swap3A_488, %swap3A_489, %swap3A_490], %swap3A_493 {strides = array<i32>} : memref<1x36x156xf32, #tpu.memory_space<vmem>>, vector<1x36x156xf32>,
    return
  }
  func.func @transform_0(%arg0: i32) -> (i32, i32, i32) {
    %c0_i32 = arith.constant 0 : i32
    %c0_i32_0 = arith.constant 0 : i32
    %c0_i32_1 = arith.constant 0 : i32
    return %arg0, %c0_i32, %c0_i32_0 : i32, i32, i32
  }
  func.func @transform_1(%arg0: i32) -> (i32, i32) {
    %c0_i32 = arith.constant 0 : i32
    %c0_i32_0 = arith.constant 0 : i32
    %c0_i32_1 = arith.constant 0 : i32
    return %c0_i32, %c0_i32_0 : i32, i32
  }
  func.func @transform_2(%arg0: i32) -> (i32, i32) {
    %c0_i32 = arith.constant 0 : i32
    %c0_i32_0 = arith.constant 0 : i32
    %c0_i32_1 = arith.constant 0 : i32
    return %c0_i32, %c0_i32_0 : i32, i32
  }
  func.func @transform_3(%arg0: i32) -> (i32, i32) {
    %c0_i32 = arith.constant 0 : i32
    %c0_i32_0 = arith.constant 0 : i32
    %c0_i32_1 = arith.constant 0 : i32
    return %c0_i32, %c0_i32_0 : i32, i32
  }
  func.func @transform_4(%arg0: i32) -> (i32, i32, i32) {
    %c0_i32 = arith.constant 0 : i32
    %c0_i32_0 = arith.constant 0 : i32
    %c0_i32_1 = arith.constant 0 : i32
    return %arg0, %c0_i32, %c0_i32_0 : i32, i32, i32
  }
}

module attributes {stable_mosaic.version = 14 : i64} {
  func.func @_final_kernel(%arg0: i32, %arg1: memref<16x5616xf32, #tpu.memory_space<vmem>>, %arg2: memref<5616x3xf32, #tpu.memory_space<vmem>>, %arg3: memref<1x3xf32, #tpu.memory_space<vmem>>, %arg4: memref<16x3xf32, #tpu.memory_space<vmem>>) attributes {dimension_semantics = [#tpu.dimension_semantics<arbitrary>], iteration_bounds = array<i64: 1>, scalar_prefetch = 0 : i64, scratch_operands = 0 : i64, tpu.core_type = #tpu.core_type<tc>, window_params = [{pipeline_mode = #tpu.pipeline_mode<synchronous>, transform_indices = @transform_0, window_bounds = array<i64: 16, 5616>}, {pipeline_mode = #tpu.pipeline_mode<synchronous>, transform_indices = @transform_1, window_bounds = array<i64: 5616, 3>}, {pipeline_mode = #tpu.pipeline_mode<synchronous>, transform_indices = @transform_2, window_bounds = array<i64: 1, 3>}, {pipeline_mode = #tpu.pipeline_mode<synchronous>, transform_indices = @transform_3, window_bounds = array<i64: 16, 3>}]} {
    %get3A = arith.constant 0 : index
    %get3A_0 = arith.constant 0 : index
    %get3A_1 = vector.load %arg1[%get3A, %get3A_0] : memref<16x5616xf32, #tpu.memory_space<vmem>>, vector<16x5616xf32>
    %get3A_2 = arith.constant 0 : index
    %get3A_3 = arith.constant 0 : index
    %get3A_4 = vector.load %arg2[%get3A_2, %get3A_3] : memref<5616x3xf32, #tpu.memory_space<vmem>>, vector<5616x3xf32>
    %dot_general3A = arith.constant dense<0.000000e+00> : vector<16x3xf32>
    %dot_general3A_5 = tpu.matmul %get3A_1, %get3A_4, %dot_general3A {dimension_numbers = #tpu.dot_dimension_numbers<[1], [0], [0], [1], [0, 0, 1, 1], [], []>, transpose_lhs_hint = false} : vector<16x5616xf32>, vector<5616x3xf32>, vector<16x3xf32> -> vector<16x3xf32>
    %get3A_6 = arith.constant 0 : index
    %get3A_7 = arith.constant 0 : index
    %get3A_8 = vector.load %arg3[%get3A_6, %get3A_7] : memref<1x3xf32, #tpu.memory_space<vmem>>, vector<1x3xf32>
    %add3A = vector.broadcast %get3A_8 : vector<1x3xf32> to vector<16x3xf32>
    %add3A_9 = arith.addf %dot_general3A_5, %add3A : vector<16x3xf32>
    %reduce_max3A = arith.constant dense<0xFF800000> : vector<16xf32>
    %reduce_max3A_10 = vector.multi_reduction <maximumf>, %add3A_9, %reduce_max3A [1] : vector<16x3xf32> to vector<16xf32>
    %broadcast_in_dim3A = vector.shape_cast %reduce_max3A_10 : vector<16xf32> to vector<16x1xf32>
    %sub3A = vector.broadcast %broadcast_in_dim3A : vector<16x1xf32> to vector<16x3xf32>
    %sub3A_11 = arith.subf %add3A_9, %sub3A : vector<16x3xf32>
    %exp3A = math.exp %sub3A_11 : vector<16x3xf32>
    %reduce_sum3A = arith.constant dense<0.000000e+00> : vector<16xf32>
    %reduce_sum3A_12 = vector.multi_reduction <add>, %exp3A, %reduce_sum3A [1] : vector<16x3xf32> to vector<16xf32>
    %broadcast_in_dim3A_13 = vector.shape_cast %reduce_sum3A_12 : vector<16xf32> to vector<16x1xf32>
    %div3A = vector.broadcast %broadcast_in_dim3A_13 : vector<16x1xf32> to vector<16x3xf32>
    %div3A_14 = arith.divf %exp3A, %div3A : vector<16x3xf32>
    %swap3A = arith.constant 0 : index
    %swap3A_15 = arith.constant 0 : index
    %swap3A_16 = vector.load %arg4[%swap3A, %swap3A_15] : memref<16x3xf32, #tpu.memory_space<vmem>>, vector<16x3xf32>
    tpu.vector_store %arg4[%swap3A, %swap3A_15], %div3A_14 {strides = array<i32>} : memref<16x3xf32, #tpu.memory_space<vmem>>, vector<16x3xf32>,
    return
  }
  func.func @transform_0(%arg0: i32) -> (i32, i32) {
    %c0_i32 = arith.constant 0 : i32
    %c0_i32_0 = arith.constant 0 : i32
    %c0_i32_1 = arith.constant 0 : i32
    return %c0_i32, %c0_i32_0 : i32, i32
  }
  func.func @transform_1(%arg0: i32) -> (i32, i32) {
    %c0_i32 = arith.constant 0 : i32
    %c0_i32_0 = arith.constant 0 : i32
    %c0_i32_1 = arith.constant 0 : i32
    return %c0_i32, %c0_i32_0 : i32, i32
  }
  func.func @transform_2(%arg0: i32) -> (i32, i32) {
    %c0_i32 = arith.constant 0 : i32
    %c0_i32_0 = arith.constant 0 : i32
    %c0_i32_1 = arith.constant 0 : i32
    return %c0_i32, %c0_i32_0 : i32, i32
  }
  func.func @transform_3(%arg0: i32) -> (i32, i32) {
    %c0_i32 = arith.constant 0 : i32
    %c0_i32_0 = arith.constant 0 : i32
    %c0_i32_1 = arith.constant 0 : i32
    return %c0_i32, %c0_i32_0 : i32, i32
  }
}

</mosaic_0001>

<sc_bundles>
// kernel: kernel.11.cloned.1.call-start
scs
__scs_entry_jumppad:
0x0: {  	(pc) =	sbr.rel $0x88, $3  }
0x1: {  	(tag) =	ssettag $0x0;
	lr =	simm.s32 $0x1  }
0x2: {  	[smem:$0x3F6A] =	sst lr;
	_ =	strace $0xD0000000  }
0x3: {  	_ = 	snop  }
0x4: {  	_ = 	snop  }
0x5: {  	_ = 	snop  }
0x6: {  	_ = 	snop  }
0x7: {  	_ = 	snop  }
__scs_overlays_trampoline_lowered:
0x8: {  	[smem:$0x3F79] =	sst s0  }
0x9: {  	[smem:$0x3F7A] =	sst s1  }
0xa: {  	[smem:$0x3F7B] =	sst s2  }
0xb: {  	[smem:$0x3F7C] =	sst s3  }
0xc: {  	[smem:$0x3F7D] =	sst s4  }
0xd: {  	[smem:$0x3F7E] =	sst s5  }
0xe: {  	[smem:$0x3F7F] =	sst s6  }
0xf: {  	[smem:$0x3F80] =	sst s7  }
0x10: {  	[smem:$0x3F81] =	sst s8  }
0x11: {  	[smem:$0x3F82] =	sst s9;
	s0 =	simm.s32 @!p0 $0x0  }
0x12: {  	s1 =	sld [smem:$0x3F68];
	s0 =	simm.s32 @p0 $0x1  }
0x13: {  	[smem:$0x3F83] =	sst s0;
	s0 =	simm.s32 @!p1 $0x0  }
0x14: {  	s2 =	sld [smem:$0x3F67];
	s0 =	simm.s32 @p1 $0x1  }
0x15: {  	[smem:$0x3F84] =	sst s0;
	s0 =	simm.s32 @!p2 $0x0  }
0x16: {  	s3 =	sld [smem:$0x3FDB];
	s0 =	simm.s32 @p2 $0x1  }
0x17: {  	s4 =	simm.s32 $0x1BF5;
	[smem:$0x3F86] =	sst s0  }
0x18: {  	s0 =	sld [smem:$0x3F69];
	_ =	swait.ge [sflag:s4], $0x0  }
0x19: {  	s7 =	sld [smem:$0x3F6A]  }
0x1a: {  	s8 =	sadd.s32 $0xFFFFE003, lr  }
0x1b: {  	s9 =	sadd.s32 $0xFFFFFEF7, lr;
	s5 =	simm.s32 $0xFFFFFFFF;
	p2 =	slt.u32 s8, $0xFFFFF086  }
0x1c: {  	p1 =	slt.u32 s9, $0xF7A;
	s5 =	simm.s32 @!p2 $0x0  }
0x1d: {  	s5 =	simm.s32 @p1 $0x1;
	p0 =	seq.s32 s7, s2  }
0x1e: {  	s7 =	smul.u32 @!p0 $0xF7A, s2;
	p2 =	seq.s32 @!p0 s5, $0x0  }
0x1f: {  	s9 =	smul.u32 $0xF7A, s1;
	s8 =	simm.s32 @!p0 $0x1BF5;
	p2 =	por !p2, p0  }
0x20: {  	[sflag:s8] =	ssyncset.s32 @!p0 $0xFFFFF086;
	s6 =	sadd.s32 @!p0 s3, s7;
	s7 =	simm.s32 @!p0 $0x108  }
0x21: {  	s3 =	sadd.s32 s3, s9;
	s6 =	sadd.s32 @!p0 $0x88, s6;
	s7 =	simm.s32 @p2 $0x1082  }
0x22: {  	[simem:s7], [sflag:s8] =	dma.local @!p0 [hbm:s6], $0xF7A  }
0x23: {  	s9 =	sor.u32 $0xD0000000, s2;
	s6 =	simm.s32 $0x108;
	_ =	swait.ge @!p0 [sflag:s8], $0x0  }
0x24: {  	s3 =	sadd.s32 $0x88, s3;
	s6 =	simm.s32 @!p1 $0x1082;
	[sflag:s4] =	ssyncset.s32 $0xFFFFF086  }
0x25: {  	[simem:s6], [sflag:s4] =	dma.local [hbm:s3], $0xF7A  }
0x26: {  	[smem:$0x3F6A] =	sst s1;
	(tag) =	ssettag s2;
	_ =	strace s9  }
0x27: {  	s1 =	sld [smem:$0x3F7A]  }
0x28: {  	s2 =	sld [smem:$0x3F7B]  }
0x29: {  	s4 =	sld [smem:$0x3F7D]  }
0x2a: {  	p0 =	seq.s32 s5, $0x0;
	s5 =	sld [smem:$0x3F7E]  }
0x2b: {  	s6 =	sld [smem:$0x3F7F]  }
0x2c: {  	s7 =	sld [smem:$0x3F80]  }
0x2d: {  	s3 =	simm.s32 $0x108;
	s8 =	sld [smem:$0x3F81]  }
0x2e: {  	s3 =	simm.s32 @!p0 $0x1082;
	s9 =	sld [smem:$0x3F82]  }
0x2f: {  	lr =	sadd.s32 s0, s3;
	s0 =	sld [smem:$0x3F79]  }
0x30: {  	s3 =	sld [smem:$0x3F7C]  }
0x31: {  	[smem:$0x3F85] =	sst s10  }
0x32: {  	s10 =	sld [smem:$0x3F83];
	_ =	sdelay $0x3  }
0x33: {  	p0 =	seq.s32 s10, $0x1;
	s10 =	sld [smem:$0x3F85];
	_ =	sdelay $0x3  }
0x34: {  	[smem:$0x3F85] =	sst s10  }
0x35: {  	s10 =	sld [smem:$0x3F84];
	_ =	sdelay $0x3  }
0x36: {  	p1 =	seq.s32 s10, $0x1;
	s10 =	sld [smem:$0x3F85];
	_ =	sdelay $0x3  }
0x37: {  	[smem:$0x3F85] =	sst s10  }
0x38: {  	s10 =	sld [smem:$0x3F86]  }
0x39: {  	_ = 	snop;
	(pc) =	sbr.ind lr, $3  }
0x3a: {  	_ = 	snop  }
0x3b: {  	_ = 	snop  }
0x3c: {  	p2 =	seq.s32 s10, $0x1;
	s10 =	sld [smem:$0x3F85]  }
0x3d: {  	_ =	shalt  }
0x3e: {  	_ =	shalt  }
0x3f: {  	_ =	shalt  }
0x40: {  	_ =	shalt  }
0x41: {  	_ =	shalt  }
0x42: {  	_ =	shalt  }
0x43: {  	_ =	shalt  }
0x44: {  	_ =	shalt  }
0x45: {  	_ =	shalt  }
0x46: {  	_ =	shalt  }
0x47: {  	_ =	shalt  }
0x48: {  	_ =	shalt  }
0x49: {  	_ =	shalt  }
0x4a: {  	_ =	shalt  }
0x4b: {  	_ =	shalt  }
0x4c: {  	_ =	shalt  }
0x4d: {  	_ =	shalt  }
0x4e: {  	_ =	shalt  }
0x4f: {  	_ =	shalt  }
0x50: {  	_ =	shalt  }
0x51: {  	_ =	shalt  }
0x52: {  	_ =	shalt  }
0x53: {  	_ =	shalt  }
0x54: {  	_ =	shalt  }
0x55: {  	_ =	shalt  }
0x56: {  	_ =	shalt  }
0x57: {  	_ =	shalt  }
0x58: {  	_ =	shalt  }
0x59: {  	_ =	shalt  }
0x5a: {  	_ =	shalt  }
0x5b: {  	_ =	shalt  }
0x5c: {  	_ =	shalt  }
0x5d: {  	_ =	shalt  }
0x5e: {  	_ =	shalt  }
0x5f: {  	_ =	shalt  }
0x60: {  	_ =	shalt  }
0x61: {  	_ =	shalt  }
0x62: {  	_ =	shalt  }
0x63: {  	_ =	shalt  }
0x64: {  	_ =	shalt  }
0x65: {  	_ =	shalt  }
0x66: {  	_ =	shalt  }
0x67: {  	_ =	shalt  }
0x68: {  	_ =	shalt  }
0x69: {  	_ =	shalt  }
0x6a: {  	_ =	shalt  }
0x6b: {  	_ =	shalt  }
0x6c: {  	_ =	shalt  }
0x6d: {  	_ =	shalt  }
0x6e: {  	_ =	shalt  }
0x6f: {  	_ =	shalt  }
0x70: {  	_ =	shalt  }
0x71: {  	_ =	shalt  }
0x72: {  	_ =	shalt  }
0x73: {  	_ =	shalt  }
0x74: {  	_ =	shalt  }
0x75: {  	_ =	shalt  }
0x76: {  	_ =	shalt  }
0x77: {  	_ =	shalt  }
0x78: {  	_ =	shalt  }
0x79: {  	_ =	shalt  }
0x7a: {  	_ =	shalt  }
0x7b: {  	_ =	shalt  }
0x7c: {  	_ =	shalt  }
0x7d: {  	_ =	shalt  }
0x7e: {  	_ =	shalt  }
0x7f: {  	_ =	shalt  }
0x80: {  	_ =	shalt  }
0x81: {  	_ =	shalt  }
0x82: {  	_ =	shalt  }
0x83: {  	_ =	shalt  }
0x84: {  	_ =	shalt  }
0x85: {  	_ =	shalt  }
0x86: {  	_ =	shalt  }
0x87: {  	_ =	shalt  }
.Lfunc_end0:
.L_simem_size_0:
called_computation.1_lowered:
.L_overlay_start_0:
0x88: {  	s2 =	sld [smem:$0x3FD9]  }
0x89: {  	s3 =	sld [smem:$0x3FFE];
	_ =	sdelay $0x1  }
0x8a: {  	s1 =	srdreg.scid  }
0x8b: {  	s0 =	sand.u32 $0x1, s1  }
0x8c: {  	s16 =	sshll.u32 s0, $0xA;
	s2 =	sadd.s32 s3, s2  }
0x8d: {  	s2 =	sadd.s32 s2, s16  }
0x8e: {  	[smem:$0x3F91] =	sst s2  }
0x8f: {  	_ = 	snop  }
0x90: {  	(tm) =	ssettm $0x1  }
0x91: {  	s17 =	sld [smem:$0x3FFB];
	_ =	sdelay $0x3  }
0x92: {  	_ =	strace s17  }
0x93: {  	s2 =	sld [smem:$0x3FFC];
	_ =	sdelay $0x3  }
0x94: {  	_ =	strace s2  }
0x95: {  	s2 =	sld [smem:$0x3FFD];
	_ =	sdelay $0x3  }
0x96: {  	_ =	strace s2  }
0x97: {  	_ =	strace $0x8FFFFFFF  }
0x98: {  	s18 =	sld [smem:$0x3FDB];
	_ =	sdelay $0x1  }
0x99: {  	s19 =	simm.s32 $_scs_section_size  }
0x9a: {  	s4 =	simm.s32 $_size__tile_overlayer_lowered;
	s5 =	simm.s32 $_tile_overlayer_lowered  }
0x9b: {  	s22 =	simm.s32 $0x1BFF;
	s21 =	sshll.u32 s5, $0x1;
	s2 =	sadd.s32 s19, s18  }
0x9c: {  	s6 =	simm.s32 $0x0;
	s20 =	sshll.u32 s4, $0x1;
	s4 =	sadd.s32 s21, s2  }
0x9d: {  	[timem:s6], [sflag:s22] =	dma.local [hbm:s4], s20  }
0x9e: {  	_ =	swait.ge [sflag:s22], s20  }
0x9f: {  	s3 =	ssub.s32 $0x0, s20;
	[sflag:s22] =	ssyncset.done $0x0  }
0xa0: {  	[sflag:s22] =	ssyncadd.s32 s3;
	_ =	sdelay $0x1  }
0xa1: {  	s23 =	simm.s32 $0x1B8B  }
0xa2: {  	_ =	swait.ge [sflag:s23], $0x1  }
0xa3: {  	[sflag:s23] =	ssyncset.done $0x0  }
0xa4: {  	s25 =	simm.s32 $0x1B8E;
	s24 =	sld [smem:$0x3FFE];
	[sflag:s23] =	ssyncadd.s32 $0xFFFFFFFF  }
0xa5: {  	s26 =	simm.s32 $execute0_lowered;
	[smem:$0x3FD2] =	sst s25  }
0xa6: {  	s4 =	sshll.u32 s26, $0x1;
	_ =	strace $0x80000049;
	[dreg:$0x1] =	wrdreg $0xFFFFFFFF  }
0xa7: {  	s28 =	simm.s32 $_size_execute0_lowered;
	s2 =	sadd.s32 s2, s4;
	[dreg:$0x0] =	wrdreg $0x0  }
0xa8: {  	s4 =	sshll.u32 s28, $0x1;
	[dreg:$0x2] =	wrdreg s2  }
0xa9: {  	[dreg:$0x3] =	wrdreg s4  }
0xaa: {  	[dreg:$0x4] =	wrdreg $0xC0  }
0xab: {  	_ =	task [dreg:s6], $0x5FFFF  }
0xac: {  	[dreg:$0x1] =	wrdreg $0xFFFFFFFF  }
0xad: {  	[dreg:$0x0] =	wrdreg $0x60  }
0xae: {  	[dreg:$0x2] =	wrdreg s24  }
0xaf: {  	[dreg:$0x3] =	wrdreg $0x9  }
0xb0: {  	_ =	task.clear_ibuf [dreg:s6], $0x4FFFF;
	_ =	strace $0x90000049  }
0xb1: {  	s29 =	simm.s32 $0x9;
	_ =	strace $0x8000004B  }
0xb2: {  	_ =	swait.ge [sflag:s29], $0x1  }
0xb3: {  	[sflag:s29] =	ssyncadd.s32 $0xFFFFFFFF  }
0xb4: {  	_ =	strace $0x9000004B  }
0xb5: {  	_ =	sfence  }
0xb6: {  	s30 =	sld [smem:$0x0];
	_ =	sdelay $0x2  }
0xb7: {  	s31 =	sshll.u32 s1, $0xD;
	s1 =	sshrl.u32 s1, $0x2  }
0xb8: {  	s3 =	sand.u32 $0x4000, s31;
	s1 =	sadd.s32 s1, s30  }
0xb9: {  	s0 =	sor.u32 s3, s0;
	s1 =	sshll.u32 s1, $0x11  }
0xba: {  	s0 =	sor.u32 s1, s0  }
0xbb: {  	s0 =	sadd.s32 $0x8F2B, s0  }
0xbc: {  	[sflag:s0] =	ssyncadd.remote.s32 $0x1  }
0xbd: {  	_ =	sfence.sel $0xFFFF  }
0xbe: {  	[dreg:$0x0] =	wrdreg $0xFFFFFFFF;
	(pc) =	sbr.abs _section_cstart, $3  }
0xbf: {  	[dreg:$0x1] =	wrdreg $0xFFFFFFFF  }
0xc0: {  	_ =	task.clear_ibuf [dreg:s6], $0x2FFFF;
	_ =	strace $0x9FFFFFFF  }
0xc1: {  	(tm) =	ssettm $0x7FFFFFFF  }
tec
execute0_lowered:
.L_overlay_start_1:
0x0: {  	(tag) =	ssettag $0x1  }
0x1: {  	s1 =	srdreg.scid;
	s0 =	stileid.u32  }
0x2: {  	s6 =	sand.u32 $0x1, s1;
	s30 =	sshll.u32 s0, $0x1  }
0x3: {  	s8 =	rddreg [dreg:$0x0];
	s7 =	sor.u32 s6, s30  }
0x4: {  	s2 =	simm.s32 $0x0;
	s1 =	rddreg [dreg:$0x1];
	s3 =	smul.u32 $0x6, s7  }
0x5: {  	[smem:$0x7FF] =	sst s2;
	s5 =	sadd.s32 $0x1DD200, s8  }
0x6: {  	_ =	strace $0x8000004A;
	s10 =	ssub.s32 $0x2, s6;
	s3 =	sadd.s32 s3, s8  }
0x7: {  	s6 =	simm.s32 $0x30;
	s4 =	sadd.s32 $0x1DD000, s3;
	s3 =	simm.s32 $0x2  }
0x8: {  	[tilespmem:s2], [sflag:$0x2] =	stream.linear.gather [hbm4b:s4+s2], $0x30, $0x38;
	[tilespmem:$0xE130] =	vst v63  }
0x9: {  	s9 =	smul.u32 $0x1C20, s7;
	s11 =	sshrl.u32 s10, $0x1;
	_ =	swait.ge [sflag:s3], $0x30  }
0xa: {  	s7 =	simm.s32 $0x1;
	s31 =	ssub.s32 s10, s11;
	[sflag:s3] =	ssyncset.done $0x0  }
0xb: {  	s8 =	sadd.s32 s9, s8;
	s9 =	smax.u32 s31, $0x1;
	[sflag:s3] =	ssyncadd.s32 $0xFFFFFFD0  }
0xc: {  	[tilespmem:s6], [sflag:$0x1] =	stream.indirect.gather [hbm4b:s5+s6], $0x4B0, s2, s6, $0xb8;
	[tilespmem:$0xE130] =	vst v63  }
0xd: {  	p0 =	sne.s32 s9, $0x1;
	_ =	swait.ge [sflag:s7], $0xE100  }
.Ltmp0:
0xe: {  	[sflag:s7] =	ssyncset.done $0x0;
	(pc) =	sbr.rel @!p0 .LBB2_2-.Ltmp0, $4  }
0xf: {  	s8 =	sadd.s32 $0x8400, s8;
	[sflag:s7] =	ssyncadd.s32 $0xFFFF1F00  }
0x10: {  	[hbm4b:s8+s2] =	stream.linear.scatter [tilespmem:s6], [sflag:$0x2], $0xE100, $0x38;
	[tilespmem:$0xE130] =	vst v63  }
0x11: {  	_ =	swait.ge [sflag:s3], $0xE100  }
0x12: {  	s9 =	sadd.s32 $0xFFFFFFFF, s9;
	[sflag:s3] =	ssyncset.done $0x0  }
.LBB2_1:
0x13: {  	p0 =	sne.s32 s9, $0x1;
	s9 =	sadd.s32 $0xFFFFFFFF, s9;
	[sflag:s3] =	ssyncadd.s32 $0xFFFF1F00  }
0x14: {  	[tilespmem:s2], [sflag:$0x2] =	stream.linear.gather [hbm4b:s4+s2], $0x30, $0x38;
	[tilespmem:$0xE130] =	vst v63  }
0x15: {  	_ =	swait.ge [sflag:s3], $0x30  }
0x16: {  	[sflag:s3] =	ssyncset.done $0x0  }
0x17: {  	[sflag:s3] =	ssyncadd.s32 $0xFFFFFFD0  }
0x18: {  	[tilespmem:s6], [sflag:$0x1] =	stream.indirect.gather [hbm4b:s5+s6], $0x4B0, s2, s6, $0xb8;
	[tilespmem:$0xE130] =	vst v63  }
0x19: {  	_ =	swait.ge [sflag:s7], $0xE100  }
.Ltmp1:
0x1a: {  	[sflag:s7] =	ssyncset.done $0x0;
	(pc) =	sbr.rel @p0 .LBB2_1-.Ltmp1, $4  }
0x1b: {  	[sflag:s7] =	ssyncadd.s32 $0xFFFF1F00  }
0x1c: {  	[hbm4b:s8+s2] =	stream.linear.scatter [tilespmem:s6], [sflag:$0x2], $0xE100, $0x38;
	[tilespmem:$0xE130] =	vst v63  }
0x1d: {  	_ =	swait.ge [sflag:s3], $0xE100  }
0x1e: {  	[sflag:s3] =	ssyncset.done $0x0  }
.LBB2_2:
0x1f: {  	[sflag:s3] =	ssyncadd.s32 $0xFFFF1F00  }
0x20: {  	_ =	sfence.sel $0x180000  }
0x21: {  	[bflag:$0x0] =	sbarrier.arrive $0xFFFF  }
0x22: {  	p0 =	sne.s32 s0, $0x0;
	_ =	strace $0x9000004A  }
0x23: {  	s0 =	sadd.s32 @!p0 $0x100000, s1;
	[bflag:$0x2] =	sbarrier.arrive $0xFFFF  }
0x24: {  	[sflag:s0] =	ssyncadd.tile.s32 @!p0 $0x1;
	_ =	shalt  }
.Lfunc_end2:
_tile_overlayer_lowered:
.L_overlay_start_2:
0x25: {  	(tag) =	ssettag $0x2  }
0x26: {  	s0 =	rddreg [dreg:$0x0];
	s2 =	stileid.u32  }
0x27: {  	s1 =	rddreg [dreg:$0x1];
	p0 =	sne.s32 s2, $0x0  }
0x28: {  	s3 =	rddreg [dreg:$0x2];
	[bflag:$0x3] =	sbarrier.arrive $0xFFFF;
	s2 =	simm.s32 @!p0 $0x1C02  }
0x29: {  	[timem:s3], [sflag:s2] =	dma.local @!p0 [hbm:s0], s1  }
0x2a: {  	s0 =	simm.s32 @!p0 $0x2  }
0x2b: {  	_ =	swait.ge @!p0 [sflag:s0], s1  }
0x2c: {  	s1 =	ssub.s32 @!p0 $0x0, s1;
	[sflag:s0] =	ssyncset.done @!p0 $0x0  }
0x2d: {  	[sflag:s0] =	ssyncadd.s32 @!p0 s1  }
0x2e: {  	[bflag:$0x3] =	sbarrier.arrive $0xFFFF  }
0x2f: {  	_ =	shalt  }

// kernel: sparse-core-data-format-call.cloned.1.call-start
scs
called_computation_lowered:
.L_overlay_start_0:
0x0: {  	s2 =	sld [smem:$0x3FD9]  }
0x1: {  	s3 =	sld [smem:$0x3FFE];
	_ =	sdelay $0x1  }
0x2: {  	s1 =	srdreg.scid  }
0x3: {  	s0 =	sand.u32 $0x1, s1  }
0x4: {  	s18 =	sshll.u32 s0, $0xA;
	s2 =	sadd.s32 s3, s2  }
0x5: {  	s2 =	sadd.s32 s2, s18  }
0x6: {  	[smem:$0x3F91] =	sst s2  }
0x7: {  	_ = 	snop  }
0x8: {  	s2 =	sld [smem:$0x3F93];
	(tm) =	ssettm $0x1  }
0x9: {  	s19 =	sld [smem:$0x3FFB];
	_ =	sdelay $0x3  }
0xa: {  	_ =	strace s19  }
0xb: {  	s3 =	sld [smem:$0x3FFC];
	_ =	sdelay $0x3  }
0xc: {  	_ =	strace s3  }
0xd: {  	s3 =	sld [smem:$0x3FFD];
	_ =	sdelay $0x3  }
0xe: {  	_ =	strace s3  }
0xf: {  	_ =	strace $0x8FFFFFFF  }
0x10: {  	s20 =	sld [smem:$0x3FDB];
	_ =	sdelay $0x1  }
0x11: {  	s4 =	simm.s32 $_scs_section_size  }
0x12: {  	s5 =	simm.s32 $_size__tile_overlayer_lowered;
	s6 =	simm.s32 $_tile_overlayer_lowered  }
0x13: {  	s23 =	simm.s32 $0x1BFF;
	s22 =	sshll.u32 s6, $0x1;
	s3 =	sadd.s32 s4, s20  }
0x14: {  	s7 =	simm.s32 $0x0;
	s21 =	sshll.u32 s5, $0x1;
	s5 =	sadd.s32 s22, s3  }
0x15: {  	[timem:s7], [sflag:s23] =	dma.local [hbm:s5], s21  }
0x16: {  	_ =	swait.ge [sflag:s23], s21  }
0x17: {  	s4 =	ssub.s32 $0x0, s21;
	[sflag:s23] =	ssyncset.done $0x0  }
0x18: {  	[sflag:s23] =	ssyncadd.s32 s4;
	_ =	sdelay $0x1  }
0x19: {  	s24 =	simm.s32 $0x1B8B  }
0x1a: {  	_ =	swait.ge [sflag:s24], $0x1  }
0x1b: {  	[sflag:s24] =	ssyncset.done $0x0  }
0x1c: {  	s26 =	simm.s32 $0x1B8E;
	s25 =	sld [smem:$0x3FFE];
	[sflag:s24] =	ssyncadd.s32 $0xFFFFFFFF  }
0x1d: {  	s27 =	simm.s32 $execute0_lowered;
	[smem:$0x3FD2] =	sst s26  }
0x1e: {  	s5 =	sshll.u32 s27, $0x1;
	_ =	strace $0x80000046;
	[dreg:$0x1] =	wrdreg $0xFFFFFFFF  }
0x1f: {  	s28 =	simm.s32 $_size_execute0_lowered;
	s3 =	sadd.s32 s3, s5;
	[dreg:$0x0] =	wrdreg $0x0  }
0x20: {  	s5 =	sshll.u32 s28, $0x1;
	[dreg:$0x2] =	wrdreg s3  }
0x21: {  	[dreg:$0x3] =	wrdreg s5  }
0x22: {  	[dreg:$0x4] =	wrdreg $0xC0  }
0x23: {  	_ =	task [dreg:s7], $0x5FFFF  }
0x24: {  	[dreg:$0x1] =	wrdreg $0xFFFFFFFF  }
0x25: {  	[dreg:$0x0] =	wrdreg $0x60  }
0x26: {  	[dreg:$0x2] =	wrdreg s2  }
0x27: {  	[dreg:$0x3] =	wrdreg s25  }
0x28: {  	[dreg:$0x4] =	wrdreg $0x9  }
0x29: {  	_ =	task.clear_ibuf [dreg:s7], $0x5FFFF;
	_ =	strace $0x90000046  }
0x2a: {  	s29 =	simm.s32 $0x9;
	_ =	strace $0x80000048  }
0x2b: {  	_ =	swait.ge [sflag:s29], $0x1  }
0x2c: {  	[sflag:s29] =	ssyncadd.s32 $0xFFFFFFFF  }
0x2d: {  	_ =	strace $0x90000048  }
0x2e: {  	_ =	sfence  }
0x2f: {  	s30 =	sld [smem:$0x0];
	_ =	sdelay $0x2  }
0x30: {  	s31 =	sshll.u32 s1, $0xD;
	s1 =	sshrl.u32 s1, $0x2  }
0x31: {  	s3 =	sand.u32 $0x4000, s31;
	s1 =	sadd.s32 s1, s30  }
0x32: {  	s0 =	sor.u32 s3, s0;
	s1 =	sshll.u32 s1, $0x11  }
0x33: {  	s0 =	sor.u32 s1, s0  }
0x34: {  	s0 =	sadd.s32 $0x8F2B, s0  }
0x35: {  	[sflag:s0] =	ssyncadd.remote.s32 $0x1  }
0x36: {  	_ =	sfence.sel $0xFFFF  }
0x37: {  	[dreg:$0x0] =	wrdreg $0xFFFFFFFF;
	(pc) =	sbr.abs _section_cstart, $3  }
0x38: {  	[dreg:$0x1] =	wrdreg $0xFFFFFFFF  }
0x39: {  	_ =	task.clear_ibuf [dreg:s7], $0x2FFFF;
	_ =	strace $0x9FFFFFFF  }
0x3a: {  	(tm) =	ssettm $0x7FFFFFFF  }
0x3b: {  	_ =	shalt  }
tec
execute0_lowered:
.L_overlay_start_1:
0x0: {  	(tag) =	ssettag $0x1  }
0x1: {  	s0 =	srdreg.scid  }
0x2: {  	s0 =	sshll.u32 s0, $0x4  }
0x3: {  	s1 =	stileid.u32;
	s0 =	sand.u32 $0x10, s0  }
0x4: {  	s0 =	sor.u32 s1, s0  }
0x5: {  	s10 =	sshll.u32 s0, $0x7  }
0x6: {  	s29 =	rddreg [dreg:$0x1];
	s0 =	ssub.s32 $0x9C00, s10  }
0x7: {  	_ =	strace $0x80000047;
	s2 =	simm.s32 $0x1;
	s0 =	sshrl.u32 s0, $0xC  }
0x8: {  	s30 =	simm.s32 $0x2;
	s15 =	simm.s32 $0x0;
	s0 =	smul.u32 $0x3, s0  }
.Ltmp0:
0x9: {  	s14 =	simm.s32 $0x0;
	s1 =	sadd.s32 $0x8400, s29;
	(pc) =	sbr.rel .LBB1_1-.Ltmp0, $4  }
0xa: {  	s9 =	simm.s32 $0x0;
	s11 =	simm.s32 $0x0;
	[dreg:$0x4] =	wrdreg s1  }
0xb: {  	s12 =	simm.s32 $0x0;
	[dreg:$0x3] =	wrdreg s10;
	s31 =	sadd.s32 $0x3, s0  }
0xc: {  	[sflag:s2] =	ssyncpa.u1 $0x0;
	s8 =	sadd.s32 $0x4, s0;
	[dreg:$0x5] =	wrdreg s31  }
0xd: {  	s13 =	simm.s32 $0x0;
	[sflag:s30] =	ssyncpa.u1 $0x0;
	[dreg:$0x6] =	wrdreg s8  }
.LBB1_12:
0xe: {  	s9 =	rddreg [dreg:$0x7];
	s1 =	sshll.u32 s11, $0x3  }
0xf: {  	s26 =	sand.u32 $0x7F, s11;
	s5 =	rddreg [dreg:$0xb];
	s0 =	sshrl.u32 s9, $0x3  }
0x10: {  	s4 =	smov.u32 s11;
	s6 =	rddreg [dreg:$0xa];
	s0 =	smul.u32 $0xC00, s0  }
0x11: {  	s30 =	rddreg [dreg:$0x4];
	s1 =	sand.u32 $0xFFFFFC00, s1;
	s2 =	sshll.u32 s9, $0x7  }
0x12: {  	s31 =	simm.s32 $0xC00;
	s25 =	sand.u32 $0x380, s2;
	s0 =	sadd.s32 s1, s0  }
0x13: {  	p0 =	sgt.s32 s9, $0x9BC0;
	s2 =	smov.u32 s9;
	s0 =	sor.u32 s25, s0  }
0x14: {  	s2 =	simm.s32 @!p0 $0x9BC0;
	s1 =	sor.u32 s26, s0;
	s0 =	smulhi.u32 $0xAAAAAAAB, s0  }
0x15: {  	s8 =	rddreg [dreg:$0x6];
	p0 =	sgt.s32 s11, $0x100;
	s2 =	sadd.s32 s5, s2  }
0x16: {  	s4 =	simm.s32 @!p0 $0x100;
	s3 =	smulhi.u32 $0xAAAAAAAB, s1;
	s0 =	sshrl.u32 s0, $0x8  }
0x17: {  	s4 =	sadd.s32 s6, s4;
	s28 =	sadd.s32 $0xFFFF6440, s2;
	s27 =	smulhi.u32 $0x1A36E3, s0  }
0x18: {  	s2 =	ssub.s32 $0x9C40, s2;
	p0 =	sgt.s32 s28, $0x7F;
	s3 =	sshrl.u32 s3, $0x8  }
0x19: {  	s29 =	sadd.s32 $0xFFFFFF00, s4;
	s3 =	smul.u32 $0x180, s3;
	s5 =	sshrl.u32 s27, $0x4  }
0x1a: {  	s4 =	ssub.s32 $0x180, s4;
	p1 =	sgt.s32 s29, $0x7F;
	s5 =	smul.u32 $0x9C40, s5  }
0x1b: {  	s14 =	rddreg [dreg:$0x8];
	s2 =	simm.s32 @p0 $0x0;
	s4 =	simm.s32 @p1 $0x0  }
0x1c: {  	s2 =	smul.u32 s4, s2;
	s1 =	ssub.s32 s1, s3;
	s0 =	ssub.s32 s0, s5  }
0x1d: {  	s3 =	sshrl.u32 s1, $0x3;
	s1 =	sand.u32 $0x7, s1;
	s0 =	smul.u32 $0x30, s0  }
0x1e: {  	s15 =	rddreg [dreg:$0x9];
	s3 =	sadd.s32 s30, s3;
	s1 =	sshll.u32 s1, $0x12  }
0x1f: {  	s2 =	sand.u32 $0x3FFFFFFF, s2;
	s1 =	sor.u32 $0x400, s1;
	s0 =	sadd.s32 s0, s3  }
0x20: {  	[hbm4b:s0+s1] =	stream.strided.scatter [tilespmem:s17], [sflag:$0x2], s2, s31, s1, $0x20;
	[tilespmem:$0x10100] =	vst v63  }
.LBB1_13:
0x21: {  	p0 =	slt.u32 s13, $0x2  }
0x22: {  	s1 =	smov.u32 s15;
	s2 =	smov.u32 s14;
	p1 =	sgt.s32 @!p0 s15, $0x9BC0  }
0x23: {  	s0 =	sshra.s32 @!p0 s15, $0x1F;
	p2 =	sgt.s32 @!p0 s14, $0x100;
	s3 =	sshra.s32 @!p0 s14, $0x1F  }
0x24: {  	p1 =	por !p1, p0;
	s0 =	sand.u32 @!p0 s0, s15;
	p2 =	por !p2, p0  }
0x25: {  	s3 =	sand.u32 @!p0 s3, s14;
	s1 =	simm.s32 @p1 $0x9BC0;
	s2 =	simm.s32 @p2 $0x100  }
0x26: {  	s0 =	ssub.s32 @!p0 s1, s0;
	s1 =	ssub.s32 @!p0 s2, s3  }
0x27: {  	s2 =	sadd.s32 @!p0 $0xFFFF6440, s0;
	s3 =	sadd.s32 @!p0 $0xFFFFFF00, s1  }
0x28: {  	s0 =	ssub.s32 @!p0 $0x9C40, s0;
	p1 =	sgt.s32 @!p0 s2, $0x7F;
	p2 =	sgt.s32 @!p0 s3, $0x7F  }
0x29: {  	s1 =	ssub.s32 @!p0 $0x180, s1;
	p1 =	por !p1, p0;
	p2 =	por !p2, p0  }
0x2a: {  	s0 =	simm.s32 @!p1 $0x0;
	s1 =	simm.s32 @!p2 $0x0  }
0x2b: {  	s0 =	smul.u32 @!p0 s1, s0  }
0x2c: {  	s4 =	smov.u32 s12  }
0x2d: {  	s2 =	simm.s32 @!p0 $0x2;
	s1 =	sadd.s32 $0x1000, s10;
	s0 =	sand.u32 @!p0 $0x3FFFFFFF, s0  }
0x2e: {  	s3 =	sadd.s32 $0x80, s12;
	p1 =	sgt.s32 s1, $0x9C3F;
	_ =	swait.ge @!p0 [sflag:s2], s0  }
0x2f: {  	s4 =	smov.u32 @p1 s3;
	s3 =	rddreg [dreg:$0x3]  }
0x30: {  	s1 =	smov.u32 @p1 s3;
	p1 =	sgt.s32 s4, $0x12B  }
0x31: {  	s4 =	simm.s32 @p1 $0x0;
	p1 =	sne.s32 s13, s8  }
.Ltmp1:
0x32: {  	_ = 	snop;
	(pc) =	sbr.rel @!p1 .LBB1_14-.Ltmp1, $4  }
0x33: {  	s15 =	smov.u32 s9  }
0x34: {  	s14 =	smov.u32 s11;
	s0 =	ssub.s32 @!p0 $0x0, s0;
	[sflag:s2] =	ssyncset.done @!p0 $0x0  }
0x35: {  	s9 =	smov.u32 s10;
	s11 =	smov.u32 s12;
	[sflag:s2] =	ssyncadd.s32 @!p0 s0  }
0x36: {  	s13 =	sadd.s32 $0x1, s13;
	s10 =	smov.u32 s1;
	s12 =	smov.u32 s4  }
.LBB1_1:
0x37: {  	s0 =	rddreg [dreg:$0x5]  }
0x38: {  	p0 =	sge.u32 s13, s0  }
0x39: {  	s0 =	sshrl.u32 @!p0 s12, $0x3  }
0x3a: {  	s1 =	sshll.u32 @!p0 s10, $0x3;
	s0 =	smul.u32 @!p0 $0x4E400, s0  }
0x3b: {  	s2 =	sshll.u32 @!p0 s12, $0x7;
	s1 =	sand.u32 @!p0 $0xFFFFFC00, s1  }
0x3c: {  	s4 =	smov.u32 s10;
	s0 =	sadd.s32 @!p0 s0, s1;
	s1 =	sand.u32 @!p0 $0x380, s2  }
0x3d: {  	p1 =	sgt.s32 @!p0 s12, $0xB0;
	s3 =	sshra.s32 @!p0 s12, $0x1F;
	s0 =	sor.u32 @!p0 s1, s0  }
0x3e: {  	p1 =	por !p1, p0;
	s2 =	sand.u32 @!p0 $0x7F, s10;
	s1 =	sshrl.u32 @!p0 s0, $0x7  }
0x3f: {  	s0 =	sor.u32 @!p0 s2, s0;
	s2 =	smov.u32 s12;
	s1 =	smulhi.u32 @!p0 $0x1A2C2A9, s1  }
0x40: {  	s5 =	sshra.s32 @!p0 s10, $0x1F;
	s2 =	simm.s32 @p1 $0xB0;
	p1 =	sgt.s32 @!p0 s10, $0x9C00  }
0x41: {  	s3 =	sand.u32 @!p0 s3, s12;
	p1 =	por !p1, p0;
	s1 =	sshrl.u32 @!p0 s1, $0x1  }
0x42: {  	s5 =	sand.u32 @!p0 s5, s10;
	s4 =	simm.s32 @p1 $0x9C00;
	s6 =	smul.u32 @!p0 $0x9C80, s1  }
0x43: {  	s2 =	ssub.s32 @!p0 s2, s3;
	s3 =	ssub.s32 @!p0 s4, s5;
	s4 =	smulhi.u32 @!p0 $0xD79436, s1  }
0x44: {  	s5 =	sadd.s32 @!p0 $0xFFFFFF50, s2;
	s2 =	ssub.s32 @!p0 $0x130, s2;
	s7 =	sadd.s32 @!p0 $0xFFFF6400, s3  }
0x45: {  	p1 =	sgt.s32 @!p0 s5, $0x7F;
	s5 =	sxor.u32 @!p0 $0xFFFFFFFF, s13;
	s3 =	ssub.s32 @!p0 $0x9C80, s3  }
0x46: {  	s0 =	ssub.s32 @!p0 s0, s6;
	p2 =	sgt.s32 @!p0 s7, $0x7F;
	s4 =	smul.u32 @!p0 $0x130, s4  }
0x47: {  	p1 =	por !p1, p0;
	s5 =	sshll.u32 @!p0 s5, $0xE;
	p2 =	por !p2, p0  }
0x48: {  	s2 =	simm.s32 @!p1 $0x0;
	s5 =	sand.u32 @!p0 $0x4000, s5;
	s3 =	simm.s32 @!p2 $0x0  }
0x49: {  	s1 =	ssub.s32 @!p0 s1, s4;
	s4 =	rddreg [dreg:$0x0];
	s2 =	smul.u32 @!p0 s2, s3  }
0x4a: {  	s1 =	smul.u32 @!p0 $0x1390, s1;
	s3 =	sshrl.u32 @!p0 s0, $0x3;
	s0 =	sand.u32 @!p0 $0x7, s0  }
0x4b: {  	s3 =	sadd.s32 @!p0 s4, s3;
	s0 =	sshll.u32 @!p0 s0, $0x12;
	s2 =	sand.u32 @!p0 $0x3FFFFFFF, s2  }
0x4c: {  	s1 =	sadd.s32 @!p0 s1, s3;
	s0 =	sor.u32 @!p0 $0x400, s0;
	s3 =	simm.s32 @!p0 $0x4E400  }
0x4d: {  	[tilespmem:s5], [sflag:$0x1] =	stream.strided.gather @!p0 [hbm4b:s1+s0], s2, s3, s0, $0x38;
	[tilespmem:$0x10100] =	vst v63  }
0x4e: {  	p0 =	seq.s32 s13, $0x0  }
0x4f: {  	p1 =	sge.u32 @!p0 s13, s8  }
0x50: {  	p0 =	por p0, p1  }
.Ltmp2:
0x51: {  	_ = 	snop;
	(pc) =	sbr.rel @p0 .LBB1_13-.Ltmp2, $1  }
0x52: {  	_ =	sdelay $0x3  }
0x53: {  	s0 =	ssub.s32 $0x0, s11;
	s1 =	sshra.s32 s11, $0x1F;
	p0 =	sgt.s32 s11, $0xB0  }
0x54: {  	s2 =	smov.u32 s11;
	s25 =	ssub.s32 $0x0, s9;
	s26 =	sshra.s32 s9, $0x1F  }
0x55: {  	s3 =	smov.u32 s9;
	s2 =	simm.s32 @!p0 $0xB0;
	p0 =	sgt.s32 s9, $0x9C00  }
0x56: {  	s4 =	sand.u32 s0, s1;
	s1 =	sand.u32 s25, s26;
	s3 =	simm.s32 @!p0 $0x9C00  }
0x57: {  	s2 =	sadd.s32 s4, s2;
	[dreg:$0xb] =	wrdreg s1;
	s1 =	sadd.s32 s1, s3  }
0x58: {  	s27 =	sadd.s32 $0xFFFFFF50, s2;
	s2 =	ssub.s32 $0x130, s2;
	s28 =	sadd.s32 $0xFFFF6400, s1  }
0x59: {  	p0 =	sgt.s32 s27, $0x7F;
	s0 =	ssub.s32 $0x9C80, s1;
	p1 =	sgt.s32 s28, $0x7F  }
0x5a: {  	s2 =	simm.s32 @p0 $0x0;
	s0 =	simm.s32 @p1 $0x0  }
0x5b: {  	s29 =	smul.u32 s2, s0;
	s2 =	sadd.s32 $0x80, s11  }
0x5c: {  	p0 =	slt.s32 s2, $0x12C  }
0x5d: {  	s2 =	simm.s32 @!p0 $0x12C  }
0x5e: {  	[dreg:$0x9] =	wrdreg s15;
	s19 =	ssub.s32 s2, s11  }
0x5f: {  	[dreg:$0x8] =	wrdreg s14;
	p0 =	slt.s32 s19, $0x1  }
.Ltmp3:
0x60: {  	[dreg:$0x7] =	wrdreg s9;
	s30 =	simm.s32 $0x1;
	(pc) =	sbr.rel @p0 .LBB1_12-.Ltmp3, $4  }
0x61: {  	[dreg:$0xa] =	wrdreg s4;
	s0 =	sand.u32 $0x1, s13;
	s1 =	sand.u32 $0x3FFFFFFF, s29  }
0x62: {  	s31 =	smul.u32 $0x4080, s0;
	_ =	swait.ge [sflag:s30], s1  }
0x63: {  	s1 =	ssub.s32 $0x0, s1;
	[sflag:s30] =	ssyncset.done $0x0  }
0x64: {  	s17 =	sor.u32 $0x8000, s31;
	[sflag:s30] =	ssyncadd.s32 s1  }
0x65: {  	s2 =	rddreg [dreg:$0x7]  }
0x66: {  	s1 =	sadd.s32 $0x80, s2  }
0x67: {  	p0 =	slt.s32 s1, $0x9C40  }
.Ltmp4:
0x68: {  	s1 =	simm.s32 @!p0 $0x9C40;
	(pc) =	sbr.rel .LBB1_4-.Ltmp4, $4  }
0x69: {  	s22 =	sshll.u32 s0, $0xE;
	s1 =	ssub.s32 s1, s2  }
0x6a: {  	s24 =	simm.s32 $0x0;
	s25 =	simm.s32 $0x400;
	s1 =	sadd.s32 $0xF, s1  }
0x6b: {  	s20 =	sand.u32 $0xFFFFFFF0, s1;
	s21 =	sand.u32 $0xFFFFFF00, s1;
	s31 =	sshll.u32 s1, $0x3  }
0x6c: {  	p0 =	slt.s32 s1, $0x100;
	s23 =	sand.u32 $0xFFFFF800, s31;
	p1 =	sge.s32 s21, s20  }
.LBB1_11:
0x6d: {  	s24 =	sadd.s32 $0x1, s24  }
0x6e: {  	p2 =	sne.s32 s24, s19  }
.Ltmp5:
0x6f: {  	_ = 	snop;
	(pc) =	sbr.rel @!p2 .LBB1_12-.Ltmp5, $2  }
0x70: {  	_ =	sdelay $0x2  }
0x71: {  	s25 =	sadd.s32 $0x80, s25  }
.LBB1_4:
.Ltmp6:
0x72: {  	(pc) =	sbr.rel @p0 .LBB1_8-.Ltmp6, $2  }
0x73: {  	_ =	sdelay $0x2  }
0x74: {  	s26 =	sshll.u32 s24, $0x7;
	s27 =	sand.u32 $0x7F, s24  }
0x75: {  	s0 =	sshll.u32 s24, $0x3  }
0x76: {  	s5 =	sand.u32 $0x380, s26;
	s3 =	sshrl.u32 s0, $0x7  }
0x77: {  	s2 =	sadd.s32 $0x800, s0;
	s6 =	sadd.s32 $0x1000, s0;
	s18 =	sadd.s32 s5, s22  }
0x78: {  	s9 =	sadd.s32 $0x1800, s0;
	s16 =	sadd.s32 $0x2800, s0;
	s7 =	sadd.s32 $0x3000, s0  }
0x79: {  	s0 =	sadd.s32 $0x3800, s0;
	s1 =	sand.u32 $0x78, s3;
	s2 =	sshrl.u32 s2, $0x7  }
0x7a: {  	s8 =	sshrl.u32 s6, $0x7;
	s6 =	sshrl.u32 s9, $0x7;
	s9 =	sshrl.u32 s0, $0x7  }
0x7b: {  	v0 =	vmov s18;
	s18 =	sand.u32 $0x3C00, s25;
	s4 =	smul.u32 $0x204, s1;
	s2 =	sand.u32 $0x78, s2  }
0x7c: {  	s5 =	sand.u32 $0x78, s8;
	s14 =	sand.u32 $0x78, s6;
	s2 =	smul.u32 $0x204, s2  }
0x7d: {  	s1 =	sxor.u32 $0x40, s1;
	s8 =	sshrl.u32 s7, $0x7;
	s5 =	smul.u32 $0x204, s5  }
0x7e: {  	s7 =	sadd.s32 $0x30, s3;
	s1 =	smul.u32 $0x204, s1;
	s4 =	sshrl.u32 s4, $0x2  }
0x7f: {  	s4 =	sadd.s32 s4, s17;
	s2 =	sshrl.u32 s2, $0x2;
	s15 =	sshrl.u32 s5, $0x2  }
0x80: {  	s5 =	sshrl.u32 s16, $0x7;
	s1 =	sshrl.u32 s1, $0x2;
	s16 =	sadd.s32 $0x20, s3  }
0x81: {  	s2 =	sadd.s32 s2, s17;
	s28 =	sadd.s32 s27, s4;
	s4 =	sadd.s32 s15, s17  }
0x82: {  	s6 =	sadd.s32 s1, s17;
	s29 =	sadd.s32 s27, s2;
	s2 =	smul.u32 $0x204, s14  }
0x83: {  	s15 =	sadd.s32 $0x10, s3;
	s30 =	sadd.s32 s27, s4;
	s4 =	sand.u32 $0x78, s5  }
0x84: {  	s5 =	sand.u32 $0x78, s15;
	s4 =	smul.u32 $0x204, s4;
	s2 =	sshrl.u32 s2, $0x2  }
0x85: {  	s31 =	sadd.s32 s27, s6;
	s5 =	smul.u32 $0x204, s5;
	s2 =	sadd.s32 s2, s17  }
0x86: {  	s4 =	sshrl.u32 s4, $0x2;
	s1 =	sadd.s32 s27, s2;
	s2 =	sand.u32 $0x78, s8  }
0x87: {  	s14 =	sand.u32 $0x78, s9;
	s4 =	sadd.s32 s4, s17;
	s2 =	smul.u32 $0x204, s2  }
0x88: {  	s6 =	sand.u32 $0x78, s16;
	s5 =	sshrl.u32 s5, $0x2;
	s0 =	sadd.s32 s27, s4  }
0x89: {  	s4 =	smul.u32 $0x204, s14;
	s14 =	sadd.s32 $0x60, s3;
	s2 =	sshrl.u32 s2, $0x2  }
0x8a: {  	s5 =	sadd.s32 s5, s17;
	s14 =	sand.u32 $0x78, s14;
	s2 =	sadd.s32 s2, s17  }
0x8b: {  	s4 =	sshrl.u32 s4, $0x2;
	s14 =	smul.u32 $0x204, s14;
	s8 =	sadd.s32 s27, s2  }
0x8c: {  	s2 =	sadd.s32 s4, s17;
	s4 =	smul.u32 $0x204, s6;
	s6 =	sand.u32 $0x78, s7  }
0x8d: {  	s7 =	sadd.s32 $0x50, s3;
	s3 =	sadd.s32 $0x70, s3;
	s14 =	sshrl.u32 s14, $0x2  }
0x8e: {  	s6 =	smul.u32 $0x204, s6;
	s7 =	sand.u32 $0x78, s7;
	s3 =	sand.u32 $0x78, s3  }
0x8f: {  	v1 =	vld.idx.msk [tilespmem:v0+s18+$0x0 ss:$0x1], $0xffff;
	s14 =	sadd.s32 s14, s17;
	s4 =	sshrl.u32 s4, $0x2;
	s7 =	smul.u32 $0x204, s7  }
0x90: {  	s3 =	smul.u32 $0x204, s3;
	s6 =	sshrl.u32 s6, $0x2;
	s4 =	sadd.s32 s4, s17  }
0x91: {  	s15 =	sadd.s32 s6, s17;
	s6 =	sadd.s32 s27, s5;
	s5 =	sadd.s32 s27, s4  }
0x92: {  	s7 =	sshrl.u32 s7, $0x2;
	s3 =	sshrl.u32 s3, $0x2;
	s4 =	sadd.s32 s27, s15  }
0x93: {  	s7 =	sadd.s32 s7, s17;
	s9 =	sadd.s32 s3, s17;
	s15 =	sadd.s32 $0xFFFFFC00, s25  }
0x94: {  	[tilespmem:s28+$0x0 ss:$0x81] =	vst.msk $0xffff, v1;
	v1 =	vld.idx.msk [tilespmem:v0+s18+$0x20 ss:$0x1], $0xffff;
	s3 =	sadd.s32 s27, s7;
	s7 =	sadd.s32 s27, s14;
	s14 =	sand.u32 $0x3C00, s15  }
0x95: {  	v2 =	vld.idx.msk [tilespmem:v0+s14+$0x70 ss:$0x1], $0xffff  }
0x96: {  	v3 =	vld.idx.msk [tilespmem:v0+s14+$0x0 ss:$0x1], $0xffff  }
0x97: {  	v4 =	vld.idx.msk [tilespmem:v0+s14+$0x10 ss:$0x1], $0xffff  }
0x98: {  	v5 =	vld.idx.msk [tilespmem:v0+s14+$0x20 ss:$0x1], $0xffff  }
0x99: {  	s2 =	sadd.s32 s27, s2;
	v6 =	vld.idx.msk [tilespmem:v0+s14+$0x30 ss:$0x1], $0xffff  }
0x9a: {  	v7 =	vld.idx.msk [tilespmem:v0+s14+$0x40 ss:$0x1], $0xffff;
	[tilespmem:s2+$0x0 ss:$0x81] =	vst.msk $0xffff, v2  }
0x9b: {  	v8 =	vld.idx.msk [tilespmem:v0+s14+$0x50 ss:$0x1], $0xffff;
	[tilespmem:s28+$0x0 ss:$0x81] =	vst.msk $0xffff, v3  }
0x9c: {  	p2 =	sgt.s32 s21, $0x100;
	v9 =	vld.idx.msk [tilespmem:v0+s14+$0x60 ss:$0x1], $0xffff;
	[tilespmem:s29+$0x0 ss:$0x81] =	vst.msk $0xffff, v4  }
.Ltmp7:
0x9d: {  	v4 =	vld.idx.msk [tilespmem:v0+s18+$0x10 ss:$0x1], $0xffff;
	[tilespmem:s30+$0x0 ss:$0x81] =	vst.msk $0xffff, v5;
	(pc) =	sbr.rel @!p2 .LBB1_7-.Ltmp7, $4  }
0x9e: {  	[tilespmem:s1+$0x0 ss:$0x81] =	vst.msk $0xffff, v6;
	v2 =	vld.idx.msk [tilespmem:v0+s18+$0x30 ss:$0x1], $0xffff  }
0x9f: {  	[tilespmem:s31+$0x0 ss:$0x81] =	vst.msk $0xffff, v7;
	v3 =	vld.idx.msk [tilespmem:v0+s18+$0x40 ss:$0x1], $0xffff  }
0xa0: {  	[tilespmem:s0+$0x0 ss:$0x81] =	vst.msk $0xffff, v8;
	v5 =	vld.idx.msk [tilespmem:v0+s18+$0x50 ss:$0x1], $0xffff  }
0xa1: {  	s16 =	sadd.s32 s27, s9;
	s15 =	sadd.s32 $0x800, s25;
	s14 =	simm.s32 $0x100;
	[tilespmem:s8+$0x0 ss:$0x81] =	vst.msk $0xffff, v9;
	v6 =	vld.idx.msk [tilespmem:v0+s18+$0x60 ss:$0x1], $0xffff  }
.LBB1_6:
0xa2: {  	s9 =	sadd.s32 $0xFFFFFC00, s15;
	s14 =	sadd.s32 $0x100, s14;
	[tilespmem:s6+$0x0 ss:$0x81] =	vst.msk $0xffff, v4;
	v4 =	vld.idx.msk [tilespmem:v0+s18+$0x70 ss:$0x1], $0xffff;
	s18 =	sand.u32 $0x3C00, s15  }
0xa3: {  	s9 =	sand.u32 $0x3C00, s9;
	v7 =	vld.idx.msk [tilespmem:v0+s18+$0x0 ss:$0x1], $0xffff;
	p2 =	slt.s32 s14, s21;
	[tilespmem:s5+$0x0 ss:$0x81] =	vst.msk $0xffff, v1  }
0xa4: {  	v1 =	vld.idx.msk [tilespmem:v0+s9+$0x70 ss:$0x1], $0xffff;
	[tilespmem:s4+$0x0 ss:$0x81] =	vst.msk $0xffff, v2  }
0xa5: {  	v2 =	vld.idx.msk [tilespmem:v0+s9+$0x0 ss:$0x1], $0xffff;
	[tilespmem:s31+$0x0 ss:$0x81] =	vst.msk $0xffff, v3  }
0xa6: {  	v3 =	vld.idx.msk [tilespmem:v0+s9+$0x10 ss:$0x1], $0xffff;
	[tilespmem:s3+$0x0 ss:$0x81] =	vst.msk $0xffff, v5  }
0xa7: {  	v5 =	vld.idx.msk [tilespmem:v0+s9+$0x20 ss:$0x1], $0xffff;
	[tilespmem:s7+$0x0 ss:$0x81] =	vst.msk $0xffff, v6  }
0xa8: {  	v6 =	vld.idx.msk [tilespmem:v0+s9+$0x30 ss:$0x1], $0xffff;
	[tilespmem:s16+$0x0 ss:$0x81] =	vst.msk $0xffff, v4  }
0xa9: {  	v8 =	vld.idx.msk [tilespmem:v0+s9+$0x40 ss:$0x1], $0xffff;
	[tilespmem:s28+$0x0 ss:$0x81] =	vst.msk $0xffff, v7  }
0xaa: {  	v7 =	vld.idx.msk [tilespmem:v0+s9+$0x50 ss:$0x1], $0xffff;
	[tilespmem:s2+$0x0 ss:$0x81] =	vst.msk $0xffff, v1  }
0xab: {  	[tilespmem:s28+$0x0 ss:$0x81] =	vst.msk $0xffff, v2;
	v9 =	vld.idx.msk [tilespmem:v0+s9+$0x60 ss:$0x1], $0xffff  }
0xac: {  	[tilespmem:s29+$0x0 ss:$0x81] =	vst.msk $0xffff, v3;
	v4 =	vld.idx.msk [tilespmem:v0+s18+$0x10 ss:$0x1], $0xffff  }
.Ltmp8:
0xad: {  	[tilespmem:s30+$0x0 ss:$0x81] =	vst.msk $0xffff, v5;
	v1 =	vld.idx.msk [tilespmem:v0+s18+$0x20 ss:$0x1], $0xffff;
	(pc) =	sbr.rel @p2 .LBB1_6-.Ltmp8, $4  }
0xae: {  	[tilespmem:s1+$0x0 ss:$0x81] =	vst.msk $0xffff, v6;
	v2 =	vld.idx.msk [tilespmem:v0+s18+$0x30 ss:$0x1], $0xffff  }
0xaf: {  	[tilespmem:s31+$0x0 ss:$0x81] =	vst.msk $0xffff, v8;
	v3 =	vld.idx.msk [tilespmem:v0+s18+$0x40 ss:$0x1], $0xffff  }
0xb0: {  	[tilespmem:s0+$0x0 ss:$0x81] =	vst.msk $0xffff, v7;
	v5 =	vld.idx.msk [tilespmem:v0+s18+$0x50 ss:$0x1], $0xffff  }
0xb1: {  	s15 =	sadd.s32 $0x800, s15;
	[tilespmem:s8+$0x0 ss:$0x81] =	vst.msk $0xffff, v9;
	v6 =	vld.idx.msk [tilespmem:v0+s18+$0x60 ss:$0x1], $0xffff  }
.LBB1_7:
0xb2: {  	_ =	sdelay $0x2  }
0xb3: {  	[tilespmem:s6+$0x0 ss:$0x81] =	vst.msk $0xffff, v4  }
0xb4: {  	v0 =	vld.idx.msk [tilespmem:v0+s18+$0x70 ss:$0x1], $0xffff;
	[tilespmem:s5+$0x0 ss:$0x81] =	vst.msk $0xffff, v1  }
0xb5: {  	[tilespmem:s4+$0x0 ss:$0x81] =	vst.msk $0xffff, v2  }
0xb6: {  	[tilespmem:s31+$0x0 ss:$0x81] =	vst.msk $0xffff, v3  }
0xb7: {  	[tilespmem:s3+$0x0 ss:$0x81] =	vst.msk $0xffff, v5  }
0xb8: {  	[tilespmem:s7+$0x0 ss:$0x81] =	vst.msk $0xffff, v6  }
0xb9: {  	[tilespmem:s16+$0x0 ss:$0x81] =	vst.msk $0xffff, v0  }
.LBB1_8:
.Ltmp9:
0xba: {  	(pc) =	sbr.rel @p1 .LBB1_11-.Ltmp9, $1  }
0xbb: {  	_ =	sdelay $0x3  }
0xbc: {  	s1 =	sand.u32 $0x380, s26;
	s0 =	sshrl.u32 s24, $0x4;
	s2 =	sadd.s32 s27, s17  }
0xbd: {  	s3 =	smov.u32 s23;
	s4 =	smov.u32 s21;
	s1 =	sadd.s32 s1, s22  }
.LBB1_10:
0xbe: {  	s5 =	sand.u32 $0x3C00, s3  }
0xbf: {  	s5 =	sadd.s32 s26, s5  }
0xc0: {  	s5 =	sand.u32 $0x3C00, s5  }
0xc1: {  	s6 =	sand.u32 $0x70, s4;
	s30 =	sadd.s32 s4, s0;
	s5 =	sadd.s32 s5, s1  }
0xc2: {  	s4 =	sadd.s32 $0x10, s4;
	s31 =	sand.u32 $0x78, s30;
	s5 =	sadd.s32 s6, s5  }
0xc3: {  	p2 =	slt.s32 s4, s20;
	v0 =	vld [tilespmem:s5+$0x0];
	s5 =	smul.u32 $0x204, s31  }
.Ltmp10:
0xc4: {  	_ = 	snop;
	(pc) =	sbr.rel @p2 .LBB1_10-.Ltmp10, $4  }
0xc5: {  	_ = 	snop  }
0xc6: {  	s5 =	sshrl.u32 s5, $0x2  }
0xc7: {  	s5 =	sadd.s32 s5, s2  }
0xc8: {  	s3 =	sadd.s32 $0x80, s3;
	[tilespmem:s5+$0x0 ss:$0x81] =	vst.msk $0xffff, v0  }
.Ltmp11:
0xc9: {  	_ = 	snop;
	(pc) =	sbr.rel .LBB1_11-.Ltmp11, $1  }
0xca: {  	_ =	sdelay $0x3  }
.LBB1_14:
0xcb: {  	_ =	sfence.sel $0x180000  }
0xcc: {  	s0 =	simm.s32 $0x1;
	[bflag:$0x0] =	sbarrier.arrive $0xFFFF  }
0xcd: {  	s30 =	simm.s32 $0x2;
	[sflag:s0] =	ssyncpa.u1 $0x1  }
0xce: {  	[sflag:s30] =	ssyncpa.u1 $0x1  }
0xcf: {  	_ =	strace $0x90000047  }
0xd0: {  	s31 =	stileid.u32;
	[bflag:$0x2] =	sbarrier.arrive $0xFFFF  }
0xd1: {  	p0 =	sne.s32 s31, $0x0;
	s0 =	rddreg [dreg:$0x2]  }
0xd2: {  	s0 =	sadd.s32 @!p0 $0x100000, s0  }
0xd3: {  	[sflag:s0] =	ssyncadd.tile.s32 @!p0 $0x1;
	_ =	shalt  }
.Lfunc_end1:
_tile_overlayer_lowered:
.L_overlay_start_2:
0xd4: {  	(tag) =	ssettag $0x2  }
0xd5: {  	s0 =	rddreg [dreg:$0x0];
	s2 =	stileid.u32  }
0xd6: {  	s1 =	rddreg [dreg:$0x1];
	p0 =	sne.s32 s2, $0x0  }
0xd7: {  	s3 =	rddreg [dreg:$0x2];
	[bflag:$0x3] =	sbarrier.arrive $0xFFFF;
	s2 =	simm.s32 @!p0 $0x1C01  }
0xd8: {  	[timem:s3], [sflag:s2] =	dma.local @!p0 [hbm:s0], s1  }
0xd9: {  	s0 =	simm.s32 @!p0 $0x1  }
0xda: {  	_ =	swait.ge @!p0 [sflag:s0], s1  }
0xdb: {  	s1 =	ssub.s32 @!p0 $0x0, s1;
	[sflag:s0] =	ssyncset.done @!p0 $0x0  }
0xdc: {  	[sflag:s0] =	ssyncadd.s32 @!p0 s1  }
0xdd: {  	[bflag:$0x3] =	sbarrier.arrive $0xFFFF  }
0xde: {  	_ =	shalt  }

</sc_bundles>
